<compile_context>
chip_gen: v7x
topology: tpu7x:2x2x1
jax: 0.10.2.dev20260603
libtpu: 0.0.44.dev20260713+nightly
codegen_flags: <defaults>
</compile_context>

<pallas_src>
import functools

import jax
import jax.numpy as jnp
from jax import lax
from jax.experimental import pallas as pl
from jax.experimental.pallas import tpu as pltpu
from jax.experimental.pallas import tpu_sc as plsc

N_NODES = 10000
N_EDGES = 320000
D_FEAT = 128
D_EDGE = 16

NC = 2
NS = 16
NW = NC * NS
E_TILE = N_EDGES // NW
BATCH = 2000
CHUNK = 2000
B_PER_CHUNK = CHUNK // BATCH
N_CHUNKS = E_TILE // CHUNK
N_PAD = 10240
N_SLICE = N_PAD // NS


def _seg_sum_body(j_hbm, ea_hbm, zeros_hbm, out_hbm,
                  idx_v, col_v, rows_v, acc_sh, sem_stage, sem_scat):
    c = lax.axis_index("c")
    s = lax.axis_index("s")
    wid = s * NC + c
    base_e = wid * E_TILE

    lane16 = lax.broadcasted_iota(jnp.int32, (16,), 0)

    def stage(ch):
        for f in range(D_EDGE):
            pltpu.async_copy(
                ea_hbm.at[f].at[pl.ds(base_e + ch * CHUNK, CHUNK)],
                col_v.at[pl.ds(f * CHUNK, CHUNK)], sem_stage)

    def drain_stage():
        pltpu.make_async_copy(
            ea_hbm.at[0].at[pl.ds(0, D_EDGE * CHUNK)], col_v, sem_stage).wait()

    def drain_scat():
        pltpu.make_async_copy(
            out_hbm.at[0].at[pl.ds(0, CHUNK)],
            rows_v.at[pl.ds(0, CHUNK)], sem_scat).wait()

    stage(0)
    pltpu.sync_copy(zeros_hbm, acc_sh.at[pl.ds(s * N_SLICE, N_SLICE)])
    pltpu.sync_copy(j_hbm.at[pl.ds(base_e, E_TILE)], idx_v)
    plsc.subcore_barrier()

    def chunk_body(ch, _):
        p = lax.rem(ch, 2)
        @pl.when(ch >= 2)
        def _():
            drain_scat()

        drain_stage()

        for r in range(D_EDGE):
            fr = lax.rem(lane16 + r, D_EDGE)
            g0 = fr * CHUNK + lane16

            def xpose(q, carry, fr=fr):
                g_vec, e_vec = carry
                v = plsc.load_gather(col_v, [g_vec])
                plsc.store_scatter(rows_v, [e_vec, fr], v)
                return g_vec + 16, e_vec + 16

            lax.fori_loop(0, CHUNK // 16, xpose,
                          (g0, lane16 + p * CHUNK), unroll=4)

        @pl.when(ch < N_CHUNKS - 1)
        def _():
            stage(ch + 1)

        def scat(b, _):
            pltpu.async_copy(
                rows_v.at[pl.ds(p * CHUNK + b * BATCH, BATCH)],
                acc_sh.at[idx_v.at[pl.ds(ch * CHUNK + b * BATCH, BATCH)]],
                sem_scat, add=True)
            return ()

        lax.fori_loop(0, B_PER_CHUNK, scat, (), unroll=True)
        return ()

    lax.fori_loop(0, N_CHUNKS, chunk_body, ())
    drain_scat()
    drain_scat()
    plsc.subcore_barrier()
    pltpu.sync_copy(
        acc_sh.at[pl.ds(s * N_SLICE, N_SLICE)],
        out_hbm.at[c].at[pl.ds(s * N_SLICE, N_SLICE)],
    )


@functools.cache
def _seg_sum():
    return pl.kernel(
        _seg_sum_body,
        out_type=jax.ShapeDtypeStruct((NC, N_PAD, D_EDGE), jnp.float32),
        mesh=plsc.VectorSubcoreMesh(
            core_axis_name="c", subcore_axis_name="s",
            num_cores=NC, num_subcores=NS,
        ),
        scratch_types=[
            pltpu.VMEM((E_TILE,), jnp.int32),
            pltpu.VMEM((D_EDGE * CHUNK,), jnp.float32),
            pltpu.VMEM((2 * CHUNK, D_EDGE), jnp.float32),
            pltpu.VMEM_SHARED((N_PAD, D_EDGE), jnp.float32),
            pltpu.SemaphoreType.DMA,
            pltpu.SemaphoreType.DMA,
        ],
        compiler_params=pltpu.CompilerParams(
            use_tc_tiling_on_sc=False, needs_layout_passes=False
        ),
    )


def _mlp_body(x_ref, p_ref, w1x_ref, bd_ref, b1_ref, w2_ref, b2_ref,
              g_ref, bt_ref, o_ref):
    xb = x_ref[...]
    psum = p_ref[0] + p_ref[1]
    aggw = jnp.dot(psum, bd_ref[...],
                   preferred_element_type=jnp.float32)
    h = jnp.dot(xb, w1x_ref[...], preferred_element_type=jnp.float32)
    h = h + aggw.reshape(_BLK, 128)
    h = jnp.maximum(h + b1_ref[...], 0.0)
    h = jnp.dot(h, w2_ref[...], preferred_element_type=jnp.float32) + b2_ref[...]
    mean = jnp.mean(h, axis=1, keepdims=True)
    ctr = h - mean
    var = jnp.mean(ctr * ctr, axis=1, keepdims=True)
    o_ref[...] = xb + ctr * lax.rsqrt(var + 1e-5) * g_ref[...] + bt_ref[...]


_BLK = 1024


def _node_mlp(x, p128, w1x, bd, b1, w2, b2, gamma, beta):
    nblk = (N_NODES + _BLK - 1) // _BLK
    full = lambda shape: pl.BlockSpec(shape, lambda i: (0,) * len(shape))
    return pl.pallas_call(
        _mlp_body,
        grid=(nblk,),
        in_specs=[
            pl.BlockSpec((_BLK, D_FEAT), lambda i: (i, 0)),
            pl.BlockSpec((NC, _BLK // 8, 128), lambda i: (0, i, 0)),
            full((D_FEAT, 128)),
            full((128, 8 * 128)),
            full((1, 128)),
            full((128, 128)),
            full((1, 128)),
            full((1, 128)),
            full((1, 128)),
        ],
        out_specs=pl.BlockSpec((_BLK, D_FEAT), lambda i: (i, 0)),
        out_shape=jax.ShapeDtypeStruct((N_NODES, D_FEAT), jnp.float32),
    )(x, p128, w1x, bd, b1, w2, b2, gamma, beta)


def kernel(x, edge_index, edge_attr, W1, b1, W2, b2, gamma, beta):
    j = edge_index[1].astype(jnp.int32)
    ea_t = jnp.transpose(edge_attr)
    zeros = jnp.zeros((N_SLICE, D_EDGE), jnp.float32)
    partials = _seg_sum()(j, ea_t, zeros)
    p128 = partials.reshape(NC, N_PAD * D_EDGE // 128, 128)
    bd = jnp.kron(jnp.eye(8, dtype=jnp.float32), W1[D_FEAT:])
    return _node_mlp(
        x, p128, W1[:D_FEAT], bd, b1[None], W2, b2[None],
        gamma[None], beta[None],
    )

# --- scband reference (transcript-rebuilt; emitter-appended) ---
"""Pipeline reference for scband-node-processor-14731737825431 (READ-ONLY COPY).

The authoritative reference and input builder live on the scoring server;
editing this copy changes nothing except your own understanding.
"""

import jax, jax.numpy as jnp
import numpy as np

N_NODES = 10000
N_EDGES = 320000
D_FEAT = 128
D_EDGE = 16
HIDDEN = 128
OUT = 128
IN_DIM = D_FEAT + D_EDGE  # 144


def setup_inputs(seed: int = 0) -> dict:
    key = jax.random.key(seed)
    k1, k2, k3, k4, k5, k6, k7 = jax.random.split(key, 7)
    x = jax.random.normal(k1, (N_NODES, D_FEAT), dtype=jnp.float32)
    edge_index = jax.random.randint(k2, (2, N_EDGES), 0, N_NODES, dtype=jnp.int64)
    edge_attr = jax.random.normal(k3, (N_EDGES, D_EDGE), dtype=jnp.float32)
    W1 = jax.random.normal(k4, (IN_DIM, HIDDEN), dtype=jnp.float32) * (1.0 / np.sqrt(IN_DIM))
    b1 = jnp.zeros((HIDDEN,), dtype=jnp.float32)
    W2 = jax.random.normal(k5, (HIDDEN, OUT), dtype=jnp.float32) * (1.0 / np.sqrt(HIDDEN))
    b2 = jnp.zeros((OUT,), dtype=jnp.float32)
    gamma = jnp.ones((OUT,), dtype=jnp.float32)
    beta = jnp.zeros((OUT,), dtype=jnp.float32)
    return {"x": x, "edge_index": edge_index, "edge_attr": edge_attr,
            "W1": W1, "b1": b1, "W2": W2, "b2": b2,
            "gamma": gamma, "beta": beta}


def reference(x, edge_index, edge_attr, W1, b1, W2, b2, gamma, beta):
    # j = edge_index[1]; scatter-add edge_attr into per-node buckets
    j = edge_index[1]
    agg = jax.ops.segment_sum(edge_attr, j, num_segments=x.shape[0])
    # concat node features with aggregated edge features
    h = jnp.concatenate([x, agg], axis=-1)
    # MLP: Linear -> ReLU -> Linear
    h = jnp.maximum(h @ W1 + b1, 0.0)
    h = h @ W2 + b2
    # LayerNorm over last dim
    mean = jnp.mean(h, axis=-1, keepdims=True)
    var = jnp.var(h, axis=-1, keepdims=True)
    h = (h - mean) / jnp.sqrt(var + 1e-5) * gamma + beta
    # residual
    return x + h

if __name__ == "__main__":
    import jax
    _d = setup_inputs()
    print(jax.jit(kernel)(*tuple(_d.values())))

</pallas_src>

<mosaic_0001>
#map = affine_map<(d0, d1) -> (0)>
#map1 = affine_map<(d0, d1) -> (0, 0)>
#map2 = affine_map<(d0, d1) -> (0, 0, 0)>
module attributes {stable_mosaic.version = 14 : i64} {
  func.func @_seg_sum_body(%arg0: i32, %arg1: i32, %arg2: memref<320000xi32, #tpu.memory_space<hbm>>, %arg3: memref<16x320000xf32, #tpu.memory_space<hbm>>, %arg4: memref<640x16xf32, #tpu.memory_space<hbm>>, %arg5: memref<2x10240x16xf32, #tpu.memory_space<hbm>>, %arg6: memref<10000xi32, #tpu.memory_space<vmem>>, %arg7: memref<32000xf32, #tpu.memory_space<vmem>>, %arg8: memref<4000x16xf32, #tpu.memory_space<vmem>>, %arg9: memref<10240x16xf32, #tpu.memory_space<vmem_shared>>, %arg10: memref<!tpu.dma_semaphore, #tpu.memory_space<semaphore_mem>>, %arg11: memref<!tpu.dma_semaphore, #tpu.memory_space<semaphore_mem>>) attributes {dimension_semantics = [#tpu.dimension_semantics<core_parallel>, #tpu.dimension_semantics<subcore_parallel>], iteration_bounds = array<i64: 2, 16>, scalar_prefetch = 0 : i64, scratch_operands = 6 : i64, tpu.core_type = #tpu.core_type<sc_vector_subcore>, window_params = [{transform_indices = #map}, {transform_indices = #map1}, {transform_indices = #map1}, {transform_indices = #map2}]} {
    %mul3A = arith.constant 2 : i32
    %mul3A_0 = arith.muli %arg1, %mul3A : i32
    %add3A = arith.addi %mul3A_0, %arg0 : i32
    %mul3A_1 = arith.constant 10000 : i32
    %mul3A_2 = arith.muli %add3A, %mul3A_1 : i32
    %iota3A = tpu.iota {dimensions = array<i32: 0>} : vector<16xi32>
    %add3A_3 = arith.constant 0 : i32
    %add3A_4 = arith.addi %mul3A_2, %add3A_3 : i32
    %dma_start3A = arith.constant 0 : i32
    %dma_start3A_5 = arith.constant 0 : i32
    %dma_start3A_6 = tpu.memref_slice %arg7[%dma_start3A_5] : memref<32000xf32, #tpu.memory_space<vmem>> -> memref<2000xf32, #tpu.memory_space<vmem>>
    %dma_start3A_7 = arith.constant 0 : i32
    %dma_start3A_8 = tpu.memref_slice %arg3[%dma_start3A, %dma_start3A_7] : memref<16x320000xf32, #tpu.memory_space<hbm>> -> memref<1x320000xf32, #tpu.memory_space<hbm>>
    %dma_start3A_9 = tpu.memref_squeeze %dma_start3A_8 : memref<1x320000xf32, #tpu.memory_space<hbm>> -> memref<320000xf32, #tpu.memory_space<hbm>>
    %dma_start3A_10 = tpu.memref_slice %dma_start3A_9[%add3A_4] : memref<320000xf32, #tpu.memory_space<hbm>> -> memref<2000xf32, #tpu.memory_space<hbm>>
    %dma_start3A_11 = arith.constant 0 : i32
    %dma_start3A_12 = tpu.memref_slice %arg7[%dma_start3A_11] : memref<32000xf32, #tpu.memory_space<vmem>> -> memref<2000xf32, #tpu.memory_space<vmem>>
    %dma_start3A_13 = arith.constant 0 : i32
    %dma_start3A_14 = tpu.memref_slice %arg3[%dma_start3A, %dma_start3A_13] : memref<16x320000xf32, #tpu.memory_space<hbm>> -> memref<1x320000xf32, #tpu.memory_space<hbm>>
    %dma_start3A_15 = tpu.memref_squeeze %dma_start3A_14 : memref<1x320000xf32, #tpu.memory_space<hbm>> -> memref<320000xf32, #tpu.memory_space<hbm>>
    %dma_start3A_16 = tpu.memref_slice %dma_start3A_15[%add3A_4] : memref<320000xf32, #tpu.memory_space<hbm>> -> memref<2000xf32, #tpu.memory_space<hbm>>
    tpu.enqueue_dma source(%dma_start3A_16 : memref<2000xf32, #tpu.memory_space<hbm>>) target(%dma_start3A_12 : memref<2000xf32, #tpu.memory_space<vmem>>) target_semaphore(%arg10 : memref<!tpu.dma_semaphore, #tpu.memory_space<semaphore_mem>>)
    %add3A_17 = arith.constant 0 : i32
    %add3A_18 = arith.addi %mul3A_2, %add3A_17 : i32
    %dma_start3A_19 = arith.constant 1 : i32
    %dma_start3A_20 = arith.constant 2000 : i32
    %dma_start3A_21 = tpu.memref_slice %arg7[%dma_start3A_20] : memref<32000xf32, #tpu.memory_space<vmem>> -> memref<2000xf32, #tpu.memory_space<vmem>>
    %dma_start3A_22 = arith.constant 0 : i32
    %dma_start3A_23 = tpu.memref_slice %arg3[%dma_start3A_19, %dma_start3A_22] : memref<16x320000xf32, #tpu.memory_space<hbm>> -> memref<1x320000xf32, #tpu.memory_space<hbm>>
    %dma_start3A_24 = tpu.memref_squeeze %dma_start3A_23 : memref<1x320000xf32, #tpu.memory_space<hbm>> -> memref<320000xf32, #tpu.memory_space<hbm>>
    %dma_start3A_25 = tpu.memref_slice %dma_start3A_24[%add3A_18] : memref<320000xf32, #tpu.memory_space<hbm>> -> memref<2000xf32, #tpu.memory_space<hbm>>
    %dma_start3A_26 = arith.constant 2000 : i32
    %dma_start3A_27 = tpu.memref_slice %arg7[%dma_start3A_26] : memref<32000xf32, #tpu.memory_space<vmem>> -> memref<2000xf32, #tpu.memory_space<vmem>>
    %dma_start3A_28 = arith.constant 0 : i32
    %dma_start3A_29 = tpu.memref_slice %arg3[%dma_start3A_19, %dma_start3A_28] : memref<16x320000xf32, #tpu.memory_space<hbm>> -> memref<1x320000xf32, #tpu.memory_space<hbm>>
    %dma_start3A_30 = tpu.memref_squeeze %dma_start3A_29 : memref<1x320000xf32, #tpu.memory_space<hbm>> -> memref<320000xf32, #tpu.memory_space<hbm>>
    %dma_start3A_31 = tpu.memref_slice %dma_start3A_30[%add3A_18] : memref<320000xf32, #tpu.memory_space<hbm>> -> memref<2000xf32, #tpu.memory_space<hbm>>
    tpu.enqueue_dma source(%dma_start3A_31 : memref<2000xf32, #tpu.memory_space<hbm>>) target(%dma_start3A_27 : memref<2000xf32, #tpu.memory_space<vmem>>) target_semaphore(%arg10 : memref<!tpu.dma_semaphore, #tpu.memory_space<semaphore_mem>>)
    %add3A_32 = arith.constant 0 : i32
    %add3A_33 = arith.addi %mul3A_2, %add3A_32 : i32
    %dma_start3A_34 = arith.constant 2 : i32
    %dma_start3A_35 = arith.constant 4000 : i32
    %dma_start3A_36 = tpu.memref_slice %arg7[%dma_start3A_35] : memref<32000xf32, #tpu.memory_space<vmem>> -> memref<2000xf32, #tpu.memory_space<vmem>>
    %dma_start3A_37 = arith.constant 0 : i32
    %dma_start3A_38 = tpu.memref_slice %arg3[%dma_start3A_34, %dma_start3A_37] : memref<16x320000xf32, #tpu.memory_space<hbm>> -> memref<1x320000xf32, #tpu.memory_space<hbm>>
    %dma_start3A_39 = tpu.memref_squeeze %dma_start3A_38 : memref<1x320000xf32, #tpu.memory_space<hbm>> -> memref<320000xf32, #tpu.memory_space<hbm>>
    %dma_start3A_40 = tpu.memref_slice %dma_start3A_39[%add3A_33] : memref<320000xf32, #tpu.memory_space<hbm>> -> memref<2000xf32, #tpu.memory_space<hbm>>
    %dma_start3A_41 = arith.constant 4000 : i32
    %dma_start3A_42 = tpu.memref_slice %arg7[%dma_start3A_41] : memref<32000xf32, #tpu.memory_space<vmem>> -> memref<2000xf32, #tpu.memory_space<vmem>>
    %dma_start3A_43 = arith.constant 0 : i32
    %dma_start3A_44 = tpu.memref_slice %arg3[%dma_start3A_34, %dma_start3A_43] : memref<16x320000xf32, #tpu.memory_space<hbm>> -> memref<1x320000xf32, #tpu.memory_space<hbm>>
    %dma_start3A_45 = tpu.memref_squeeze %dma_start3A_44 : memref<1x320000xf32, #tpu.memory_space<hbm>> -> memref<320000xf32, #tpu.memory_space<hbm>>
    %dma_start3A_46 = tpu.memref_slice %dma_start3A_45[%add3A_33] : memref<320000xf32, #tpu.memory_space<hbm>> -> memref<2000xf32, #tpu.memory_space<hbm>>
    tpu.enqueue_dma source(%dma_start3A_46 : memref<2000xf32, #tpu.memory_space<hbm>>) target(%dma_start3A_42 : memref<2000xf32, #tpu.memory_space<vmem>>) target_semaphore(%arg10 : memref<!tpu.dma_semaphore, #tpu.memory_space<semaphore_mem>>)
    %add3A_47 = arith.constant 0 : i32
    %add3A_48 = arith.addi %mul3A_2, %add3A_47 : i32
    %dma_start3A_49 = arith.constant 3 : i32
    %dma_start3A_50 = arith.constant 6000 : i32
    %dma_start3A_51 = tpu.memref_slice %arg7[%dma_start3A_50] : memref<32000xf32, #tpu.memory_space<vmem>> -> memref<2000xf32, #tpu.memory_space<vmem>>
    %dma_start3A_52 = arith.constant 0 : i32
    %dma_start3A_53 = tpu.memref_slice %arg3[%dma_start3A_49, %dma_start3A_52] : memref<16x320000xf32, #tpu.memory_space<hbm>> -> memref<1x320000xf32, #tpu.memory_space<hbm>>
    %dma_start3A_54 = tpu.memref_squeeze %dma_start3A_53 : memref<1x320000xf32, #tpu.memory_space<hbm>> -> memref<320000xf32, #tpu.memory_space<hbm>>
    %dma_start3A_55 = tpu.memref_slice %dma_start3A_54[%add3A_48] : memref<320000xf32, #tpu.memory_space<hbm>> -> memref<2000xf32, #tpu.memory_space<hbm>>
    %dma_start3A_56 = arith.constant 6000 : i32
    %dma_start3A_57 = tpu.memref_slice %arg7[%dma_start3A_56] : memref<32000xf32, #tpu.memory_space<vmem>> -> memref<2000xf32, #tpu.memory_space<vmem>>
    %dma_start3A_58 = arith.constant 0 : i32
    %dma_start3A_59 = tpu.memref_slice %arg3[%dma_start3A_49, %dma_start3A_58] : memref<16x320000xf32, #tpu.memory_space<hbm>> -> memref<1x320000xf32, #tpu.memory_space<hbm>>
    %dma_start3A_60 = tpu.memref_squeeze %dma_start3A_59 : memref<1x320000xf32, #tpu.memory_space<hbm>> -> memref<320000xf32, #tpu.memory_space<hbm>>
    %dma_start3A_61 = tpu.memref_slice %dma_start3A_60[%add3A_48] : memref<320000xf32, #tpu.memory_space<hbm>> -> memref<2000xf32, #tpu.memory_space<hbm>>
    tpu.enqueue_dma source(%dma_start3A_61 : memref<2000xf32, #tpu.memory_space<hbm>>) target(%dma_start3A_57 : memref<2000xf32, #tpu.memory_space<vmem>>) target_semaphore(%arg10 : memref<!tpu.dma_semaphore, #tpu.memory_space<semaphore_mem>>)
    %add3A_62 = arith.constant 0 : i32
    %add3A_63 = arith.addi %mul3A_2, %add3A_62 : i32
    %dma_start3A_64 = arith.constant 4 : i32
    %dma_start3A_65 = arith.constant 8000 : i32
    %dma_start3A_66 = tpu.memref_slice %arg7[%dma_start3A_65] : memref<32000xf32, #tpu.memory_space<vmem>> -> memref<2000xf32, #tpu.memory_space<vmem>>
    %dma_start3A_67 = arith.constant 0 : i32
    %dma_start3A_68 = tpu.memref_slice %arg3[%dma_start3A_64, %dma_start3A_67] : memref<16x320000xf32, #tpu.memory_space<hbm>> -> memref<1x320000xf32, #tpu.memory_space<hbm>>
    %dma_start3A_69 = tpu.memref_squeeze %dma_start3A_68 : memref<1x320000xf32, #tpu.memory_space<hbm>> -> memref<320000xf32, #tpu.memory_space<hbm>>
    %dma_start3A_70 = tpu.memref_slice %dma_start3A_69[%add3A_63] : memref<320000xf32, #tpu.memory_space<hbm>> -> memref<2000xf32, #tpu.memory_space<hbm>>
    %dma_start3A_71 = arith.constant 8000 : i32
    %dma_start3A_72 = tpu.memref_slice %arg7[%dma_start3A_71] : memref<32000xf32, #tpu.memory_space<vmem>> -> memref<2000xf32, #tpu.memory_space<vmem>>
    %dma_start3A_73 = arith.constant 0 : i32
    %dma_start3A_74 = tpu.memref_slice %arg3[%dma_start3A_64, %dma_start3A_73] : memref<16x320000xf32, #tpu.memory_space<hbm>> -> memref<1x320000xf32, #tpu.memory_space<hbm>>
    %dma_start3A_75 = tpu.memref_squeeze %dma_start3A_74 : memref<1x320000xf32, #tpu.memory_space<hbm>> -> memref<320000xf32, #tpu.memory_space<hbm>>
    %dma_start3A_76 = tpu.memref_slice %dma_start3A_75[%add3A_63] : memref<320000xf32, #tpu.memory_space<hbm>> -> memref<2000xf32, #tpu.memory_space<hbm>>
    tpu.enqueue_dma source(%dma_start3A_76 : memref<2000xf32, #tpu.memory_space<hbm>>) target(%dma_start3A_72 : memref<2000xf32, #tpu.memory_space<vmem>>) target_semaphore(%arg10 : memref<!tpu.dma_semaphore, #tpu.memory_space<semaphore_mem>>)
    %add3A_77 = arith.constant 0 : i32
    %add3A_78 = arith.addi %mul3A_2, %add3A_77 : i32
    %dma_start3A_79 = arith.constant 5 : i32
    %dma_start3A_80 = arith.constant 10000 : i32
    %dma_start3A_81 = tpu.memref_slice %arg7[%dma_start3A_80] : memref<32000xf32, #tpu.memory_space<vmem>> -> memref<2000xf32, #tpu.memory_space<vmem>>
    %dma_start3A_82 = arith.constant 0 : i32
    %dma_start3A_83 = tpu.memref_slice %arg3[%dma_start3A_79, %dma_start3A_82] : memref<16x320000xf32, #tpu.memory_space<hbm>> -> memref<1x320000xf32, #tpu.memory_space<hbm>>
    %dma_start3A_84 = tpu.memref_squeeze %dma_start3A_83 : memref<1x320000xf32, #tpu.memory_space<hbm>> -> memref<320000xf32, #tpu.memory_space<hbm>>
    %dma_start3A_85 = tpu.memref_slice %dma_start3A_84[%add3A_78] : memref<320000xf32, #tpu.memory_space<hbm>> -> memref<2000xf32, #tpu.memory_space<hbm>>
    %dma_start3A_86 = arith.constant 10000 : i32
    %dma_start3A_87 = tpu.memref_slice %arg7[%dma_start3A_86] : memref<32000xf32, #tpu.memory_space<vmem>> -> memref<2000xf32, #tpu.memory_space<vmem>>
    %dma_start3A_88 = arith.constant 0 : i32
    %dma_start3A_89 = tpu.memref_slice %arg3[%dma_start3A_79, %dma_start3A_88] : memref<16x320000xf32, #tpu.memory_space<hbm>> -> memref<1x320000xf32, #tpu.memory_space<hbm>>
    %dma_start3A_90 = tpu.memref_squeeze %dma_start3A_89 : memref<1x320000xf32, #tpu.memory_space<hbm>> -> memref<320000xf32, #tpu.memory_space<hbm>>
    %dma_start3A_91 = tpu.memref_slice %dma_start3A_90[%add3A_78] : memref<320000xf32, #tpu.memory_space<hbm>> -> memref<2000xf32, #tpu.memory_space<hbm>>
    tpu.enqueue_dma source(%dma_start3A_91 : memref<2000xf32, #tpu.memory_space<hbm>>) target(%dma_start3A_87 : memref<2000xf32, #tpu.memory_space<vmem>>) target_semaphore(%arg10 : memref<!tpu.dma_semaphore, #tpu.memory_space<semaphore_mem>>)
    %add3A_92 = arith.constant 0 : i32
    %add3A_93 = arith.addi %mul3A_2, %add3A_92 : i32
    %dma_start3A_94 = arith.constant 6 : i32
    %dma_start3A_95 = arith.constant 12000 : i32
    %dma_start3A_96 = tpu.memref_slice %arg7[%dma_start3A_95] : memref<32000xf32, #tpu.memory_space<vmem>> -> memref<2000xf32, #tpu.memory_space<vmem>>
    %dma_start3A_97 = arith.constant 0 : i32
    %dma_start3A_98 = tpu.memref_slice %arg3[%dma_start3A_94, %dma_start3A_97] : memref<16x320000xf32, #tpu.memory_space<hbm>> -> memref<1x320000xf32, #tpu.memory_space<hbm>>
    %dma_start3A_99 = tpu.memref_squeeze %dma_start3A_98 : memref<1x320000xf32, #tpu.memory_space<hbm>> -> memref<320000xf32, #tpu.memory_space<hbm>>
    %dma_start3A_100 = tpu.memref_slice %dma_start3A_99[%add3A_93] : memref<320000xf32, #tpu.memory_space<hbm>> -> memref<2000xf32, #tpu.memory_space<hbm>>
    %dma_start3A_101 = arith.constant 12000 : i32
    %dma_start3A_102 = tpu.memref_slice %arg7[%dma_start3A_101] : memref<32000xf32, #tpu.memory_space<vmem>> -> memref<2000xf32, #tpu.memory_space<vmem>>
    %dma_start3A_103 = arith.constant 0 : i32
    %dma_start3A_104 = tpu.memref_slice %arg3[%dma_start3A_94, %dma_start3A_103] : memref<16x320000xf32, #tpu.memory_space<hbm>> -> memref<1x320000xf32, #tpu.memory_space<hbm>>
    %dma_start3A_105 = tpu.memref_squeeze %dma_start3A_104 : memref<1x320000xf32, #tpu.memory_space<hbm>> -> memref<320000xf32, #tpu.memory_space<hbm>>
    %dma_start3A_106 = tpu.memref_slice %dma_start3A_105[%add3A_93] : memref<320000xf32, #tpu.memory_space<hbm>> -> memref<2000xf32, #tpu.memory_space<hbm>>
    tpu.enqueue_dma source(%dma_start3A_106 : memref<2000xf32, #tpu.memory_space<hbm>>) target(%dma_start3A_102 : memref<2000xf32, #tpu.memory_space<vmem>>) target_semaphore(%arg10 : memref<!tpu.dma_semaphore, #tpu.memory_space<semaphore_mem>>)
    %add3A_107 = arith.constant 0 : i32
    %add3A_108 = arith.addi %mul3A_2, %add3A_107 : i32
    %dma_start3A_109 = arith.constant 7 : i32
    %dma_start3A_110 = arith.constant 14000 : i32
    %dma_start3A_111 = tpu.memref_slice %arg7[%dma_start3A_110] : memref<32000xf32, #tpu.memory_space<vmem>> -> memref<2000xf32, #tpu.memory_space<vmem>>
    %dma_start3A_112 = arith.constant 0 : i32
    %dma_start3A_113 = tpu.memref_slice %arg3[%dma_start3A_109, %dma_start3A_112] : memref<16x320000xf32, #tpu.memory_space<hbm>> -> memref<1x320000xf32, #tpu.memory_space<hbm>>
    %dma_start3A_114 = tpu.memref_squeeze %dma_start3A_113 : memref<1x320000xf32, #tpu.memory_space<hbm>> -> memref<320000xf32, #tpu.memory_space<hbm>>
    %dma_start3A_115 = tpu.memref_slice %dma_start3A_114[%add3A_108] : memref<320000xf32, #tpu.memory_space<hbm>> -> memref<2000xf32, #tpu.memory_space<hbm>>
    %dma_start3A_116 = arith.constant 14000 : i32
    %dma_start3A_117 = tpu.memref_slice %arg7[%dma_start3A_116] : memref<32000xf32, #tpu.memory_space<vmem>> -> memref<2000xf32, #tpu.memory_space<vmem>>
    %dma_start3A_118 = arith.constant 0 : i32
    %dma_start3A_119 = tpu.memref_slice %arg3[%dma_start3A_109, %dma_start3A_118] : memref<16x320000xf32, #tpu.memory_space<hbm>> -> memref<1x320000xf32, #tpu.memory_space<hbm>>
    %dma_start3A_120 = tpu.memref_squeeze %dma_start3A_119 : memref<1x320000xf32, #tpu.memory_space<hbm>> -> memref<320000xf32, #tpu.memory_space<hbm>>
    %dma_start3A_121 = tpu.memref_slice %dma_start3A_120[%add3A_108] : memref<320000xf32, #tpu.memory_space<hbm>> -> memref<2000xf32, #tpu.memory_space<hbm>>
    tpu.enqueue_dma source(%dma_start3A_121 : memref<2000xf32, #tpu.memory_space<hbm>>) target(%dma_start3A_117 : memref<2000xf32, #tpu.memory_space<vmem>>) target_semaphore(%arg10 : memref<!tpu.dma_semaphore, #tpu.memory_space<semaphore_mem>>)
    %add3A_122 = arith.constant 0 : i32
    %add3A_123 = arith.addi %mul3A_2, %add3A_122 : i32
    %dma_start3A_124 = arith.constant 8 : i32
    %dma_start3A_125 = arith.constant 16000 : i32
    %dma_start3A_126 = tpu.memref_slice %arg7[%dma_start3A_125] : memref<32000xf32, #tpu.memory_space<vmem>> -> memref<2000xf32, #tpu.memory_space<vmem>>
    %dma_start3A_127 = arith.constant 0 : i32
    %dma_start3A_128 = tpu.memref_slice %arg3[%dma_start3A_124, %dma_start3A_127] : memref<16x320000xf32, #tpu.memory_space<hbm>> -> memref<1x320000xf32, #tpu.memory_space<hbm>>
    %dma_start3A_129 = tpu.memref_squeeze %dma_start3A_128 : memref<1x320000xf32, #tpu.memory_space<hbm>> -> memref<320000xf32, #tpu.memory_space<hbm>>
    %dma_start3A_130 = tpu.memref_slice %dma_start3A_129[%add3A_123] : memref<320000xf32, #tpu.memory_space<hbm>> -> memref<2000xf32, #tpu.memory_space<hbm>>
    %dma_start3A_131 = arith.constant 16000 : i32
    %dma_start3A_132 = tpu.memref_slice %arg7[%dma_start3A_131] : memref<32000xf32, #tpu.memory_space<vmem>> -> memref<2000xf32, #tpu.memory_space<vmem>>
    %dma_start3A_133 = arith.constant 0 : i32
    %dma_start3A_134 = tpu.memref_slice %arg3[%dma_start3A_124, %dma_start3A_133] : memref<16x320000xf32, #tpu.memory_space<hbm>> -> memref<1x320000xf32, #tpu.memory_space<hbm>>
    %dma_start3A_135 = tpu.memref_squeeze %dma_start3A_134 : memref<1x320000xf32, #tpu.memory_space<hbm>> -> memref<320000xf32, #tpu.memory_space<hbm>>
    %dma_start3A_136 = tpu.memref_slice %dma_start3A_135[%add3A_123] : memref<320000xf32, #tpu.memory_space<hbm>> -> memref<2000xf32, #tpu.memory_space<hbm>>
    tpu.enqueue_dma source(%dma_start3A_136 : memref<2000xf32, #tpu.memory_space<hbm>>) target(%dma_start3A_132 : memref<2000xf32, #tpu.memory_space<vmem>>) target_semaphore(%arg10 : memref<!tpu.dma_semaphore, #tpu.memory_space<semaphore_mem>>)
    %add3A_137 = arith.constant 0 : i32
    %add3A_138 = arith.addi %mul3A_2, %add3A_137 : i32
    %dma_start3A_139 = arith.constant 9 : i32
    %dma_start3A_140 = arith.constant 18000 : i32
    %dma_start3A_141 = tpu.memref_slice %arg7[%dma_start3A_140] : memref<32000xf32, #tpu.memory_space<vmem>> -> memref<2000xf32, #tpu.memory_space<vmem>>
    %dma_start3A_142 = arith.constant 0 : i32
    %dma_start3A_143 = tpu.memref_slice %arg3[%dma_start3A_139, %dma_start3A_142] : memref<16x320000xf32, #tpu.memory_space<hbm>> -> memref<1x320000xf32, #tpu.memory_space<hbm>>
    %dma_start3A_144 = tpu.memref_squeeze %dma_start3A_143 : memref<1x320000xf32, #tpu.memory_space<hbm>> -> memref<320000xf32, #tpu.memory_space<hbm>>
    %dma_start3A_145 = tpu.memref_slice %dma_start3A_144[%add3A_138] : memref<320000xf32, #tpu.memory_space<hbm>> -> memref<2000xf32, #tpu.memory_space<hbm>>
    %dma_start3A_146 = arith.constant 18000 : i32
    %dma_start3A_147 = tpu.memref_slice %arg7[%dma_start3A_146] : memref<32000xf32, #tpu.memory_space<vmem>> -> memref<2000xf32, #tpu.memory_space<vmem>>
    %dma_start3A_148 = arith.constant 0 : i32
    %dma_start3A_149 = tpu.memref_slice %arg3[%dma_start3A_139, %dma_start3A_148] : memref<16x320000xf32, #tpu.memory_space<hbm>> -> memref<1x320000xf32, #tpu.memory_space<hbm>>
    %dma_start3A_150 = tpu.memref_squeeze %dma_start3A_149 : memref<1x320000xf32, #tpu.memory_space<hbm>> -> memref<320000xf32, #tpu.memory_space<hbm>>
    %dma_start3A_151 = tpu.memref_slice %dma_start3A_150[%add3A_138] : memref<320000xf32, #tpu.memory_space<hbm>> -> memref<2000xf32, #tpu.memory_space<hbm>>
    tpu.enqueue_dma source(%dma_start3A_151 : memref<2000xf32, #tpu.memory_space<hbm>>) target(%dma_start3A_147 : memref<2000xf32, #tpu.memory_space<vmem>>) target_semaphore(%arg10 : memref<!tpu.dma_semaphore, #tpu.memory_space<semaphore_mem>>)
    %add3A_152 = arith.constant 0 : i32
    %add3A_153 = arith.addi %mul3A_2, %add3A_152 : i32
    %dma_start3A_154 = arith.constant 10 : i32
    %dma_start3A_155 = arith.constant 20000 : i32
    %dma_start3A_156 = tpu.memref_slice %arg7[%dma_start3A_155] : memref<32000xf32, #tpu.memory_space<vmem>> -> memref<2000xf32, #tpu.memory_space<vmem>>
    %dma_start3A_157 = arith.constant 0 : i32
    %dma_start3A_158 = tpu.memref_slice %arg3[%dma_start3A_154, %dma_start3A_157] : memref<16x320000xf32, #tpu.memory_space<hbm>> -> memref<1x320000xf32, #tpu.memory_space<hbm>>
    %dma_start3A_159 = tpu.memref_squeeze %dma_start3A_158 : memref<1x320000xf32, #tpu.memory_space<hbm>> -> memref<320000xf32, #tpu.memory_space<hbm>>
    %dma_start3A_160 = tpu.memref_slice %dma_start3A_159[%add3A_153] : memref<320000xf32, #tpu.memory_space<hbm>> -> memref<2000xf32, #tpu.memory_space<hbm>>
    %dma_start3A_161 = arith.constant 20000 : i32
    %dma_start3A_162 = tpu.memref_slice %arg7[%dma_start3A_161] : memref<32000xf32, #tpu.memory_space<vmem>> -> memref<2000xf32, #tpu.memory_space<vmem>>
    %dma_start3A_163 = arith.constant 0 : i32
    %dma_start3A_164 = tpu.memref_slice %arg3[%dma_start3A_154, %dma_start3A_163] : memref<16x320000xf32, #tpu.memory_space<hbm>> -> memref<1x320000xf32, #tpu.memory_space<hbm>>
    %dma_start3A_165 = tpu.memref_squeeze %dma_start3A_164 : memref<1x320000xf32, #tpu.memory_space<hbm>> -> memref<320000xf32, #tpu.memory_space<hbm>>
    %dma_start3A_166 = tpu.memref_slice %dma_start3A_165[%add3A_153] : memref<320000xf32, #tpu.memory_space<hbm>> -> memref<2000xf32, #tpu.memory_space<hbm>>
    tpu.enqueue_dma source(%dma_start3A_166 : memref<2000xf32, #tpu.memory_space<hbm>>) target(%dma_start3A_162 : memref<2000xf32, #tpu.memory_space<vmem>>) target_semaphore(%arg10 : memref<!tpu.dma_semaphore, #tpu.memory_space<semaphore_mem>>)
    %add3A_167 = arith.constant 0 : i32
    %add3A_168 = arith.addi %mul3A_2, %add3A_167 : i32
    %dma_start3A_169 = arith.constant 11 : i32
    %dma_start3A_170 = arith.constant 22000 : i32
    %dma_start3A_171 = tpu.memref_slice %arg7[%dma_start3A_170] : memref<32000xf32, #tpu.memory_space<vmem>> -> memref<2000xf32, #tpu.memory_space<vmem>>
    %dma_start3A_172 = arith.constant 0 : i32
    %dma_start3A_173 = tpu.memref_slice %arg3[%dma_start3A_169, %dma_start3A_172] : memref<16x320000xf32, #tpu.memory_space<hbm>> -> memref<1x320000xf32, #tpu.memory_space<hbm>>
    %dma_start3A_174 = tpu.memref_squeeze %dma_start3A_173 : memref<1x320000xf32, #tpu.memory_space<hbm>> -> memref<320000xf32, #tpu.memory_space<hbm>>
    %dma_start3A_175 = tpu.memref_slice %dma_start3A_174[%add3A_168] : memref<320000xf32, #tpu.memory_space<hbm>> -> memref<2000xf32, #tpu.memory_space<hbm>>
    %dma_start3A_176 = arith.constant 22000 : i32
    %dma_start3A_177 = tpu.memref_slice %arg7[%dma_start3A_176] : memref<32000xf32, #tpu.memory_space<vmem>> -> memref<2000xf32, #tpu.memory_space<vmem>>
    %dma_start3A_178 = arith.constant 0 : i32
    %dma_start3A_179 = tpu.memref_slice %arg3[%dma_start3A_169, %dma_start3A_178] : memref<16x320000xf32, #tpu.memory_space<hbm>> -> memref<1x320000xf32, #tpu.memory_space<hbm>>
    %dma_start3A_180 = tpu.memref_squeeze %dma_start3A_179 : memref<1x320000xf32, #tpu.memory_space<hbm>> -> memref<320000xf32, #tpu.memory_space<hbm>>
    %dma_start3A_181 = tpu.memref_slice %dma_start3A_180[%add3A_168] : memref<320000xf32, #tpu.memory_space<hbm>> -> memref<2000xf32, #tpu.memory_space<hbm>>
    tpu.enqueue_dma source(%dma_start3A_181 : memref<2000xf32, #tpu.memory_space<hbm>>) target(%dma_start3A_177 : memref<2000xf32, #tpu.memory_space<vmem>>) target_semaphore(%arg10 : memref<!tpu.dma_semaphore, #tpu.memory_space<semaphore_mem>>)
    %add3A_182 = arith.constant 0 : i32
    %add3A_183 = arith.addi %mul3A_2, %add3A_182 : i32
    %dma_start3A_184 = arith.constant 12 : i32
    %dma_start3A_185 = arith.constant 24000 : i32
    %dma_start3A_186 = tpu.memref_slice %arg7[%dma_start3A_185] : memref<32000xf32, #tpu.memory_space<vmem>> -> memref<2000xf32, #tpu.memory_space<vmem>>
    %dma_start3A_187 = arith.constant 0 : i32
    %dma_start3A_188 = tpu.memref_slice %arg3[%dma_start3A_184, %dma_start3A_187] : memref<16x320000xf32, #tpu.memory_space<hbm>> -> memref<1x320000xf32, #tpu.memory_space<hbm>>
    %dma_start3A_189 = tpu.memref_squeeze %dma_start3A_188 : memref<1x320000xf32, #tpu.memory_space<hbm>> -> memref<320000xf32, #tpu.memory_space<hbm>>
    %dma_start3A_190 = tpu.memref_slice %dma_start3A_189[%add3A_183] : memref<320000xf32, #tpu.memory_space<hbm>> -> memref<2000xf32, #tpu.memory_space<hbm>>
    %dma_start3A_191 = arith.constant 24000 : i32
    %dma_start3A_192 = tpu.memref_slice %arg7[%dma_start3A_191] : memref<32000xf32, #tpu.memory_space<vmem>> -> memref<2000xf32, #tpu.memory_space<vmem>>
    %dma_start3A_193 = arith.constant 0 : i32
    %dma_start3A_194 = tpu.memref_slice %arg3[%dma_start3A_184, %dma_start3A_193] : memref<16x320000xf32, #tpu.memory_space<hbm>> -> memref<1x320000xf32, #tpu.memory_space<hbm>>
    %dma_start3A_195 = tpu.memref_squeeze %dma_start3A_194 : memref<1x320000xf32, #tpu.memory_space<hbm>> -> memref<320000xf32, #tpu.memory_space<hbm>>
    %dma_start3A_196 = tpu.memref_slice %dma_start3A_195[%add3A_183] : memref<320000xf32, #tpu.memory_space<hbm>> -> memref<2000xf32, #tpu.memory_space<hbm>>
    tpu.enqueue_dma source(%dma_start3A_196 : memref<2000xf32, #tpu.memory_space<hbm>>) target(%dma_start3A_192 : memref<2000xf32, #tpu.memory_space<vmem>>) target_semaphore(%arg10 : memref<!tpu.dma_semaphore, #tpu.memory_space<semaphore_mem>>)
    %add3A_197 = arith.constant 0 : i32
    %add3A_198 = arith.addi %mul3A_2, %add3A_197 : i32
    %dma_start3A_199 = arith.constant 13 : i32
    %dma_start3A_200 = arith.constant 26000 : i32
    %dma_start3A_201 = tpu.memref_slice %arg7[%dma_start3A_200] : memref<32000xf32, #tpu.memory_space<vmem>> -> memref<2000xf32, #tpu.memory_space<vmem>>
    %dma_start3A_202 = arith.constant 0 : i32
    %dma_start3A_203 = tpu.memref_slice %arg3[%dma_start3A_199, %dma_start3A_202] : memref<16x320000xf32, #tpu.memory_space<hbm>> -> memref<1x320000xf32, #tpu.memory_space<hbm>>
    %dma_start3A_204 = tpu.memref_squeeze %dma_start3A_203 : memref<1x320000xf32, #tpu.memory_space<hbm>> -> memref<320000xf32, #tpu.memory_space<hbm>>
    %dma_start3A_205 = tpu.memref_slice %dma_start3A_204[%add3A_198] : memref<320000xf32, #tpu.memory_space<hbm>> -> memref<2000xf32, #tpu.memory_space<hbm>>
    %dma_start3A_206 = arith.constant 26000 : i32
    %dma_start3A_207 = tpu.memref_slice %arg7[%dma_start3A_206] : memref<32000xf32, #tpu.memory_space<vmem>> -> memref<2000xf32, #tpu.memory_space<vmem>>
    %dma_start3A_208 = arith.constant 0 : i32
    %dma_start3A_209 = tpu.memref_slice %arg3[%dma_start3A_199, %dma_start3A_208] : memref<16x320000xf32, #tpu.memory_space<hbm>> -> memref<1x320000xf32, #tpu.memory_space<hbm>>
    %dma_start3A_210 = tpu.memref_squeeze %dma_start3A_209 : memref<1x320000xf32, #tpu.memory_space<hbm>> -> memref<320000xf32, #tpu.memory_space<hbm>>
    %dma_start3A_211 = tpu.memref_slice %dma_start3A_210[%add3A_198] : memref<320000xf32, #tpu.memory_space<hbm>> -> memref<2000xf32, #tpu.memory_space<hbm>>
    tpu.enqueue_dma source(%dma_start3A_211 : memref<2000xf32, #tpu.memory_space<hbm>>) target(%dma_start3A_207 : memref<2000xf32, #tpu.memory_space<vmem>>) target_semaphore(%arg10 : memref<!tpu.dma_semaphore, #tpu.memory_space<semaphore_mem>>)
    %add3A_212 = arith.constant 0 : i32
    %add3A_213 = arith.addi %mul3A_2, %add3A_212 : i32
    %dma_start3A_214 = arith.constant 14 : i32
    %dma_start3A_215 = arith.constant 28000 : i32
    %dma_start3A_216 = tpu.memref_slice %arg7[%dma_start3A_215] : memref<32000xf32, #tpu.memory_space<vmem>> -> memref<2000xf32, #tpu.memory_space<vmem>>
    %dma_start3A_217 = arith.constant 0 : i32
    %dma_start3A_218 = tpu.memref_slice %arg3[%dma_start3A_214, %dma_start3A_217] : memref<16x320000xf32, #tpu.memory_space<hbm>> -> memref<1x320000xf32, #tpu.memory_space<hbm>>
    %dma_start3A_219 = tpu.memref_squeeze %dma_start3A_218 : memref<1x320000xf32, #tpu.memory_space<hbm>> -> memref<320000xf32, #tpu.memory_space<hbm>>
    %dma_start3A_220 = tpu.memref_slice %dma_start3A_219[%add3A_213] : memref<320000xf32, #tpu.memory_space<hbm>> -> memref<2000xf32, #tpu.memory_space<hbm>>
    %dma_start3A_221 = arith.constant 28000 : i32
    %dma_start3A_222 = tpu.memref_slice %arg7[%dma_start3A_221] : memref<32000xf32, #tpu.memory_space<vmem>> -> memref<2000xf32, #tpu.memory_space<vmem>>
    %dma_start3A_223 = arith.constant 0 : i32
    %dma_start3A_224 = tpu.memref_slice %arg3[%dma_start3A_214, %dma_start3A_223] : memref<16x320000xf32, #tpu.memory_space<hbm>> -> memref<1x320000xf32, #tpu.memory_space<hbm>>
    %dma_start3A_225 = tpu.memref_squeeze %dma_start3A_224 : memref<1x320000xf32, #tpu.memory_space<hbm>> -> memref<320000xf32, #tpu.memory_space<hbm>>
    %dma_start3A_226 = tpu.memref_slice %dma_start3A_225[%add3A_213] : memref<320000xf32, #tpu.memory_space<hbm>> -> memref<2000xf32, #tpu.memory_space<hbm>>
    tpu.enqueue_dma source(%dma_start3A_226 : memref<2000xf32, #tpu.memory_space<hbm>>) target(%dma_start3A_222 : memref<2000xf32, #tpu.memory_space<vmem>>) target_semaphore(%arg10 : memref<!tpu.dma_semaphore, #tpu.memory_space<semaphore_mem>>)
    %add3A_227 = arith.constant 0 : i32
    %add3A_228 = arith.addi %mul3A_2, %add3A_227 : i32
    %dma_start3A_229 = arith.constant 15 : i32
    %dma_start3A_230 = arith.constant 30000 : i32
    %dma_start3A_231 = tpu.memref_slice %arg7[%dma_start3A_230] : memref<32000xf32, #tpu.memory_space<vmem>> -> memref<2000xf32, #tpu.memory_space<vmem>>
    %dma_start3A_232 = arith.constant 0 : i32
    %dma_start3A_233 = tpu.memref_slice %arg3[%dma_start3A_229, %dma_start3A_232] : memref<16x320000xf32, #tpu.memory_space<hbm>> -> memref<1x320000xf32, #tpu.memory_space<hbm>>
    %dma_start3A_234 = tpu.memref_squeeze %dma_start3A_233 : memref<1x320000xf32, #tpu.memory_space<hbm>> -> memref<320000xf32, #tpu.memory_space<hbm>>
    %dma_start3A_235 = tpu.memref_slice %dma_start3A_234[%add3A_228] : memref<320000xf32, #tpu.memory_space<hbm>> -> memref<2000xf32, #tpu.memory_space<hbm>>
    %dma_start3A_236 = arith.constant 30000 : i32
    %dma_start3A_237 = tpu.memref_slice %arg7[%dma_start3A_236] : memref<32000xf32, #tpu.memory_space<vmem>> -> memref<2000xf32, #tpu.memory_space<vmem>>
    %dma_start3A_238 = arith.constant 0 : i32
    %dma_start3A_239 = tpu.memref_slice %arg3[%dma_start3A_229, %dma_start3A_238] : memref<16x320000xf32, #tpu.memory_space<hbm>> -> memref<1x320000xf32, #tpu.memory_space<hbm>>
    %dma_start3A_240 = tpu.memref_squeeze %dma_start3A_239 : memref<1x320000xf32, #tpu.memory_space<hbm>> -> memref<320000xf32, #tpu.memory_space<hbm>>
    %dma_start3A_241 = tpu.memref_slice %dma_start3A_240[%add3A_228] : memref<320000xf32, #tpu.memory_space<hbm>> -> memref<2000xf32, #tpu.memory_space<hbm>>
    tpu.enqueue_dma source(%dma_start3A_241 : memref<2000xf32, #tpu.memory_space<hbm>>) target(%dma_start3A_237 : memref<2000xf32, #tpu.memory_space<vmem>>) target_semaphore(%arg10 : memref<!tpu.dma_semaphore, #tpu.memory_space<semaphore_mem>>)
    %mul3A_242 = arith.constant 640 : i32
    %mul3A_243 = arith.muli %arg1, %mul3A_242 : i32
    "tpu.region"() ({
      %run_scoped3A = tpu.sem_alloc : memref<!tpu.dma_semaphore, #tpu.memory_space<semaphore_mem>>
      %dma_start3A_294 = arith.constant 0 : i32
      %dma_start3A_295 = tpu.memref_slice %arg9[%mul3A_243, %dma_start3A_294] : memref<10240x16xf32, #tpu.memory_space<vmem_shared>> -> memref<640x16xf32, #tpu.memory_space<vmem_shared>>
      tpu.enqueue_dma source(%arg4 : memref<640x16xf32, #tpu.memory_space<hbm>>) target(%dma_start3A_295 : memref<640x16xf32, #tpu.memory_space<vmem_shared>>) target_semaphore(%run_scoped3A : memref<!tpu.dma_semaphore, #tpu.memory_space<semaphore_mem>>)
      %dma_wait3A_296 = arith.constant 0 : i32
      %dma_wait3A_297 = tpu.memref_slice %arg9[%mul3A_243, %dma_wait3A_296] : memref<10240x16xf32, #tpu.memory_space<vmem_shared>> -> memref<640x16xf32, #tpu.memory_space<vmem_shared>>
      tpu.wait_dma2 semaphore(%run_scoped3A : memref<!tpu.dma_semaphore, #tpu.memory_space<semaphore_mem>>) src(%arg4 : memref<640x16xf32, #tpu.memory_space<hbm>>) dst(%dma_wait3A_297 : memref<640x16xf32, #tpu.memory_space<vmem_shared>>)
      tpu.yield
    }) : () -> ()
    "tpu.region"() ({
      %run_scoped3A = tpu.sem_alloc : memref<!tpu.dma_semaphore, #tpu.memory_space<semaphore_mem>>
      %dma_start3A_294 = tpu.memref_slice %arg2[%mul3A_2] : memref<320000xi32, #tpu.memory_space<hbm>> -> memref<10000xi32, #tpu.memory_space<hbm>>
      %dma_start3A_295 = tpu.memref_slice %arg2[%mul3A_2] : memref<320000xi32, #tpu.memory_space<hbm>> -> memref<10000xi32, #tpu.memory_space<hbm>>
      tpu.enqueue_dma source(%dma_start3A_295 : memref<10000xi32, #tpu.memory_space<hbm>>) target(%arg6 : memref<10000xi32, #tpu.memory_space<vmem>>) target_semaphore(%run_scoped3A : memref<!tpu.dma_semaphore, #tpu.memory_space<semaphore_mem>>)
      %dma_wait3A_296 = tpu.memref_slice %arg2[%mul3A_2] : memref<320000xi32, #tpu.memory_space<hbm>> -> memref<10000xi32, #tpu.memory_space<hbm>>
      %dma_wait3A_297 = tpu.memref_slice %arg2[%mul3A_2] : memref<320000xi32, #tpu.memory_space<hbm>> -> memref<10000xi32, #tpu.memory_space<hbm>>
      tpu.wait_dma2 semaphore(%run_scoped3A : memref<!tpu.dma_semaphore, #tpu.memory_space<semaphore_mem>>) src(%dma_wait3A_297 : memref<10000xi32, #tpu.memory_space<hbm>>) dst(%arg6 : memref<10000xi32, #tpu.memory_space<vmem>>)
      tpu.yield
    }) : () -> ()
    %barrier3A = arith.constant 0 : index
    tpu.barrier barrier_id(%barrier3A)
    %scan3A = arith.constant 0 : i32
    %scan3A_244 = arith.constant 5 : i32
    %scan3A_245 = arith.addi %scan3A, %scan3A_244 : i32
    %scan3A_246 = arith.constant 1 : i32
    scf.for %scan3A_294 = %scan3A to %scan3A_245 step %scan3A_246  : i32 {
      %rem3A = arith.constant 2 : i32
      %rem3A_295 = arith.remsi %scan3A_294, %rem3A : i32
      %ge3A = arith.constant 2 : i32
      %ge3A_296 = arith.cmpi sge, %scan3A_294, %ge3A : i32
      %convert_element_type3A = arith.extui %ge3A_296 : i1 to i32
      %cond3A = arith.constant 0 : i32
      %cond3A_297 = arith.cmpi ne, %convert_element_type3A, %cond3A : i32
      scf.if %cond3A_297 {
        %dma_wait3A_794 = arith.constant 0 : i32
        %dma_wait3A_795 = arith.constant 0 : i32
        %dma_wait3A_796 = arith.constant 0 : i32
        %dma_wait3A_797 = tpu.memref_slice %arg8[%dma_wait3A_795, %dma_wait3A_796] : memref<4000x16xf32, #tpu.memory_space<vmem>> -> memref<2000x16xf32, #tpu.memory_space<vmem>>
        %dma_wait3A_798 = arith.constant 0 : i32
        %dma_wait3A_799 = arith.constant 0 : i32
        %dma_wait3A_800 = tpu.memref_slice %arg5[%dma_wait3A_794, %dma_wait3A_798, %dma_wait3A_799] : memref<2x10240x16xf32, #tpu.memory_space<hbm>> -> memref<1x10240x16xf32, #tpu.memory_space<hbm>>
        %dma_wait3A_801 = tpu.memref_squeeze %dma_wait3A_800 : memref<1x10240x16xf32, #tpu.memory_space<hbm>> -> memref<10240x16xf32, #tpu.memory_space<hbm>>
        %dma_wait3A_802 = arith.constant 0 : i32
        %dma_wait3A_803 = arith.constant 0 : i32
        %dma_wait3A_804 = tpu.memref_slice %dma_wait3A_801[%dma_wait3A_802, %dma_wait3A_803] : memref<10240x16xf32, #tpu.memory_space<hbm>> -> memref<2000x16xf32, #tpu.memory_space<hbm>>
        %dma_wait3A_805 = arith.constant 0 : i32
        %dma_wait3A_806 = arith.constant 0 : i32
        %dma_wait3A_807 = tpu.memref_slice %arg8[%dma_wait3A_805, %dma_wait3A_806] : memref<4000x16xf32, #tpu.memory_space<vmem>> -> memref<2000x16xf32, #tpu.memory_space<vmem>>
        %dma_wait3A_808 = arith.constant 0 : i32
        %dma_wait3A_809 = arith.constant 0 : i32
        %dma_wait3A_810 = tpu.memref_slice %arg5[%dma_wait3A_794, %dma_wait3A_808, %dma_wait3A_809] : memref<2x10240x16xf32, #tpu.memory_space<hbm>> -> memref<1x10240x16xf32, #tpu.memory_space<hbm>>
        %dma_wait3A_811 = tpu.memref_squeeze %dma_wait3A_810 : memref<1x10240x16xf32, #tpu.memory_space<hbm>> -> memref<10240x16xf32, #tpu.memory_space<hbm>>
        %dma_wait3A_812 = arith.constant 0 : i32
        %dma_wait3A_813 = arith.constant 0 : i32
        %dma_wait3A_814 = tpu.memref_slice %dma_wait3A_811[%dma_wait3A_812, %dma_wait3A_813] : memref<10240x16xf32, #tpu.memory_space<hbm>> -> memref<2000x16xf32, #tpu.memory_space<hbm>>
        tpu.wait_dma2 semaphore(%arg11 : memref<!tpu.dma_semaphore, #tpu.memory_space<semaphore_mem>>) src(%dma_wait3A_814 : memref<2000x16xf32, #tpu.memory_space<hbm>>) dst(%dma_wait3A_807 : memref<2000x16xf32, #tpu.memory_space<vmem>>)
      } else {
      }
      %dma_wait3A_298 = arith.constant 0 : i32
      %dma_wait3A_299 = arith.constant 0 : i32
      %dma_wait3A_300 = tpu.memref_slice %arg3[%dma_wait3A_298, %dma_wait3A_299] : memref<16x320000xf32, #tpu.memory_space<hbm>> -> memref<1x320000xf32, #tpu.memory_space<hbm>>
      %dma_wait3A_301 = tpu.memref_squeeze %dma_wait3A_300 : memref<1x320000xf32, #tpu.memory_space<hbm>> -> memref<320000xf32, #tpu.memory_space<hbm>>
      %dma_wait3A_302 = arith.constant 0 : i32
      %dma_wait3A_303 = tpu.memref_slice %dma_wait3A_301[%dma_wait3A_302] : memref<320000xf32, #tpu.memory_space<hbm>> -> memref<32000xf32, #tpu.memory_space<hbm>>
      %dma_wait3A_304 = arith.constant 0 : i32
      %dma_wait3A_305 = tpu.memref_slice %arg3[%dma_wait3A_298, %dma_wait3A_304] : memref<16x320000xf32, #tpu.memory_space<hbm>> -> memref<1x320000xf32, #tpu.memory_space<hbm>>
      %dma_wait3A_306 = tpu.memref_squeeze %dma_wait3A_305 : memref<1x320000xf32, #tpu.memory_space<hbm>> -> memref<320000xf32, #tpu.memory_space<hbm>>
      %dma_wait3A_307 = arith.constant 0 : i32
      %dma_wait3A_308 = tpu.memref_slice %dma_wait3A_306[%dma_wait3A_307] : memref<320000xf32, #tpu.memory_space<hbm>> -> memref<32000xf32, #tpu.memory_space<hbm>>
      tpu.wait_dma2 semaphore(%arg10 : memref<!tpu.dma_semaphore, #tpu.memory_space<semaphore_mem>>) src(%dma_wait3A_308 : memref<32000xf32, #tpu.memory_space<hbm>>) dst(%arg7 : memref<32000xf32, #tpu.memory_space<vmem>>)
      %add3A_309 = arith.constant 0 : i32
      %add3A_310 = vector.broadcast %add3A_309 : i32 to vector<16xi32>
      %add3A_311 = arith.addi %iota3A, %add3A_310 : vector<16xi32>
      %rem3A_312 = arith.constant 16 : i32
      %rem3A_313 = vector.broadcast %rem3A_312 : i32 to vector<16xi32>
      %rem3A_314 = arith.remsi %add3A_311, %rem3A_313 : vector<16xi32>
      %mul3A_315 = arith.constant 2000 : i32
      %mul3A_316 = vector.broadcast %mul3A_315 : i32 to vector<16xi32>
      %mul3A_317 = arith.muli %rem3A_314, %mul3A_316 : vector<16xi32>
      %add3A_318 = arith.addi %mul3A_317, %iota3A : vector<16xi32>
      %mul3A_319 = arith.constant 2000 : i32
      %mul3A_320 = arith.muli %rem3A_295, %mul3A_319 : i32
      %add3A_321 = vector.broadcast %mul3A_320 : i32 to vector<16xi32>
      %add3A_322 = arith.addi %iota3A, %add3A_321 : vector<16xi32>
      %scan3A_323 = arith.constant 0 : i32
      %scan3A_324 = arith.constant 124 : i32
      %scan3A_325 = arith.addi %scan3A_323, %scan3A_324 : i32
      %scan3A_326 = arith.constant 4 : i32
      %scan3A_327:2 = scf.for %scan3A_794 = %scan3A_323 to %scan3A_325 step %scan3A_326 iter_args(%scan3A_795 = %add3A_318, %scan3A_796 = %add3A_322) -> (vector<16xi32>, vector<16xi32>)  : i32 {
        %gather3A_797 = tpu.vector_load_idx %arg7[%scan3A_795] : memref<32000xf32, #tpu.memory_space<vmem>>[vector<16xi32>], vector<16xf32>,
        tpu.vector_store_idx %arg8[%scan3A_796, %rem3A_314], %gather3A_797 : memref<4000x16xf32, #tpu.memory_space<vmem>>[vector<16xi32>, vector<16xi32>], vector<16xf32>,
        %add3A_798 = arith.constant 16 : i32
        %add3A_799 = vector.broadcast %add3A_798 : i32 to vector<16xi32>
        %add3A_800 = arith.addi %scan3A_795, %add3A_799 : vector<16xi32>
        %add3A_801 = arith.constant 16 : i32
        %add3A_802 = vector.broadcast %add3A_801 : i32 to vector<16xi32>
        %add3A_803 = arith.addi %scan3A_796, %add3A_802 : vector<16xi32>
        %scan3A_804 = arith.constant 1 : i32
        %scan3A_805 = arith.addi %scan3A_794, %scan3A_804 : i32
        %gather3A_806 = tpu.vector_load_idx %arg7[%add3A_800] : memref<32000xf32, #tpu.memory_space<vmem>>[vector<16xi32>], vector<16xf32>,
        tpu.vector_store_idx %arg8[%add3A_803, %rem3A_314], %gather3A_806 : memref<4000x16xf32, #tpu.memory_space<vmem>>[vector<16xi32>, vector<16xi32>], vector<16xf32>,
        %add3A_807 = arith.constant 16 : i32
        %add3A_808 = vector.broadcast %add3A_807 : i32 to vector<16xi32>
        %add3A_809 = arith.addi %add3A_800, %add3A_808 : vector<16xi32>
        %add3A_810 = arith.constant 16 : i32
        %add3A_811 = vector.broadcast %add3A_810 : i32 to vector<16xi32>
        %add3A_812 = arith.addi %add3A_803, %add3A_811 : vector<16xi32>
        %scan3A_813 = arith.constant 2 : i32
        %scan3A_814 = arith.addi %scan3A_794, %scan3A_813 : i32
        %gather3A_815 = tpu.vector_load_idx %arg7[%add3A_809] : memref<32000xf32, #tpu.memory_space<vmem>>[vector<16xi32>], vector<16xf32>,
        tpu.vector_store_idx %arg8[%add3A_812, %rem3A_314], %gather3A_815 : memref<4000x16xf32, #tpu.memory_space<vmem>>[vector<16xi32>, vector<16xi32>], vector<16xf32>,
        %add3A_816 = arith.constant 16 : i32
        %add3A_817 = vector.broadcast %add3A_816 : i32 to vector<16xi32>
        %add3A_818 = arith.addi %add3A_809, %add3A_817 : vector<16xi32>
        %add3A_819 = arith.constant 16 : i32
        %add3A_820 = vector.broadcast %add3A_819 : i32 to vector<16xi32>
        %add3A_821 = arith.addi %add3A_812, %add3A_820 : vector<16xi32>
        %scan3A_822 = arith.constant 3 : i32
        %scan3A_823 = arith.addi %scan3A_794, %scan3A_822 : i32
        %gather3A_824 = tpu.vector_load_idx %arg7[%add3A_818] : memref<32000xf32, #tpu.memory_space<vmem>>[vector<16xi32>], vector<16xf32>,
        tpu.vector_store_idx %arg8[%add3A_821, %rem3A_314], %gather3A_824 : memref<4000x16xf32, #tpu.memory_space<vmem>>[vector<16xi32>, vector<16xi32>], vector<16xf32>,
        %add3A_825 = arith.constant 16 : i32
        %add3A_826 = vector.broadcast %add3A_825 : i32 to vector<16xi32>
        %add3A_827 = arith.addi %add3A_818, %add3A_826 : vector<16xi32>
        %add3A_828 = arith.constant 16 : i32
        %add3A_829 = vector.broadcast %add3A_828 : i32 to vector<16xi32>
        %add3A_830 = arith.addi %add3A_821, %add3A_829 : vector<16xi32>
        scf.yield %add3A_827, %add3A_830 : vector<16xi32>, vector<16xi32>
      }
      %scan3A_328 = arith.constant 124 : i32
      %scan3A_329 = arith.addi %scan3A_323, %scan3A_328 : i32
      %gather3A = tpu.vector_load_idx %arg7[%scan3A_327#0] : memref<32000xf32, #tpu.memory_space<vmem>>[vector<16xi32>], vector<16xf32>,
      tpu.vector_store_idx %arg8[%scan3A_327#1, %rem3A_314], %gather3A : memref<4000x16xf32, #tpu.memory_space<vmem>>[vector<16xi32>, vector<16xi32>], vector<16xf32>,
      %add3A_330 = arith.constant 16 : i32
      %add3A_331 = vector.broadcast %add3A_330 : i32 to vector<16xi32>
      %add3A_332 = arith.addi %scan3A_327#0, %add3A_331 : vector<16xi32>
      %add3A_333 = arith.constant 16 : i32
      %add3A_334 = vector.broadcast %add3A_333 : i32 to vector<16xi32>
      %add3A_335 = arith.addi %scan3A_327#1, %add3A_334 : vector<16xi32>
      %scan3A_336 = arith.constant 125 : i32
      %add3A_337 = arith.constant 1 : i32
      %add3A_338 = vector.broadcast %add3A_337 : i32 to vector<16xi32>
      %add3A_339 = arith.addi %iota3A, %add3A_338 : vector<16xi32>
      %rem3A_340 = arith.constant 16 : i32
      %rem3A_341 = vector.broadcast %rem3A_340 : i32 to vector<16xi32>
      %rem3A_342 = arith.remsi %add3A_339, %rem3A_341 : vector<16xi32>
      %mul3A_343 = arith.constant 2000 : i32
      %mul3A_344 = vector.broadcast %mul3A_343 : i32 to vector<16xi32>
      %mul3A_345 = arith.muli %rem3A_342, %mul3A_344 : vector<16xi32>
      %add3A_346 = arith.addi %mul3A_345, %iota3A : vector<16xi32>
      %mul3A_347 = arith.constant 2000 : i32
      %mul3A_348 = arith.muli %rem3A_295, %mul3A_347 : i32
      %add3A_349 = vector.broadcast %mul3A_348 : i32 to vector<16xi32>
      %add3A_350 = arith.addi %iota3A, %add3A_349 : vector<16xi32>
      %scan3A_351 = arith.constant 0 : i32
      %scan3A_352 = arith.constant 124 : i32
      %scan3A_353 = arith.addi %scan3A_351, %scan3A_352 : i32
      %scan3A_354 = arith.constant 4 : i32
      %scan3A_355:2 = scf.for %scan3A_794 = %scan3A_351 to %scan3A_353 step %scan3A_354 iter_args(%scan3A_795 = %add3A_346, %scan3A_796 = %add3A_350) -> (vector<16xi32>, vector<16xi32>)  : i32 {
        %gather3A_797 = tpu.vector_load_idx %arg7[%scan3A_795] : memref<32000xf32, #tpu.memory_space<vmem>>[vector<16xi32>], vector<16xf32>,
        tpu.vector_store_idx %arg8[%scan3A_796, %rem3A_342], %gather3A_797 : memref<4000x16xf32, #tpu.memory_space<vmem>>[vector<16xi32>, vector<16xi32>], vector<16xf32>,
        %add3A_798 = arith.constant 16 : i32
        %add3A_799 = vector.broadcast %add3A_798 : i32 to vector<16xi32>
        %add3A_800 = arith.addi %scan3A_795, %add3A_799 : vector<16xi32>
        %add3A_801 = arith.constant 16 : i32
        %add3A_802 = vector.broadcast %add3A_801 : i32 to vector<16xi32>
        %add3A_803 = arith.addi %scan3A_796, %add3A_802 : vector<16xi32>
        %scan3A_804 = arith.constant 1 : i32
        %scan3A_805 = arith.addi %scan3A_794, %scan3A_804 : i32
        %gather3A_806 = tpu.vector_load_idx %arg7[%add3A_800] : memref<32000xf32, #tpu.memory_space<vmem>>[vector<16xi32>], vector<16xf32>,
        tpu.vector_store_idx %arg8[%add3A_803, %rem3A_342], %gather3A_806 : memref<4000x16xf32, #tpu.memory_space<vmem>>[vector<16xi32>, vector<16xi32>], vector<16xf32>,
        %add3A_807 = arith.constant 16 : i32
        %add3A_808 = vector.broadcast %add3A_807 : i32 to vector<16xi32>
        %add3A_809 = arith.addi %add3A_800, %add3A_808 : vector<16xi32>
        %add3A_810 = arith.constant 16 : i32
        %add3A_811 = vector.broadcast %add3A_810 : i32 to vector<16xi32>
        %add3A_812 = arith.addi %add3A_803, %add3A_811 : vector<16xi32>
        %scan3A_813 = arith.constant 2 : i32
        %scan3A_814 = arith.addi %scan3A_794, %scan3A_813 : i32
        %gather3A_815 = tpu.vector_load_idx %arg7[%add3A_809] : memref<32000xf32, #tpu.memory_space<vmem>>[vector<16xi32>], vector<16xf32>,
        tpu.vector_store_idx %arg8[%add3A_812, %rem3A_342], %gather3A_815 : memref<4000x16xf32, #tpu.memory_space<vmem>>[vector<16xi32>, vector<16xi32>], vector<16xf32>,
        %add3A_816 = arith.constant 16 : i32
        %add3A_817 = vector.broadcast %add3A_816 : i32 to vector<16xi32>
        %add3A_818 = arith.addi %add3A_809, %add3A_817 : vector<16xi32>
        %add3A_819 = arith.constant 16 : i32
        %add3A_820 = vector.broadcast %add3A_819 : i32 to vector<16xi32>
        %add3A_821 = arith.addi %add3A_812, %add3A_820 : vector<16xi32>
        %scan3A_822 = arith.constant 3 : i32
        %scan3A_823 = arith.addi %scan3A_794, %scan3A_822 : i32
        %gather3A_824 = tpu.vector_load_idx %arg7[%add3A_818] : memref<32000xf32, #tpu.memory_space<vmem>>[vector<16xi32>], vector<16xf32>,
        tpu.vector_store_idx %arg8[%add3A_821, %rem3A_342], %gather3A_824 : memref<4000x16xf32, #tpu.memory_space<vmem>>[vector<16xi32>, vector<16xi32>], vector<16xf32>,
        %add3A_825 = arith.constant 16 : i32
        %add3A_826 = vector.broadcast %add3A_825 : i32 to vector<16xi32>
        %add3A_827 = arith.addi %add3A_818, %add3A_826 : vector<16xi32>
        %add3A_828 = arith.constant 16 : i32
        %add3A_829 = vector.broadcast %add3A_828 : i32 to vector<16xi32>
        %add3A_830 = arith.addi %add3A_821, %add3A_829 : vector<16xi32>
        scf.yield %add3A_827, %add3A_830 : vector<16xi32>, vector<16xi32>
      }
      %scan3A_356 = arith.constant 124 : i32
      %scan3A_357 = arith.addi %scan3A_351, %scan3A_356 : i32
      %gather3A_358 = tpu.vector_load_idx %arg7[%scan3A_355#0] : memref<32000xf32, #tpu.memory_space<vmem>>[vector<16xi32>], vector<16xf32>,
      tpu.vector_store_idx %arg8[%scan3A_355#1, %rem3A_342], %gather3A_358 : memref<4000x16xf32, #tpu.memory_space<vmem>>[vector<16xi32>, vector<16xi32>], vector<16xf32>,
      %add3A_359 = arith.constant 16 : i32
      %add3A_360 = vector.broadcast %add3A_359 : i32 to vector<16xi32>
      %add3A_361 = arith.addi %scan3A_355#0, %add3A_360 : vector<16xi32>
      %add3A_362 = arith.constant 16 : i32
      %add3A_363 = vector.broadcast %add3A_362 : i32 to vector<16xi32>
      %add3A_364 = arith.addi %scan3A_355#1, %add3A_363 : vector<16xi32>
      %scan3A_365 = arith.constant 125 : i32
      %add3A_366 = arith.constant 2 : i32
      %add3A_367 = vector.broadcast %add3A_366 : i32 to vector<16xi32>
      %add3A_368 = arith.addi %iota3A, %add3A_367 : vector<16xi32>
      %rem3A_369 = arith.constant 16 : i32
      %rem3A_370 = vector.broadcast %rem3A_369 : i32 to vector<16xi32>
      %rem3A_371 = arith.remsi %add3A_368, %rem3A_370 : vector<16xi32>
      %mul3A_372 = arith.constant 2000 : i32
      %mul3A_373 = vector.broadcast %mul3A_372 : i32 to vector<16xi32>
      %mul3A_374 = arith.muli %rem3A_371, %mul3A_373 : vector<16xi32>
      %add3A_375 = arith.addi %mul3A_374, %iota3A : vector<16xi32>
      %mul3A_376 = arith.constant 2000 : i32
      %mul3A_377 = arith.muli %rem3A_295, %mul3A_376 : i32
      %add3A_378 = vector.broadcast %mul3A_377 : i32 to vector<16xi32>
      %add3A_379 = arith.addi %iota3A, %add3A_378 : vector<16xi32>
      %scan3A_380 = arith.constant 0 : i32
      %scan3A_381 = arith.constant 124 : i32
      %scan3A_382 = arith.addi %scan3A_380, %scan3A_381 : i32
      %scan3A_383 = arith.constant 4 : i32
      %scan3A_384:2 = scf.for %scan3A_794 = %scan3A_380 to %scan3A_382 step %scan3A_383 iter_args(%scan3A_795 = %add3A_375, %scan3A_796 = %add3A_379) -> (vector<16xi32>, vector<16xi32>)  : i32 {
        %gather3A_797 = tpu.vector_load_idx %arg7[%scan3A_795] : memref<32000xf32, #tpu.memory_space<vmem>>[vector<16xi32>], vector<16xf32>,
        tpu.vector_store_idx %arg8[%scan3A_796, %rem3A_371], %gather3A_797 : memref<4000x16xf32, #tpu.memory_space<vmem>>[vector<16xi32>, vector<16xi32>], vector<16xf32>,
        %add3A_798 = arith.constant 16 : i32
        %add3A_799 = vector.broadcast %add3A_798 : i32 to vector<16xi32>
        %add3A_800 = arith.addi %scan3A_795, %add3A_799 : vector<16xi32>
        %add3A_801 = arith.constant 16 : i32
        %add3A_802 = vector.broadcast %add3A_801 : i32 to vector<16xi32>
        %add3A_803 = arith.addi %scan3A_796, %add3A_802 : vector<16xi32>
        %scan3A_804 = arith.constant 1 : i32
        %scan3A_805 = arith.addi %scan3A_794, %scan3A_804 : i32
        %gather3A_806 = tpu.vector_load_idx %arg7[%add3A_800] : memref<32000xf32, #tpu.memory_space<vmem>>[vector<16xi32>], vector<16xf32>,
        tpu.vector_store_idx %arg8[%add3A_803, %rem3A_371], %gather3A_806 : memref<4000x16xf32, #tpu.memory_space<vmem>>[vector<16xi32>, vector<16xi32>], vector<16xf32>,
        %add3A_807 = arith.constant 16 : i32
        %add3A_808 = vector.broadcast %add3A_807 : i32 to vector<16xi32>
        %add3A_809 = arith.addi %add3A_800, %add3A_808 : vector<16xi32>
        %add3A_810 = arith.constant 16 : i32
        %add3A_811 = vector.broadcast %add3A_810 : i32 to vector<16xi32>
        %add3A_812 = arith.addi %add3A_803, %add3A_811 : vector<16xi32>
        %scan3A_813 = arith.constant 2 : i32
        %scan3A_814 = arith.addi %scan3A_794, %scan3A_813 : i32
        %gather3A_815 = tpu.vector_load_idx %arg7[%add3A_809] : memref<32000xf32, #tpu.memory_space<vmem>>[vector<16xi32>], vector<16xf32>,
        tpu.vector_store_idx %arg8[%add3A_812, %rem3A_371], %gather3A_815 : memref<4000x16xf32, #tpu.memory_space<vmem>>[vector<16xi32>, vector<16xi32>], vector<16xf32>,
        %add3A_816 = arith.constant 16 : i32
        %add3A_817 = vector.broadcast %add3A_816 : i32 to vector<16xi32>
        %add3A_818 = arith.addi %add3A_809, %add3A_817 : vector<16xi32>
        %add3A_819 = arith.constant 16 : i32
        %add3A_820 = vector.broadcast %add3A_819 : i32 to vector<16xi32>
        %add3A_821 = arith.addi %add3A_812, %add3A_820 : vector<16xi32>
        %scan3A_822 = arith.constant 3 : i32
        %scan3A_823 = arith.addi %scan3A_794, %scan3A_822 : i32
        %gather3A_824 = tpu.vector_load_idx %arg7[%add3A_818] : memref<32000xf32, #tpu.memory_space<vmem>>[vector<16xi32>], vector<16xf32>,
        tpu.vector_store_idx %arg8[%add3A_821, %rem3A_371], %gather3A_824 : memref<4000x16xf32, #tpu.memory_space<vmem>>[vector<16xi32>, vector<16xi32>], vector<16xf32>,
        %add3A_825 = arith.constant 16 : i32
        %add3A_826 = vector.broadcast %add3A_825 : i32 to vector<16xi32>
        %add3A_827 = arith.addi %add3A_818, %add3A_826 : vector<16xi32>
        %add3A_828 = arith.constant 16 : i32
        %add3A_829 = vector.broadcast %add3A_828 : i32 to vector<16xi32>
        %add3A_830 = arith.addi %add3A_821, %add3A_829 : vector<16xi32>
        scf.yield %add3A_827, %add3A_830 : vector<16xi32>, vector<16xi32>
      }
      %scan3A_385 = arith.constant 124 : i32
      %scan3A_386 = arith.addi %scan3A_380, %scan3A_385 : i32
      %gather3A_387 = tpu.vector_load_idx %arg7[%scan3A_384#0] : memref<32000xf32, #tpu.memory_space<vmem>>[vector<16xi32>], vector<16xf32>,
      tpu.vector_store_idx %arg8[%scan3A_384#1, %rem3A_371], %gather3A_387 : memref<4000x16xf32, #tpu.memory_space<vmem>>[vector<16xi32>, vector<16xi32>], vector<16xf32>,
      %add3A_388 = arith.constant 16 : i32
      %add3A_389 = vector.broadcast %add3A_388 : i32 to vector<16xi32>
      %add3A_390 = arith.addi %scan3A_384#0, %add3A_389 : vector<16xi32>
      %add3A_391 = arith.constant 16 : i32
      %add3A_392 = vector.broadcast %add3A_391 : i32 to vector<16xi32>
      %add3A_393 = arith.addi %scan3A_384#1, %add3A_392 : vector<16xi32>
      %scan3A_394 = arith.constant 125 : i32
      %add3A_395 = arith.constant 3 : i32
      %add3A_396 = vector.broadcast %add3A_395 : i32 to vector<16xi32>
      %add3A_397 = arith.addi %iota3A, %add3A_396 : vector<16xi32>
      %rem3A_398 = arith.constant 16 : i32
      %rem3A_399 = vector.broadcast %rem3A_398 : i32 to vector<16xi32>
      %rem3A_400 = arith.remsi %add3A_397, %rem3A_399 : vector<16xi32>
      %mul3A_401 = arith.constant 2000 : i32
      %mul3A_402 = vector.broadcast %mul3A_401 : i32 to vector<16xi32>
      %mul3A_403 = arith.muli %rem3A_400, %mul3A_402 : vector<16xi32>
      %add3A_404 = arith.addi %mul3A_403, %iota3A : vector<16xi32>
      %mul3A_405 = arith.constant 2000 : i32
      %mul3A_406 = arith.muli %rem3A_295, %mul3A_405 : i32
      %add3A_407 = vector.broadcast %mul3A_406 : i32 to vector<16xi32>
      %add3A_408 = arith.addi %iota3A, %add3A_407 : vector<16xi32>
      %scan3A_409 = arith.constant 0 : i32
      %scan3A_410 = arith.constant 124 : i32
      %scan3A_411 = arith.addi %scan3A_409, %scan3A_410 : i32
      %scan3A_412 = arith.constant 4 : i32
      %scan3A_413:2 = scf.for %scan3A_794 = %scan3A_409 to %scan3A_411 step %scan3A_412 iter_args(%scan3A_795 = %add3A_404, %scan3A_796 = %add3A_408) -> (vector<16xi32>, vector<16xi32>)  : i32 {
        %gather3A_797 = tpu.vector_load_idx %arg7[%scan3A_795] : memref<32000xf32, #tpu.memory_space<vmem>>[vector<16xi32>], vector<16xf32>,
        tpu.vector_store_idx %arg8[%scan3A_796, %rem3A_400], %gather3A_797 : memref<4000x16xf32, #tpu.memory_space<vmem>>[vector<16xi32>, vector<16xi32>], vector<16xf32>,
        %add3A_798 = arith.constant 16 : i32
        %add3A_799 = vector.broadcast %add3A_798 : i32 to vector<16xi32>
        %add3A_800 = arith.addi %scan3A_795, %add3A_799 : vector<16xi32>
        %add3A_801 = arith.constant 16 : i32
        %add3A_802 = vector.broadcast %add3A_801 : i32 to vector<16xi32>
        %add3A_803 = arith.addi %scan3A_796, %add3A_802 : vector<16xi32>
        %scan3A_804 = arith.constant 1 : i32
        %scan3A_805 = arith.addi %scan3A_794, %scan3A_804 : i32
        %gather3A_806 = tpu.vector_load_idx %arg7[%add3A_800] : memref<32000xf32, #tpu.memory_space<vmem>>[vector<16xi32>], vector<16xf32>,
        tpu.vector_store_idx %arg8[%add3A_803, %rem3A_400], %gather3A_806 : memref<4000x16xf32, #tpu.memory_space<vmem>>[vector<16xi32>, vector<16xi32>], vector<16xf32>,
        %add3A_807 = arith.constant 16 : i32
        %add3A_808 = vector.broadcast %add3A_807 : i32 to vector<16xi32>
        %add3A_809 = arith.addi %add3A_800, %add3A_808 : vector<16xi32>
        %add3A_810 = arith.constant 16 : i32
        %add3A_811 = vector.broadcast %add3A_810 : i32 to vector<16xi32>
        %add3A_812 = arith.addi %add3A_803, %add3A_811 : vector<16xi32>
        %scan3A_813 = arith.constant 2 : i32
        %scan3A_814 = arith.addi %scan3A_794, %scan3A_813 : i32
        %gather3A_815 = tpu.vector_load_idx %arg7[%add3A_809] : memref<32000xf32, #tpu.memory_space<vmem>>[vector<16xi32>], vector<16xf32>,
        tpu.vector_store_idx %arg8[%add3A_812, %rem3A_400], %gather3A_815 : memref<4000x16xf32, #tpu.memory_space<vmem>>[vector<16xi32>, vector<16xi32>], vector<16xf32>,
        %add3A_816 = arith.constant 16 : i32
        %add3A_817 = vector.broadcast %add3A_816 : i32 to vector<16xi32>
        %add3A_818 = arith.addi %add3A_809, %add3A_817 : vector<16xi32>
        %add3A_819 = arith.constant 16 : i32
        %add3A_820 = vector.broadcast %add3A_819 : i32 to vector<16xi32>
        %add3A_821 = arith.addi %add3A_812, %add3A_820 : vector<16xi32>
        %scan3A_822 = arith.constant 3 : i32
        %scan3A_823 = arith.addi %scan3A_794, %scan3A_822 : i32
        %gather3A_824 = tpu.vector_load_idx %arg7[%add3A_818] : memref<32000xf32, #tpu.memory_space<vmem>>[vector<16xi32>], vector<16xf32>,
        tpu.vector_store_idx %arg8[%add3A_821, %rem3A_400], %gather3A_824 : memref<4000x16xf32, #tpu.memory_space<vmem>>[vector<16xi32>, vector<16xi32>], vector<16xf32>,
        %add3A_825 = arith.constant 16 : i32
        %add3A_826 = vector.broadcast %add3A_825 : i32 to vector<16xi32>
        %add3A_827 = arith.addi %add3A_818, %add3A_826 : vector<16xi32>
        %add3A_828 = arith.constant 16 : i32
        %add3A_829 = vector.broadcast %add3A_828 : i32 to vector<16xi32>
        %add3A_830 = arith.addi %add3A_821, %add3A_829 : vector<16xi32>
        scf.yield %add3A_827, %add3A_830 : vector<16xi32>, vector<16xi32>
      }
      %scan3A_414 = arith.constant 124 : i32
      %scan3A_415 = arith.addi %scan3A_409, %scan3A_414 : i32
      %gather3A_416 = tpu.vector_load_idx %arg7[%scan3A_413#0] : memref<32000xf32, #tpu.memory_space<vmem>>[vector<16xi32>], vector<16xf32>,
      tpu.vector_store_idx %arg8[%scan3A_413#1, %rem3A_400], %gather3A_416 : memref<4000x16xf32, #tpu.memory_space<vmem>>[vector<16xi32>, vector<16xi32>], vector<16xf32>,
      %add3A_417 = arith.constant 16 : i32
      %add3A_418 = vector.broadcast %add3A_417 : i32 to vector<16xi32>
      %add3A_419 = arith.addi %scan3A_413#0, %add3A_418 : vector<16xi32>
      %add3A_420 = arith.constant 16 : i32
      %add3A_421 = vector.broadcast %add3A_420 : i32 to vector<16xi32>
      %add3A_422 = arith.addi %scan3A_413#1, %add3A_421 : vector<16xi32>
      %scan3A_423 = arith.constant 125 : i32
      %add3A_424 = arith.constant 4 : i32
      %add3A_425 = vector.broadcast %add3A_424 : i32 to vector<16xi32>
      %add3A_426 = arith.addi %iota3A, %add3A_425 : vector<16xi32>
      %rem3A_427 = arith.constant 16 : i32
      %rem3A_428 = vector.broadcast %rem3A_427 : i32 to vector<16xi32>
      %rem3A_429 = arith.remsi %add3A_426, %rem3A_428 : vector<16xi32>
      %mul3A_430 = arith.constant 2000 : i32
      %mul3A_431 = vector.broadcast %mul3A_430 : i32 to vector<16xi32>
      %mul3A_432 = arith.muli %rem3A_429, %mul3A_431 : vector<16xi32>
      %add3A_433 = arith.addi %mul3A_432, %iota3A : vector<16xi32>
      %mul3A_434 = arith.constant 2000 : i32
      %mul3A_435 = arith.muli %rem3A_295, %mul3A_434 : i32
      %add3A_436 = vector.broadcast %mul3A_435 : i32 to vector<16xi32>
      %add3A_437 = arith.addi %iota3A, %add3A_436 : vector<16xi32>
      %scan3A_438 = arith.constant 0 : i32
      %scan3A_439 = arith.constant 124 : i32
      %scan3A_440 = arith.addi %scan3A_438, %scan3A_439 : i32
      %scan3A_441 = arith.constant 4 : i32
      %scan3A_442:2 = scf.for %scan3A_794 = %scan3A_438 to %scan3A_440 step %scan3A_441 iter_args(%scan3A_795 = %add3A_433, %scan3A_796 = %add3A_437) -> (vector<16xi32>, vector<16xi32>)  : i32 {
        %gather3A_797 = tpu.vector_load_idx %arg7[%scan3A_795] : memref<32000xf32, #tpu.memory_space<vmem>>[vector<16xi32>], vector<16xf32>,
        tpu.vector_store_idx %arg8[%scan3A_796, %rem3A_429], %gather3A_797 : memref<4000x16xf32, #tpu.memory_space<vmem>>[vector<16xi32>, vector<16xi32>], vector<16xf32>,
        %add3A_798 = arith.constant 16 : i32
        %add3A_799 = vector.broadcast %add3A_798 : i32 to vector<16xi32>
        %add3A_800 = arith.addi %scan3A_795, %add3A_799 : vector<16xi32>
        %add3A_801 = arith.constant 16 : i32
        %add3A_802 = vector.broadcast %add3A_801 : i32 to vector<16xi32>
        %add3A_803 = arith.addi %scan3A_796, %add3A_802 : vector<16xi32>
        %scan3A_804 = arith.constant 1 : i32
        %scan3A_805 = arith.addi %scan3A_794, %scan3A_804 : i32
        %gather3A_806 = tpu.vector_load_idx %arg7[%add3A_800] : memref<32000xf32, #tpu.memory_space<vmem>>[vector<16xi32>], vector<16xf32>,
        tpu.vector_store_idx %arg8[%add3A_803, %rem3A_429], %gather3A_806 : memref<4000x16xf32, #tpu.memory_space<vmem>>[vector<16xi32>, vector<16xi32>], vector<16xf32>,
        %add3A_807 = arith.constant 16 : i32
        %add3A_808 = vector.broadcast %add3A_807 : i32 to vector<16xi32>
        %add3A_809 = arith.addi %add3A_800, %add3A_808 : vector<16xi32>
        %add3A_810 = arith.constant 16 : i32
        %add3A_811 = vector.broadcast %add3A_810 : i32 to vector<16xi32>
        %add3A_812 = arith.addi %add3A_803, %add3A_811 : vector<16xi32>
        %scan3A_813 = arith.constant 2 : i32
        %scan3A_814 = arith.addi %scan3A_794, %scan3A_813 : i32
        %gather3A_815 = tpu.vector_load_idx %arg7[%add3A_809] : memref<32000xf32, #tpu.memory_space<vmem>>[vector<16xi32>], vector<16xf32>,
        tpu.vector_store_idx %arg8[%add3A_812, %rem3A_429], %gather3A_815 : memref<4000x16xf32, #tpu.memory_space<vmem>>[vector<16xi32>, vector<16xi32>], vector<16xf32>,
        %add3A_816 = arith.constant 16 : i32
        %add3A_817 = vector.broadcast %add3A_816 : i32 to vector<16xi32>
        %add3A_818 = arith.addi %add3A_809, %add3A_817 : vector<16xi32>
        %add3A_819 = arith.constant 16 : i32
        %add3A_820 = vector.broadcast %add3A_819 : i32 to vector<16xi32>
        %add3A_821 = arith.addi %add3A_812, %add3A_820 : vector<16xi32>
        %scan3A_822 = arith.constant 3 : i32
        %scan3A_823 = arith.addi %scan3A_794, %scan3A_822 : i32
        %gather3A_824 = tpu.vector_load_idx %arg7[%add3A_818] : memref<32000xf32, #tpu.memory_space<vmem>>[vector<16xi32>], vector<16xf32>,
        tpu.vector_store_idx %arg8[%add3A_821, %rem3A_429], %gather3A_824 : memref<4000x16xf32, #tpu.memory_space<vmem>>[vector<16xi32>, vector<16xi32>], vector<16xf32>,
        %add3A_825 = arith.constant 16 : i32
        %add3A_826 = vector.broadcast %add3A_825 : i32 to vector<16xi32>
        %add3A_827 = arith.addi %add3A_818, %add3A_826 : vector<16xi32>
        %add3A_828 = arith.constant 16 : i32
        %add3A_829 = vector.broadcast %add3A_828 : i32 to vector<16xi32>
        %add3A_830 = arith.addi %add3A_821, %add3A_829 : vector<16xi32>
        scf.yield %add3A_827, %add3A_830 : vector<16xi32>, vector<16xi32>
      }
      %scan3A_443 = arith.constant 124 : i32
      %scan3A_444 = arith.addi %scan3A_438, %scan3A_443 : i32
      %gather3A_445 = tpu.vector_load_idx %arg7[%scan3A_442#0] : memref<32000xf32, #tpu.memory_space<vmem>>[vector<16xi32>], vector<16xf32>,
      tpu.vector_store_idx %arg8[%scan3A_442#1, %rem3A_429], %gather3A_445 : memref<4000x16xf32, #tpu.memory_space<vmem>>[vector<16xi32>, vector<16xi32>], vector<16xf32>,
      %add3A_446 = arith.constant 16 : i32
      %add3A_447 = vector.broadcast %add3A_446 : i32 to vector<16xi32>
      %add3A_448 = arith.addi %scan3A_442#0, %add3A_447 : vector<16xi32>
      %add3A_449 = arith.constant 16 : i32
      %add3A_450 = vector.broadcast %add3A_449 : i32 to vector<16xi32>
      %add3A_451 = arith.addi %scan3A_442#1, %add3A_450 : vector<16xi32>
      %scan3A_452 = arith.constant 125 : i32
      %add3A_453 = arith.constant 5 : i32
      %add3A_454 = vector.broadcast %add3A_453 : i32 to vector<16xi32>
      %add3A_455 = arith.addi %iota3A, %add3A_454 : vector<16xi32>
      %rem3A_456 = arith.constant 16 : i32
      %rem3A_457 = vector.broadcast %rem3A_456 : i32 to vector<16xi32>
      %rem3A_458 = arith.remsi %add3A_455, %rem3A_457 : vector<16xi32>
      %mul3A_459 = arith.constant 2000 : i32
      %mul3A_460 = vector.broadcast %mul3A_459 : i32 to vector<16xi32>
      %mul3A_461 = arith.muli %rem3A_458, %mul3A_460 : vector<16xi32>
      %add3A_462 = arith.addi %mul3A_461, %iota3A : vector<16xi32>
      %mul3A_463 = arith.constant 2000 : i32
      %mul3A_464 = arith.muli %rem3A_295, %mul3A_463 : i32
      %add3A_465 = vector.broadcast %mul3A_464 : i32 to vector<16xi32>
      %add3A_466 = arith.addi %iota3A, %add3A_465 : vector<16xi32>
      %scan3A_467 = arith.constant 0 : i32
      %scan3A_468 = arith.constant 124 : i32
      %scan3A_469 = arith.addi %scan3A_467, %scan3A_468 : i32
      %scan3A_470 = arith.constant 4 : i32
      %scan3A_471:2 = scf.for %scan3A_794 = %scan3A_467 to %scan3A_469 step %scan3A_470 iter_args(%scan3A_795 = %add3A_462, %scan3A_796 = %add3A_466) -> (vector<16xi32>, vector<16xi32>)  : i32 {
        %gather3A_797 = tpu.vector_load_idx %arg7[%scan3A_795] : memref<32000xf32, #tpu.memory_space<vmem>>[vector<16xi32>], vector<16xf32>,
        tpu.vector_store_idx %arg8[%scan3A_796, %rem3A_458], %gather3A_797 : memref<4000x16xf32, #tpu.memory_space<vmem>>[vector<16xi32>, vector<16xi32>], vector<16xf32>,
        %add3A_798 = arith.constant 16 : i32
        %add3A_799 = vector.broadcast %add3A_798 : i32 to vector<16xi32>
        %add3A_800 = arith.addi %scan3A_795, %add3A_799 : vector<16xi32>
        %add3A_801 = arith.constant 16 : i32
        %add3A_802 = vector.broadcast %add3A_801 : i32 to vector<16xi32>
        %add3A_803 = arith.addi %scan3A_796, %add3A_802 : vector<16xi32>
        %scan3A_804 = arith.constant 1 : i32
        %scan3A_805 = arith.addi %scan3A_794, %scan3A_804 : i32
        %gather3A_806 = tpu.vector_load_idx %arg7[%add3A_800] : memref<32000xf32, #tpu.memory_space<vmem>>[vector<16xi32>], vector<16xf32>,
        tpu.vector_store_idx %arg8[%add3A_803, %rem3A_458], %gather3A_806 : memref<4000x16xf32, #tpu.memory_space<vmem>>[vector<16xi32>, vector<16xi32>], vector<16xf32>,
        %add3A_807 = arith.constant 16 : i32
        %add3A_808 = vector.broadcast %add3A_807 : i32 to vector<16xi32>
        %add3A_809 = arith.addi %add3A_800, %add3A_808 : vector<16xi32>
        %add3A_810 = arith.constant 16 : i32
        %add3A_811 = vector.broadcast %add3A_810 : i32 to vector<16xi32>
        %add3A_812 = arith.addi %add3A_803, %add3A_811 : vector<16xi32>
        %scan3A_813 = arith.constant 2 : i32
        %scan3A_814 = arith.addi %scan3A_794, %scan3A_813 : i32
        %gather3A_815 = tpu.vector_load_idx %arg7[%add3A_809] : memref<32000xf32, #tpu.memory_space<vmem>>[vector<16xi32>], vector<16xf32>,
        tpu.vector_store_idx %arg8[%add3A_812, %rem3A_458], %gather3A_815 : memref<4000x16xf32, #tpu.memory_space<vmem>>[vector<16xi32>, vector<16xi32>], vector<16xf32>,
        %add3A_816 = arith.constant 16 : i32
        %add3A_817 = vector.broadcast %add3A_816 : i32 to vector<16xi32>
        %add3A_818 = arith.addi %add3A_809, %add3A_817 : vector<16xi32>
        %add3A_819 = arith.constant 16 : i32
        %add3A_820 = vector.broadcast %add3A_819 : i32 to vector<16xi32>
        %add3A_821 = arith.addi %add3A_812, %add3A_820 : vector<16xi32>
        %scan3A_822 = arith.constant 3 : i32
        %scan3A_823 = arith.addi %scan3A_794, %scan3A_822 : i32
        %gather3A_824 = tpu.vector_load_idx %arg7[%add3A_818] : memref<32000xf32, #tpu.memory_space<vmem>>[vector<16xi32>], vector<16xf32>,
        tpu.vector_store_idx %arg8[%add3A_821, %rem3A_458], %gather3A_824 : memref<4000x16xf32, #tpu.memory_space<vmem>>[vector<16xi32>, vector<16xi32>], vector<16xf32>,
        %add3A_825 = arith.constant 16 : i32
        %add3A_826 = vector.broadcast %add3A_825 : i32 to vector<16xi32>
        %add3A_827 = arith.addi %add3A_818, %add3A_826 : vector<16xi32>
        %add3A_828 = arith.constant 16 : i32
        %add3A_829 = vector.broadcast %add3A_828 : i32 to vector<16xi32>
        %add3A_830 = arith.addi %add3A_821, %add3A_829 : vector<16xi32>
        scf.yield %add3A_827, %add3A_830 : vector<16xi32>, vector<16xi32>
      }
      %scan3A_472 = arith.constant 124 : i32
      %scan3A_473 = arith.addi %scan3A_467, %scan3A_472 : i32
      %gather3A_474 = tpu.vector_load_idx %arg7[%scan3A_471#0] : memref<32000xf32, #tpu.memory_space<vmem>>[vector<16xi32>], vector<16xf32>,
      tpu.vector_store_idx %arg8[%scan3A_471#1, %rem3A_458], %gather3A_474 : memref<4000x16xf32, #tpu.memory_space<vmem>>[vector<16xi32>, vector<16xi32>], vector<16xf32>,
      %add3A_475 = arith.constant 16 : i32
      %add3A_476 = vector.broadcast %add3A_475 : i32 to vector<16xi32>
      %add3A_477 = arith.addi %scan3A_471#0, %add3A_476 : vector<16xi32>
      %add3A_478 = arith.constant 16 : i32
      %add3A_479 = vector.broadcast %add3A_478 : i32 to vector<16xi32>
      %add3A_480 = arith.addi %scan3A_471#1, %add3A_479 : vector<16xi32>
      %scan3A_481 = arith.constant 125 : i32
      %add3A_482 = arith.constant 6 : i32
      %add3A_483 = vector.broadcast %add3A_482 : i32 to vector<16xi32>
      %add3A_484 = arith.addi %iota3A, %add3A_483 : vector<16xi32>
      %rem3A_485 = arith.constant 16 : i32
      %rem3A_486 = vector.broadcast %rem3A_485 : i32 to vector<16xi32>
      %rem3A_487 = arith.remsi %add3A_484, %rem3A_486 : vector<16xi32>
      %mul3A_488 = arith.constant 2000 : i32
      %mul3A_489 = vector.broadcast %mul3A_488 : i32 to vector<16xi32>
      %mul3A_490 = arith.muli %rem3A_487, %mul3A_489 : vector<16xi32>
      %add3A_491 = arith.addi %mul3A_490, %iota3A : vector<16xi32>
      %mul3A_492 = arith.constant 2000 : i32
      %mul3A_493 = arith.muli %rem3A_295, %mul3A_492 : i32
      %add3A_494 = vector.broadcast %mul3A_493 : i32 to vector<16xi32>
      %add3A_495 = arith.addi %iota3A, %add3A_494 : vector<16xi32>
      %scan3A_496 = arith.constant 0 : i32
      %scan3A_497 = arith.constant 124 : i32
      %scan3A_498 = arith.addi %scan3A_496, %scan3A_497 : i32
      %scan3A_499 = arith.constant 4 : i32
      %scan3A_500:2 = scf.for %scan3A_794 = %scan3A_496 to %scan3A_498 step %scan3A_499 iter_args(%scan3A_795 = %add3A_491, %scan3A_796 = %add3A_495) -> (vector<16xi32>, vector<16xi32>)  : i32 {
        %gather3A_797 = tpu.vector_load_idx %arg7[%scan3A_795] : memref<32000xf32, #tpu.memory_space<vmem>>[vector<16xi32>], vector<16xf32>,
        tpu.vector_store_idx %arg8[%scan3A_796, %rem3A_487], %gather3A_797 : memref<4000x16xf32, #tpu.memory_space<vmem>>[vector<16xi32>, vector<16xi32>], vector<16xf32>,
        %add3A_798 = arith.constant 16 : i32
        %add3A_799 = vector.broadcast %add3A_798 : i32 to vector<16xi32>
        %add3A_800 = arith.addi %scan3A_795, %add3A_799 : vector<16xi32>
        %add3A_801 = arith.constant 16 : i32
        %add3A_802 = vector.broadcast %add3A_801 : i32 to vector<16xi32>
        %add3A_803 = arith.addi %scan3A_796, %add3A_802 : vector<16xi32>
        %scan3A_804 = arith.constant 1 : i32
        %scan3A_805 = arith.addi %scan3A_794, %scan3A_804 : i32
        %gather3A_806 = tpu.vector_load_idx %arg7[%add3A_800] : memref<32000xf32, #tpu.memory_space<vmem>>[vector<16xi32>], vector<16xf32>,
        tpu.vector_store_idx %arg8[%add3A_803, %rem3A_487], %gather3A_806 : memref<4000x16xf32, #tpu.memory_space<vmem>>[vector<16xi32>, vector<16xi32>], vector<16xf32>,
        %add3A_807 = arith.constant 16 : i32
        %add3A_808 = vector.broadcast %add3A_807 : i32 to vector<16xi32>
        %add3A_809 = arith.addi %add3A_800, %add3A_808 : vector<16xi32>
        %add3A_810 = arith.constant 16 : i32
        %add3A_811 = vector.broadcast %add3A_810 : i32 to vector<16xi32>
        %add3A_812 = arith.addi %add3A_803, %add3A_811 : vector<16xi32>
        %scan3A_813 = arith.constant 2 : i32
        %scan3A_814 = arith.addi %scan3A_794, %scan3A_813 : i32
        %gather3A_815 = tpu.vector_load_idx %arg7[%add3A_809] : memref<32000xf32, #tpu.memory_space<vmem>>[vector<16xi32>], vector<16xf32>,
        tpu.vector_store_idx %arg8[%add3A_812, %rem3A_487], %gather3A_815 : memref<4000x16xf32, #tpu.memory_space<vmem>>[vector<16xi32>, vector<16xi32>], vector<16xf32>,
        %add3A_816 = arith.constant 16 : i32
        %add3A_817 = vector.broadcast %add3A_816 : i32 to vector<16xi32>
        %add3A_818 = arith.addi %add3A_809, %add3A_817 : vector<16xi32>
        %add3A_819 = arith.constant 16 : i32
        %add3A_820 = vector.broadcast %add3A_819 : i32 to vector<16xi32>
        %add3A_821 = arith.addi %add3A_812, %add3A_820 : vector<16xi32>
        %scan3A_822 = arith.constant 3 : i32
        %scan3A_823 = arith.addi %scan3A_794, %scan3A_822 : i32
        %gather3A_824 = tpu.vector_load_idx %arg7[%add3A_818] : memref<32000xf32, #tpu.memory_space<vmem>>[vector<16xi32>], vector<16xf32>,
        tpu.vector_store_idx %arg8[%add3A_821, %rem3A_487], %gather3A_824 : memref<4000x16xf32, #tpu.memory_space<vmem>>[vector<16xi32>, vector<16xi32>], vector<16xf32>,
        %add3A_825 = arith.constant 16 : i32
        %add3A_826 = vector.broadcast %add3A_825 : i32 to vector<16xi32>
        %add3A_827 = arith.addi %add3A_818, %add3A_826 : vector<16xi32>
        %add3A_828 = arith.constant 16 : i32
        %add3A_829 = vector.broadcast %add3A_828 : i32 to vector<16xi32>
        %add3A_830 = arith.addi %add3A_821, %add3A_829 : vector<16xi32>
        scf.yield %add3A_827, %add3A_830 : vector<16xi32>, vector<16xi32>
      }
      %scan3A_501 = arith.constant 124 : i32
      %scan3A_502 = arith.addi %scan3A_496, %scan3A_501 : i32
      %gather3A_503 = tpu.vector_load_idx %arg7[%scan3A_500#0] : memref<32000xf32, #tpu.memory_space<vmem>>[vector<16xi32>], vector<16xf32>,
      tpu.vector_store_idx %arg8[%scan3A_500#1, %rem3A_487], %gather3A_503 : memref<4000x16xf32, #tpu.memory_space<vmem>>[vector<16xi32>, vector<16xi32>], vector<16xf32>,
      %add3A_504 = arith.constant 16 : i32
      %add3A_505 = vector.broadcast %add3A_504 : i32 to vector<16xi32>
      %add3A_506 = arith.addi %scan3A_500#0, %add3A_505 : vector<16xi32>
      %add3A_507 = arith.constant 16 : i32
      %add3A_508 = vector.broadcast %add3A_507 : i32 to vector<16xi32>
      %add3A_509 = arith.addi %scan3A_500#1, %add3A_508 : vector<16xi32>
      %scan3A_510 = arith.constant 125 : i32
      %add3A_511 = arith.constant 7 : i32
      %add3A_512 = vector.broadcast %add3A_511 : i32 to vector<16xi32>
      %add3A_513 = arith.addi %iota3A, %add3A_512 : vector<16xi32>
      %rem3A_514 = arith.constant 16 : i32
      %rem3A_515 = vector.broadcast %rem3A_514 : i32 to vector<16xi32>
      %rem3A_516 = arith.remsi %add3A_513, %rem3A_515 : vector<16xi32>
      %mul3A_517 = arith.constant 2000 : i32
      %mul3A_518 = vector.broadcast %mul3A_517 : i32 to vector<16xi32>
      %mul3A_519 = arith.muli %rem3A_516, %mul3A_518 : vector<16xi32>
      %add3A_520 = arith.addi %mul3A_519, %iota3A : vector<16xi32>
      %mul3A_521 = arith.constant 2000 : i32
      %mul3A_522 = arith.muli %rem3A_295, %mul3A_521 : i32
      %add3A_523 = vector.broadcast %mul3A_522 : i32 to vector<16xi32>
      %add3A_524 = arith.addi %iota3A, %add3A_523 : vector<16xi32>
      %scan3A_525 = arith.constant 0 : i32
      %scan3A_526 = arith.constant 124 : i32
      %scan3A_527 = arith.addi %scan3A_525, %scan3A_526 : i32
      %scan3A_528 = arith.constant 4 : i32
      %scan3A_529:2 = scf.for %scan3A_794 = %scan3A_525 to %scan3A_527 step %scan3A_528 iter_args(%scan3A_795 = %add3A_520, %scan3A_796 = %add3A_524) -> (vector<16xi32>, vector<16xi32>)  : i32 {
        %gather3A_797 = tpu.vector_load_idx %arg7[%scan3A_795] : memref<32000xf32, #tpu.memory_space<vmem>>[vector<16xi32>], vector<16xf32>,
        tpu.vector_store_idx %arg8[%scan3A_796, %rem3A_516], %gather3A_797 : memref<4000x16xf32, #tpu.memory_space<vmem>>[vector<16xi32>, vector<16xi32>], vector<16xf32>,
        %add3A_798 = arith.constant 16 : i32
        %add3A_799 = vector.broadcast %add3A_798 : i32 to vector<16xi32>
        %add3A_800 = arith.addi %scan3A_795, %add3A_799 : vector<16xi32>
        %add3A_801 = arith.constant 16 : i32
        %add3A_802 = vector.broadcast %add3A_801 : i32 to vector<16xi32>
        %add3A_803 = arith.addi %scan3A_796, %add3A_802 : vector<16xi32>
        %scan3A_804 = arith.constant 1 : i32
        %scan3A_805 = arith.addi %scan3A_794, %scan3A_804 : i32
        %gather3A_806 = tpu.vector_load_idx %arg7[%add3A_800] : memref<32000xf32, #tpu.memory_space<vmem>>[vector<16xi32>], vector<16xf32>,
        tpu.vector_store_idx %arg8[%add3A_803, %rem3A_516], %gather3A_806 : memref<4000x16xf32, #tpu.memory_space<vmem>>[vector<16xi32>, vector<16xi32>], vector<16xf32>,
        %add3A_807 = arith.constant 16 : i32
        %add3A_808 = vector.broadcast %add3A_807 : i32 to vector<16xi32>
        %add3A_809 = arith.addi %add3A_800, %add3A_808 : vector<16xi32>
        %add3A_810 = arith.constant 16 : i32
        %add3A_811 = vector.broadcast %add3A_810 : i32 to vector<16xi32>
        %add3A_812 = arith.addi %add3A_803, %add3A_811 : vector<16xi32>
        %scan3A_813 = arith.constant 2 : i32
        %scan3A_814 = arith.addi %scan3A_794, %scan3A_813 : i32
        %gather3A_815 = tpu.vector_load_idx %arg7[%add3A_809] : memref<32000xf32, #tpu.memory_space<vmem>>[vector<16xi32>], vector<16xf32>,
        tpu.vector_store_idx %arg8[%add3A_812, %rem3A_516], %gather3A_815 : memref<4000x16xf32, #tpu.memory_space<vmem>>[vector<16xi32>, vector<16xi32>], vector<16xf32>,
        %add3A_816 = arith.constant 16 : i32
        %add3A_817 = vector.broadcast %add3A_816 : i32 to vector<16xi32>
        %add3A_818 = arith.addi %add3A_809, %add3A_817 : vector<16xi32>
        %add3A_819 = arith.constant 16 : i32
        %add3A_820 = vector.broadcast %add3A_819 : i32 to vector<16xi32>
        %add3A_821 = arith.addi %add3A_812, %add3A_820 : vector<16xi32>
        %scan3A_822 = arith.constant 3 : i32
        %scan3A_823 = arith.addi %scan3A_794, %scan3A_822 : i32
        %gather3A_824 = tpu.vector_load_idx %arg7[%add3A_818] : memref<32000xf32, #tpu.memory_space<vmem>>[vector<16xi32>], vector<16xf32>,
        tpu.vector_store_idx %arg8[%add3A_821, %rem3A_516], %gather3A_824 : memref<4000x16xf32, #tpu.memory_space<vmem>>[vector<16xi32>, vector<16xi32>], vector<16xf32>,
        %add3A_825 = arith.constant 16 : i32
        %add3A_826 = vector.broadcast %add3A_825 : i32 to vector<16xi32>
        %add3A_827 = arith.addi %add3A_818, %add3A_826 : vector<16xi32>
        %add3A_828 = arith.constant 16 : i32
        %add3A_829 = vector.broadcast %add3A_828 : i32 to vector<16xi32>
        %add3A_830 = arith.addi %add3A_821, %add3A_829 : vector<16xi32>
        scf.yield %add3A_827, %add3A_830 : vector<16xi32>, vector<16xi32>
      }
      %scan3A_530 = arith.constant 124 : i32
      %scan3A_531 = arith.addi %scan3A_525, %scan3A_530 : i32
      %gather3A_532 = tpu.vector_load_idx %arg7[%scan3A_529#0] : memref<32000xf32, #tpu.memory_space<vmem>>[vector<16xi32>], vector<16xf32>,
      tpu.vector_store_idx %arg8[%scan3A_529#1, %rem3A_516], %gather3A_532 : memref<4000x16xf32, #tpu.memory_space<vmem>>[vector<16xi32>, vector<16xi32>], vector<16xf32>,
      %add3A_533 = arith.constant 16 : i32
      %add3A_534 = vector.broadcast %add3A_533 : i32 to vector<16xi32>
      %add3A_535 = arith.addi %scan3A_529#0, %add3A_534 : vector<16xi32>
      %add3A_536 = arith.constant 16 : i32
      %add3A_537 = vector.broadcast %add3A_536 : i32 to vector<16xi32>
      %add3A_538 = arith.addi %scan3A_529#1, %add3A_537 : vector<16xi32>
      %scan3A_539 = arith.constant 125 : i32
      %add3A_540 = arith.constant 8 : i32
      %add3A_541 = vector.broadcast %add3A_540 : i32 to vector<16xi32>
      %add3A_542 = arith.addi %iota3A, %add3A_541 : vector<16xi32>
      %rem3A_543 = arith.constant 16 : i32
      %rem3A_544 = vector.broadcast %rem3A_543 : i32 to vector<16xi32>
      %rem3A_545 = arith.remsi %add3A_542, %rem3A_544 : vector<16xi32>
      %mul3A_546 = arith.constant 2000 : i32
      %mul3A_547 = vector.broadcast %mul3A_546 : i32 to vector<16xi32>
      %mul3A_548 = arith.muli %rem3A_545, %mul3A_547 : vector<16xi32>
      %add3A_549 = arith.addi %mul3A_548, %iota3A : vector<16xi32>
      %mul3A_550 = arith.constant 2000 : i32
      %mul3A_551 = arith.muli %rem3A_295, %mul3A_550 : i32
      %add3A_552 = vector.broadcast %mul3A_551 : i32 to vector<16xi32>
      %add3A_553 = arith.addi %iota3A, %add3A_552 : vector<16xi32>
      %scan3A_554 = arith.constant 0 : i32
      %scan3A_555 = arith.constant 124 : i32
      %scan3A_556 = arith.addi %scan3A_554, %scan3A_555 : i32
      %scan3A_557 = arith.constant 4 : i32
      %scan3A_558:2 = scf.for %scan3A_794 = %scan3A_554 to %scan3A_556 step %scan3A_557 iter_args(%scan3A_795 = %add3A_549, %scan3A_796 = %add3A_553) -> (vector<16xi32>, vector<16xi32>)  : i32 {
        %gather3A_797 = tpu.vector_load_idx %arg7[%scan3A_795] : memref<32000xf32, #tpu.memory_space<vmem>>[vector<16xi32>], vector<16xf32>,
        tpu.vector_store_idx %arg8[%scan3A_796, %rem3A_545], %gather3A_797 : memref<4000x16xf32, #tpu.memory_space<vmem>>[vector<16xi32>, vector<16xi32>], vector<16xf32>,
        %add3A_798 = arith.constant 16 : i32
        %add3A_799 = vector.broadcast %add3A_798 : i32 to vector<16xi32>
        %add3A_800 = arith.addi %scan3A_795, %add3A_799 : vector<16xi32>
        %add3A_801 = arith.constant 16 : i32
        %add3A_802 = vector.broadcast %add3A_801 : i32 to vector<16xi32>
        %add3A_803 = arith.addi %scan3A_796, %add3A_802 : vector<16xi32>
        %scan3A_804 = arith.constant 1 : i32
        %scan3A_805 = arith.addi %scan3A_794, %scan3A_804 : i32
        %gather3A_806 = tpu.vector_load_idx %arg7[%add3A_800] : memref<32000xf32, #tpu.memory_space<vmem>>[vector<16xi32>], vector<16xf32>,
        tpu.vector_store_idx %arg8[%add3A_803, %rem3A_545], %gather3A_806 : memref<4000x16xf32, #tpu.memory_space<vmem>>[vector<16xi32>, vector<16xi32>], vector<16xf32>,
        %add3A_807 = arith.constant 16 : i32
        %add3A_808 = vector.broadcast %add3A_807 : i32 to vector<16xi32>
        %add3A_809 = arith.addi %add3A_800, %add3A_808 : vector<16xi32>
        %add3A_810 = arith.constant 16 : i32
        %add3A_811 = vector.broadcast %add3A_810 : i32 to vector<16xi32>
        %add3A_812 = arith.addi %add3A_803, %add3A_811 : vector<16xi32>
        %scan3A_813 = arith.constant 2 : i32
        %scan3A_814 = arith.addi %scan3A_794, %scan3A_813 : i32
        %gather3A_815 = tpu.vector_load_idx %arg7[%add3A_809] : memref<32000xf32, #tpu.memory_space<vmem>>[vector<16xi32>], vector<16xf32>,
        tpu.vector_store_idx %arg8[%add3A_812, %rem3A_545], %gather3A_815 : memref<4000x16xf32, #tpu.memory_space<vmem>>[vector<16xi32>, vector<16xi32>], vector<16xf32>,
        %add3A_816 = arith.constant 16 : i32
        %add3A_817 = vector.broadcast %add3A_816 : i32 to vector<16xi32>
        %add3A_818 = arith.addi %add3A_809, %add3A_817 : vector<16xi32>
        %add3A_819 = arith.constant 16 : i32
        %add3A_820 = vector.broadcast %add3A_819 : i32 to vector<16xi32>
        %add3A_821 = arith.addi %add3A_812, %add3A_820 : vector<16xi32>
        %scan3A_822 = arith.constant 3 : i32
        %scan3A_823 = arith.addi %scan3A_794, %scan3A_822 : i32
        %gather3A_824 = tpu.vector_load_idx %arg7[%add3A_818] : memref<32000xf32, #tpu.memory_space<vmem>>[vector<16xi32>], vector<16xf32>,
        tpu.vector_store_idx %arg8[%add3A_821, %rem3A_545], %gather3A_824 : memref<4000x16xf32, #tpu.memory_space<vmem>>[vector<16xi32>, vector<16xi32>], vector<16xf32>,
        %add3A_825 = arith.constant 16 : i32
        %add3A_826 = vector.broadcast %add3A_825 : i32 to vector<16xi32>
        %add3A_827 = arith.addi %add3A_818, %add3A_826 : vector<16xi32>
        %add3A_828 = arith.constant 16 : i32
        %add3A_829 = vector.broadcast %add3A_828 : i32 to vector<16xi32>
        %add3A_830 = arith.addi %add3A_821, %add3A_829 : vector<16xi32>
        scf.yield %add3A_827, %add3A_830 : vector<16xi32>, vector<16xi32>
      }
      %scan3A_559 = arith.constant 124 : i32
      %scan3A_560 = arith.addi %scan3A_554, %scan3A_559 : i32
      %gather3A_561 = tpu.vector_load_idx %arg7[%scan3A_558#0] : memref<32000xf32, #tpu.memory_space<vmem>>[vector<16xi32>], vector<16xf32>,
      tpu.vector_store_idx %arg8[%scan3A_558#1, %rem3A_545], %gather3A_561 : memref<4000x16xf32, #tpu.memory_space<vmem>>[vector<16xi32>, vector<16xi32>], vector<16xf32>,
      %add3A_562 = arith.constant 16 : i32
      %add3A_563 = vector.broadcast %add3A_562 : i32 to vector<16xi32>
      %add3A_564 = arith.addi %scan3A_558#0, %add3A_563 : vector<16xi32>
      %add3A_565 = arith.constant 16 : i32
      %add3A_566 = vector.broadcast %add3A_565 : i32 to vector<16xi32>
      %add3A_567 = arith.addi %scan3A_558#1, %add3A_566 : vector<16xi32>
      %scan3A_568 = arith.constant 125 : i32
      %add3A_569 = arith.constant 9 : i32
      %add3A_570 = vector.broadcast %add3A_569 : i32 to vector<16xi32>
      %add3A_571 = arith.addi %iota3A, %add3A_570 : vector<16xi32>
      %rem3A_572 = arith.constant 16 : i32
      %rem3A_573 = vector.broadcast %rem3A_572 : i32 to vector<16xi32>
      %rem3A_574 = arith.remsi %add3A_571, %rem3A_573 : vector<16xi32>
      %mul3A_575 = arith.constant 2000 : i32
      %mul3A_576 = vector.broadcast %mul3A_575 : i32 to vector<16xi32>
      %mul3A_577 = arith.muli %rem3A_574, %mul3A_576 : vector<16xi32>
      %add3A_578 = arith.addi %mul3A_577, %iota3A : vector<16xi32>
      %mul3A_579 = arith.constant 2000 : i32
      %mul3A_580 = arith.muli %rem3A_295, %mul3A_579 : i32
      %add3A_581 = vector.broadcast %mul3A_580 : i32 to vector<16xi32>
      %add3A_582 = arith.addi %iota3A, %add3A_581 : vector<16xi32>
      %scan3A_583 = arith.constant 0 : i32
      %scan3A_584 = arith.constant 124 : i32
      %scan3A_585 = arith.addi %scan3A_583, %scan3A_584 : i32
      %scan3A_586 = arith.constant 4 : i32
      %scan3A_587:2 = scf.for %scan3A_794 = %scan3A_583 to %scan3A_585 step %scan3A_586 iter_args(%scan3A_795 = %add3A_578, %scan3A_796 = %add3A_582) -> (vector<16xi32>, vector<16xi32>)  : i32 {
        %gather3A_797 = tpu.vector_load_idx %arg7[%scan3A_795] : memref<32000xf32, #tpu.memory_space<vmem>>[vector<16xi32>], vector<16xf32>,
        tpu.vector_store_idx %arg8[%scan3A_796, %rem3A_574], %gather3A_797 : memref<4000x16xf32, #tpu.memory_space<vmem>>[vector<16xi32>, vector<16xi32>], vector<16xf32>,
        %add3A_798 = arith.constant 16 : i32
        %add3A_799 = vector.broadcast %add3A_798 : i32 to vector<16xi32>
        %add3A_800 = arith.addi %scan3A_795, %add3A_799 : vector<16xi32>
        %add3A_801 = arith.constant 16 : i32
        %add3A_802 = vector.broadcast %add3A_801 : i32 to vector<16xi32>
        %add3A_803 = arith.addi %scan3A_796, %add3A_802 : vector<16xi32>
        %scan3A_804 = arith.constant 1 : i32
        %scan3A_805 = arith.addi %scan3A_794, %scan3A_804 : i32
        %gather3A_806 = tpu.vector_load_idx %arg7[%add3A_800] : memref<32000xf32, #tpu.memory_space<vmem>>[vector<16xi32>], vector<16xf32>,
        tpu.vector_store_idx %arg8[%add3A_803, %rem3A_574], %gather3A_806 : memref<4000x16xf32, #tpu.memory_space<vmem>>[vector<16xi32>, vector<16xi32>], vector<16xf32>,
        %add3A_807 = arith.constant 16 : i32
        %add3A_808 = vector.broadcast %add3A_807 : i32 to vector<16xi32>
        %add3A_809 = arith.addi %add3A_800, %add3A_808 : vector<16xi32>
        %add3A_810 = arith.constant 16 : i32
        %add3A_811 = vector.broadcast %add3A_810 : i32 to vector<16xi32>
        %add3A_812 = arith.addi %add3A_803, %add3A_811 : vector<16xi32>
        %scan3A_813 = arith.constant 2 : i32
        %scan3A_814 = arith.addi %scan3A_794, %scan3A_813 : i32
        %gather3A_815 = tpu.vector_load_idx %arg7[%add3A_809] : memref<32000xf32, #tpu.memory_space<vmem>>[vector<16xi32>], vector<16xf32>,
        tpu.vector_store_idx %arg8[%add3A_812, %rem3A_574], %gather3A_815 : memref<4000x16xf32, #tpu.memory_space<vmem>>[vector<16xi32>, vector<16xi32>], vector<16xf32>,
        %add3A_816 = arith.constant 16 : i32
        %add3A_817 = vector.broadcast %add3A_816 : i32 to vector<16xi32>
        %add3A_818 = arith.addi %add3A_809, %add3A_817 : vector<16xi32>
        %add3A_819 = arith.constant 16 : i32
        %add3A_820 = vector.broadcast %add3A_819 : i32 to vector<16xi32>
        %add3A_821 = arith.addi %add3A_812, %add3A_820 : vector<16xi32>
        %scan3A_822 = arith.constant 3 : i32
        %scan3A_823 = arith.addi %scan3A_794, %scan3A_822 : i32
        %gather3A_824 = tpu.vector_load_idx %arg7[%add3A_818] : memref<32000xf32, #tpu.memory_space<vmem>>[vector<16xi32>], vector<16xf32>,
        tpu.vector_store_idx %arg8[%add3A_821, %rem3A_574], %gather3A_824 : memref<4000x16xf32, #tpu.memory_space<vmem>>[vector<16xi32>, vector<16xi32>], vector<16xf32>,
        %add3A_825 = arith.constant 16 : i32
        %add3A_826 = vector.broadcast %add3A_825 : i32 to vector<16xi32>
        %add3A_827 = arith.addi %add3A_818, %add3A_826 : vector<16xi32>
        %add3A_828 = arith.constant 16 : i32
        %add3A_829 = vector.broadcast %add3A_828 : i32 to vector<16xi32>
        %add3A_830 = arith.addi %add3A_821, %add3A_829 : vector<16xi32>
        scf.yield %add3A_827, %add3A_830 : vector<16xi32>, vector<16xi32>
      }
      %scan3A_588 = arith.constant 124 : i32
      %scan3A_589 = arith.addi %scan3A_583, %scan3A_588 : i32
      %gather3A_590 = tpu.vector_load_idx %arg7[%scan3A_587#0] : memref<32000xf32, #tpu.memory_space<vmem>>[vector<16xi32>], vector<16xf32>,
      tpu.vector_store_idx %arg8[%scan3A_587#1, %rem3A_574], %gather3A_590 : memref<4000x16xf32, #tpu.memory_space<vmem>>[vector<16xi32>, vector<16xi32>], vector<16xf32>,
      %add3A_591 = arith.constant 16 : i32
      %add3A_592 = vector.broadcast %add3A_591 : i32 to vector<16xi32>
      %add3A_593 = arith.addi %scan3A_587#0, %add3A_592 : vector<16xi32>
      %add3A_594 = arith.constant 16 : i32
      %add3A_595 = vector.broadcast %add3A_594 : i32 to vector<16xi32>
      %add3A_596 = arith.addi %scan3A_587#1, %add3A_595 : vector<16xi32>
      %scan3A_597 = arith.constant 125 : i32
      %add3A_598 = arith.constant 10 : i32
      %add3A_599 = vector.broadcast %add3A_598 : i32 to vector<16xi32>
      %add3A_600 = arith.addi %iota3A, %add3A_599 : vector<16xi32>
      %rem3A_601 = arith.constant 16 : i32
      %rem3A_602 = vector.broadcast %rem3A_601 : i32 to vector<16xi32>
      %rem3A_603 = arith.remsi %add3A_600, %rem3A_602 : vector<16xi32>
      %mul3A_604 = arith.constant 2000 : i32
      %mul3A_605 = vector.broadcast %mul3A_604 : i32 to vector<16xi32>
      %mul3A_606 = arith.muli %rem3A_603, %mul3A_605 : vector<16xi32>
      %add3A_607 = arith.addi %mul3A_606, %iota3A : vector<16xi32>
      %mul3A_608 = arith.constant 2000 : i32
      %mul3A_609 = arith.muli %rem3A_295, %mul3A_608 : i32
      %add3A_610 = vector.broadcast %mul3A_609 : i32 to vector<16xi32>
      %add3A_611 = arith.addi %iota3A, %add3A_610 : vector<16xi32>
      %scan3A_612 = arith.constant 0 : i32
      %scan3A_613 = arith.constant 124 : i32
      %scan3A_614 = arith.addi %scan3A_612, %scan3A_613 : i32
      %scan3A_615 = arith.constant 4 : i32
      %scan3A_616:2 = scf.for %scan3A_794 = %scan3A_612 to %scan3A_614 step %scan3A_615 iter_args(%scan3A_795 = %add3A_607, %scan3A_796 = %add3A_611) -> (vector<16xi32>, vector<16xi32>)  : i32 {
        %gather3A_797 = tpu.vector_load_idx %arg7[%scan3A_795] : memref<32000xf32, #tpu.memory_space<vmem>>[vector<16xi32>], vector<16xf32>,
        tpu.vector_store_idx %arg8[%scan3A_796, %rem3A_603], %gather3A_797 : memref<4000x16xf32, #tpu.memory_space<vmem>>[vector<16xi32>, vector<16xi32>], vector<16xf32>,
        %add3A_798 = arith.constant 16 : i32
        %add3A_799 = vector.broadcast %add3A_798 : i32 to vector<16xi32>
        %add3A_800 = arith.addi %scan3A_795, %add3A_799 : vector<16xi32>
        %add3A_801 = arith.constant 16 : i32
        %add3A_802 = vector.broadcast %add3A_801 : i32 to vector<16xi32>
        %add3A_803 = arith.addi %scan3A_796, %add3A_802 : vector<16xi32>
        %scan3A_804 = arith.constant 1 : i32
        %scan3A_805 = arith.addi %scan3A_794, %scan3A_804 : i32
        %gather3A_806 = tpu.vector_load_idx %arg7[%add3A_800] : memref<32000xf32, #tpu.memory_space<vmem>>[vector<16xi32>], vector<16xf32>,
        tpu.vector_store_idx %arg8[%add3A_803, %rem3A_603], %gather3A_806 : memref<4000x16xf32, #tpu.memory_space<vmem>>[vector<16xi32>, vector<16xi32>], vector<16xf32>,
        %add3A_807 = arith.constant 16 : i32
        %add3A_808 = vector.broadcast %add3A_807 : i32 to vector<16xi32>
        %add3A_809 = arith.addi %add3A_800, %add3A_808 : vector<16xi32>
        %add3A_810 = arith.constant 16 : i32
        %add3A_811 = vector.broadcast %add3A_810 : i32 to vector<16xi32>
        %add3A_812 = arith.addi %add3A_803, %add3A_811 : vector<16xi32>
        %scan3A_813 = arith.constant 2 : i32
        %scan3A_814 = arith.addi %scan3A_794, %scan3A_813 : i32
        %gather3A_815 = tpu.vector_load_idx %arg7[%add3A_809] : memref<32000xf32, #tpu.memory_space<vmem>>[vector<16xi32>], vector<16xf32>,
        tpu.vector_store_idx %arg8[%add3A_812, %rem3A_603], %gather3A_815 : memref<4000x16xf32, #tpu.memory_space<vmem>>[vector<16xi32>, vector<16xi32>], vector<16xf32>,
        %add3A_816 = arith.constant 16 : i32
        %add3A_817 = vector.broadcast %add3A_816 : i32 to vector<16xi32>
        %add3A_818 = arith.addi %add3A_809, %add3A_817 : vector<16xi32>
        %add3A_819 = arith.constant 16 : i32
        %add3A_820 = vector.broadcast %add3A_819 : i32 to vector<16xi32>
        %add3A_821 = arith.addi %add3A_812, %add3A_820 : vector<16xi32>
        %scan3A_822 = arith.constant 3 : i32
        %scan3A_823 = arith.addi %scan3A_794, %scan3A_822 : i32
        %gather3A_824 = tpu.vector_load_idx %arg7[%add3A_818] : memref<32000xf32, #tpu.memory_space<vmem>>[vector<16xi32>], vector<16xf32>,
        tpu.vector_store_idx %arg8[%add3A_821, %rem3A_603], %gather3A_824 : memref<4000x16xf32, #tpu.memory_space<vmem>>[vector<16xi32>, vector<16xi32>], vector<16xf32>,
        %add3A_825 = arith.constant 16 : i32
        %add3A_826 = vector.broadcast %add3A_825 : i32 to vector<16xi32>
        %add3A_827 = arith.addi %add3A_818, %add3A_826 : vector<16xi32>
        %add3A_828 = arith.constant 16 : i32
        %add3A_829 = vector.broadcast %add3A_828 : i32 to vector<16xi32>
        %add3A_830 = arith.addi %add3A_821, %add3A_829 : vector<16xi32>
        scf.yield %add3A_827, %add3A_830 : vector<16xi32>, vector<16xi32>
      }
      %scan3A_617 = arith.constant 124 : i32
      %scan3A_618 = arith.addi %scan3A_612, %scan3A_617 : i32
      %gather3A_619 = tpu.vector_load_idx %arg7[%scan3A_616#0] : memref<32000xf32, #tpu.memory_space<vmem>>[vector<16xi32>], vector<16xf32>,
      tpu.vector_store_idx %arg8[%scan3A_616#1, %rem3A_603], %gather3A_619 : memref<4000x16xf32, #tpu.memory_space<vmem>>[vector<16xi32>, vector<16xi32>], vector<16xf32>,
      %add3A_620 = arith.constant 16 : i32
      %add3A_621 = vector.broadcast %add3A_620 : i32 to vector<16xi32>
      %add3A_622 = arith.addi %scan3A_616#0, %add3A_621 : vector<16xi32>
      %add3A_623 = arith.constant 16 : i32
      %add3A_624 = vector.broadcast %add3A_623 : i32 to vector<16xi32>
      %add3A_625 = arith.addi %scan3A_616#1, %add3A_624 : vector<16xi32>
      %scan3A_626 = arith.constant 125 : i32
      %add3A_627 = arith.constant 11 : i32
      %add3A_628 = vector.broadcast %add3A_627 : i32 to vector<16xi32>
      %add3A_629 = arith.addi %iota3A, %add3A_628 : vector<16xi32>
      %rem3A_630 = arith.constant 16 : i32
      %rem3A_631 = vector.broadcast %rem3A_630 : i32 to vector<16xi32>
      %rem3A_632 = arith.remsi %add3A_629, %rem3A_631 : vector<16xi32>
      %mul3A_633 = arith.constant 2000 : i32
      %mul3A_634 = vector.broadcast %mul3A_633 : i32 to vector<16xi32>
      %mul3A_635 = arith.muli %rem3A_632, %mul3A_634 : vector<16xi32>
      %add3A_636 = arith.addi %mul3A_635, %iota3A : vector<16xi32>
      %mul3A_637 = arith.constant 2000 : i32
      %mul3A_638 = arith.muli %rem3A_295, %mul3A_637 : i32
      %add3A_639 = vector.broadcast %mul3A_638 : i32 to vector<16xi32>
      %add3A_640 = arith.addi %iota3A, %add3A_639 : vector<16xi32>
      %scan3A_641 = arith.constant 0 : i32
      %scan3A_642 = arith.constant 124 : i32
      %scan3A_643 = arith.addi %scan3A_641, %scan3A_642 : i32
      %scan3A_644 = arith.constant 4 : i32
      %scan3A_645:2 = scf.for %scan3A_794 = %scan3A_641 to %scan3A_643 step %scan3A_644 iter_args(%scan3A_795 = %add3A_636, %scan3A_796 = %add3A_640) -> (vector<16xi32>, vector<16xi32>)  : i32 {
        %gather3A_797 = tpu.vector_load_idx %arg7[%scan3A_795] : memref<32000xf32, #tpu.memory_space<vmem>>[vector<16xi32>], vector<16xf32>,
        tpu.vector_store_idx %arg8[%scan3A_796, %rem3A_632], %gather3A_797 : memref<4000x16xf32, #tpu.memory_space<vmem>>[vector<16xi32>, vector<16xi32>], vector<16xf32>,
        %add3A_798 = arith.constant 16 : i32
        %add3A_799 = vector.broadcast %add3A_798 : i32 to vector<16xi32>
        %add3A_800 = arith.addi %scan3A_795, %add3A_799 : vector<16xi32>
        %add3A_801 = arith.constant 16 : i32
        %add3A_802 = vector.broadcast %add3A_801 : i32 to vector<16xi32>
        %add3A_803 = arith.addi %scan3A_796, %add3A_802 : vector<16xi32>
        %scan3A_804 = arith.constant 1 : i32
        %scan3A_805 = arith.addi %scan3A_794, %scan3A_804 : i32
        %gather3A_806 = tpu.vector_load_idx %arg7[%add3A_800] : memref<32000xf32, #tpu.memory_space<vmem>>[vector<16xi32>], vector<16xf32>,
        tpu.vector_store_idx %arg8[%add3A_803, %rem3A_632], %gather3A_806 : memref<4000x16xf32, #tpu.memory_space<vmem>>[vector<16xi32>, vector<16xi32>], vector<16xf32>,
        %add3A_807 = arith.constant 16 : i32
        %add3A_808 = vector.broadcast %add3A_807 : i32 to vector<16xi32>
        %add3A_809 = arith.addi %add3A_800, %add3A_808 : vector<16xi32>
        %add3A_810 = arith.constant 16 : i32
        %add3A_811 = vector.broadcast %add3A_810 : i32 to vector<16xi32>
        %add3A_812 = arith.addi %add3A_803, %add3A_811 : vector<16xi32>
        %scan3A_813 = arith.constant 2 : i32
        %scan3A_814 = arith.addi %scan3A_794, %scan3A_813 : i32
        %gather3A_815 = tpu.vector_load_idx %arg7[%add3A_809] : memref<32000xf32, #tpu.memory_space<vmem>>[vector<16xi32>], vector<16xf32>,
        tpu.vector_store_idx %arg8[%add3A_812, %rem3A_632], %gather3A_815 : memref<4000x16xf32, #tpu.memory_space<vmem>>[vector<16xi32>, vector<16xi32>], vector<16xf32>,
        %add3A_816 = arith.constant 16 : i32
        %add3A_817 = vector.broadcast %add3A_816 : i32 to vector<16xi32>
        %add3A_818 = arith.addi %add3A_809, %add3A_817 : vector<16xi32>
        %add3A_819 = arith.constant 16 : i32
        %add3A_820 = vector.broadcast %add3A_819 : i32 to vector<16xi32>
        %add3A_821 = arith.addi %add3A_812, %add3A_820 : vector<16xi32>
        %scan3A_822 = arith.constant 3 : i32
        %scan3A_823 = arith.addi %scan3A_794, %scan3A_822 : i32
        %gather3A_824 = tpu.vector_load_idx %arg7[%add3A_818] : memref<32000xf32, #tpu.memory_space<vmem>>[vector<16xi32>], vector<16xf32>,
        tpu.vector_store_idx %arg8[%add3A_821, %rem3A_632], %gather3A_824 : memref<4000x16xf32, #tpu.memory_space<vmem>>[vector<16xi32>, vector<16xi32>], vector<16xf32>,
        %add3A_825 = arith.constant 16 : i32
        %add3A_826 = vector.broadcast %add3A_825 : i32 to vector<16xi32>
        %add3A_827 = arith.addi %add3A_818, %add3A_826 : vector<16xi32>
        %add3A_828 = arith.constant 16 : i32
        %add3A_829 = vector.broadcast %add3A_828 : i32 to vector<16xi32>
        %add3A_830 = arith.addi %add3A_821, %add3A_829 : vector<16xi32>
        scf.yield %add3A_827, %add3A_830 : vector<16xi32>, vector<16xi32>
      }
      %scan3A_646 = arith.constant 124 : i32
      %scan3A_647 = arith.addi %scan3A_641, %scan3A_646 : i32
      %gather3A_648 = tpu.vector_load_idx %arg7[%scan3A_645#0] : memref<32000xf32, #tpu.memory_space<vmem>>[vector<16xi32>], vector<16xf32>,
      tpu.vector_store_idx %arg8[%scan3A_645#1, %rem3A_632], %gather3A_648 : memref<4000x16xf32, #tpu.memory_space<vmem>>[vector<16xi32>, vector<16xi32>], vector<16xf32>,
      %add3A_649 = arith.constant 16 : i32
      %add3A_650 = vector.broadcast %add3A_649 : i32 to vector<16xi32>
      %add3A_651 = arith.addi %scan3A_645#0, %add3A_650 : vector<16xi32>
      %add3A_652 = arith.constant 16 : i32
      %add3A_653 = vector.broadcast %add3A_652 : i32 to vector<16xi32>
      %add3A_654 = arith.addi %scan3A_645#1, %add3A_653 : vector<16xi32>
      %scan3A_655 = arith.constant 125 : i32
      %add3A_656 = arith.constant 12 : i32
      %add3A_657 = vector.broadcast %add3A_656 : i32 to vector<16xi32>
      %add3A_658 = arith.addi %iota3A, %add3A_657 : vector<16xi32>
      %rem3A_659 = arith.constant 16 : i32
      %rem3A_660 = vector.broadcast %rem3A_659 : i32 to vector<16xi32>
      %rem3A_661 = arith.remsi %add3A_658, %rem3A_660 : vector<16xi32>
      %mul3A_662 = arith.constant 2000 : i32
      %mul3A_663 = vector.broadcast %mul3A_662 : i32 to vector<16xi32>
      %mul3A_664 = arith.muli %rem3A_661, %mul3A_663 : vector<16xi32>
      %add3A_665 = arith.addi %mul3A_664, %iota3A : vector<16xi32>
      %mul3A_666 = arith.constant 2000 : i32
      %mul3A_667 = arith.muli %rem3A_295, %mul3A_666 : i32
      %add3A_668 = vector.broadcast %mul3A_667 : i32 to vector<16xi32>
      %add3A_669 = arith.addi %iota3A, %add3A_668 : vector<16xi32>
      %scan3A_670 = arith.constant 0 : i32
      %scan3A_671 = arith.constant 124 : i32
      %scan3A_672 = arith.addi %scan3A_670, %scan3A_671 : i32
      %scan3A_673 = arith.constant 4 : i32
      %scan3A_674:2 = scf.for %scan3A_794 = %scan3A_670 to %scan3A_672 step %scan3A_673 iter_args(%scan3A_795 = %add3A_665, %scan3A_796 = %add3A_669) -> (vector<16xi32>, vector<16xi32>)  : i32 {
        %gather3A_797 = tpu.vector_load_idx %arg7[%scan3A_795] : memref<32000xf32, #tpu.memory_space<vmem>>[vector<16xi32>], vector<16xf32>,
        tpu.vector_store_idx %arg8[%scan3A_796, %rem3A_661], %gather3A_797 : memref<4000x16xf32, #tpu.memory_space<vmem>>[vector<16xi32>, vector<16xi32>], vector<16xf32>,
        %add3A_798 = arith.constant 16 : i32
        %add3A_799 = vector.broadcast %add3A_798 : i32 to vector<16xi32>
        %add3A_800 = arith.addi %scan3A_795, %add3A_799 : vector<16xi32>
        %add3A_801 = arith.constant 16 : i32
        %add3A_802 = vector.broadcast %add3A_801 : i32 to vector<16xi32>
        %add3A_803 = arith.addi %scan3A_796, %add3A_802 : vector<16xi32>
        %scan3A_804 = arith.constant 1 : i32
        %scan3A_805 = arith.addi %scan3A_794, %scan3A_804 : i32
        %gather3A_806 = tpu.vector_load_idx %arg7[%add3A_800] : memref<32000xf32, #tpu.memory_space<vmem>>[vector<16xi32>], vector<16xf32>,
        tpu.vector_store_idx %arg8[%add3A_803, %rem3A_661], %gather3A_806 : memref<4000x16xf32, #tpu.memory_space<vmem>>[vector<16xi32>, vector<16xi32>], vector<16xf32>,
        %add3A_807 = arith.constant 16 : i32
        %add3A_808 = vector.broadcast %add3A_807 : i32 to vector<16xi32>
        %add3A_809 = arith.addi %add3A_800, %add3A_808 : vector<16xi32>
        %add3A_810 = arith.constant 16 : i32
        %add3A_811 = vector.broadcast %add3A_810 : i32 to vector<16xi32>
        %add3A_812 = arith.addi %add3A_803, %add3A_811 : vector<16xi32>
        %scan3A_813 = arith.constant 2 : i32
        %scan3A_814 = arith.addi %scan3A_794, %scan3A_813 : i32
        %gather3A_815 = tpu.vector_load_idx %arg7[%add3A_809] : memref<32000xf32, #tpu.memory_space<vmem>>[vector<16xi32>], vector<16xf32>,
        tpu.vector_store_idx %arg8[%add3A_812, %rem3A_661], %gather3A_815 : memref<4000x16xf32, #tpu.memory_space<vmem>>[vector<16xi32>, vector<16xi32>], vector<16xf32>,
        %add3A_816 = arith.constant 16 : i32
        %add3A_817 = vector.broadcast %add3A_816 : i32 to vector<16xi32>
        %add3A_818 = arith.addi %add3A_809, %add3A_817 : vector<16xi32>
        %add3A_819 = arith.constant 16 : i32
        %add3A_820 = vector.broadcast %add3A_819 : i32 to vector<16xi32>
        %add3A_821 = arith.addi %add3A_812, %add3A_820 : vector<16xi32>
        %scan3A_822 = arith.constant 3 : i32
        %scan3A_823 = arith.addi %scan3A_794, %scan3A_822 : i32
        %gather3A_824 = tpu.vector_load_idx %arg7[%add3A_818] : memref<32000xf32, #tpu.memory_space<vmem>>[vector<16xi32>], vector<16xf32>,
        tpu.vector_store_idx %arg8[%add3A_821, %rem3A_661], %gather3A_824 : memref<4000x16xf32, #tpu.memory_space<vmem>>[vector<16xi32>, vector<16xi32>], vector<16xf32>,
        %add3A_825 = arith.constant 16 : i32
        %add3A_826 = vector.broadcast %add3A_825 : i32 to vector<16xi32>
        %add3A_827 = arith.addi %add3A_818, %add3A_826 : vector<16xi32>
        %add3A_828 = arith.constant 16 : i32
        %add3A_829 = vector.broadcast %add3A_828 : i32 to vector<16xi32>
        %add3A_830 = arith.addi %add3A_821, %add3A_829 : vector<16xi32>
        scf.yield %add3A_827, %add3A_830 : vector<16xi32>, vector<16xi32>
      }
      %scan3A_675 = arith.constant 124 : i32
      %scan3A_676 = arith.addi %scan3A_670, %scan3A_675 : i32
      %gather3A_677 = tpu.vector_load_idx %arg7[%scan3A_674#0] : memref<32000xf32, #tpu.memory_space<vmem>>[vector<16xi32>], vector<16xf32>,
      tpu.vector_store_idx %arg8[%scan3A_674#1, %rem3A_661], %gather3A_677 : memref<4000x16xf32, #tpu.memory_space<vmem>>[vector<16xi32>, vector<16xi32>], vector<16xf32>,
      %add3A_678 = arith.constant 16 : i32
      %add3A_679 = vector.broadcast %add3A_678 : i32 to vector<16xi32>
      %add3A_680 = arith.addi %scan3A_674#0, %add3A_679 : vector<16xi32>
      %add3A_681 = arith.constant 16 : i32
      %add3A_682 = vector.broadcast %add3A_681 : i32 to vector<16xi32>
      %add3A_683 = arith.addi %scan3A_674#1, %add3A_682 : vector<16xi32>
      %scan3A_684 = arith.constant 125 : i32
      %add3A_685 = arith.constant 13 : i32
      %add3A_686 = vector.broadcast %add3A_685 : i32 to vector<16xi32>
      %add3A_687 = arith.addi %iota3A, %add3A_686 : vector<16xi32>
      %rem3A_688 = arith.constant 16 : i32
      %rem3A_689 = vector.broadcast %rem3A_688 : i32 to vector<16xi32>
      %rem3A_690 = arith.remsi %add3A_687, %rem3A_689 : vector<16xi32>
      %mul3A_691 = arith.constant 2000 : i32
      %mul3A_692 = vector.broadcast %mul3A_691 : i32 to vector<16xi32>
      %mul3A_693 = arith.muli %rem3A_690, %mul3A_692 : vector<16xi32>
      %add3A_694 = arith.addi %mul3A_693, %iota3A : vector<16xi32>
      %mul3A_695 = arith.constant 2000 : i32
      %mul3A_696 = arith.muli %rem3A_295, %mul3A_695 : i32
      %add3A_697 = vector.broadcast %mul3A_696 : i32 to vector<16xi32>
      %add3A_698 = arith.addi %iota3A, %add3A_697 : vector<16xi32>
      %scan3A_699 = arith.constant 0 : i32
      %scan3A_700 = arith.constant 124 : i32
      %scan3A_701 = arith.addi %scan3A_699, %scan3A_700 : i32
      %scan3A_702 = arith.constant 4 : i32
      %scan3A_703:2 = scf.for %scan3A_794 = %scan3A_699 to %scan3A_701 step %scan3A_702 iter_args(%scan3A_795 = %add3A_694, %scan3A_796 = %add3A_698) -> (vector<16xi32>, vector<16xi32>)  : i32 {
        %gather3A_797 = tpu.vector_load_idx %arg7[%scan3A_795] : memref<32000xf32, #tpu.memory_space<vmem>>[vector<16xi32>], vector<16xf32>,
        tpu.vector_store_idx %arg8[%scan3A_796, %rem3A_690], %gather3A_797 : memref<4000x16xf32, #tpu.memory_space<vmem>>[vector<16xi32>, vector<16xi32>], vector<16xf32>,
        %add3A_798 = arith.constant 16 : i32
        %add3A_799 = vector.broadcast %add3A_798 : i32 to vector<16xi32>
        %add3A_800 = arith.addi %scan3A_795, %add3A_799 : vector<16xi32>
        %add3A_801 = arith.constant 16 : i32
        %add3A_802 = vector.broadcast %add3A_801 : i32 to vector<16xi32>
        %add3A_803 = arith.addi %scan3A_796, %add3A_802 : vector<16xi32>
        %scan3A_804 = arith.constant 1 : i32
        %scan3A_805 = arith.addi %scan3A_794, %scan3A_804 : i32
        %gather3A_806 = tpu.vector_load_idx %arg7[%add3A_800] : memref<32000xf32, #tpu.memory_space<vmem>>[vector<16xi32>], vector<16xf32>,
        tpu.vector_store_idx %arg8[%add3A_803, %rem3A_690], %gather3A_806 : memref<4000x16xf32, #tpu.memory_space<vmem>>[vector<16xi32>, vector<16xi32>], vector<16xf32>,
        %add3A_807 = arith.constant 16 : i32
        %add3A_808 = vector.broadcast %add3A_807 : i32 to vector<16xi32>
        %add3A_809 = arith.addi %add3A_800, %add3A_808 : vector<16xi32>
        %add3A_810 = arith.constant 16 : i32
        %add3A_811 = vector.broadcast %add3A_810 : i32 to vector<16xi32>
        %add3A_812 = arith.addi %add3A_803, %add3A_811 : vector<16xi32>
        %scan3A_813 = arith.constant 2 : i32
        %scan3A_814 = arith.addi %scan3A_794, %scan3A_813 : i32
        %gather3A_815 = tpu.vector_load_idx %arg7[%add3A_809] : memref<32000xf32, #tpu.memory_space<vmem>>[vector<16xi32>], vector<16xf32>,
        tpu.vector_store_idx %arg8[%add3A_812, %rem3A_690], %gather3A_815 : memref<4000x16xf32, #tpu.memory_space<vmem>>[vector<16xi32>, vector<16xi32>], vector<16xf32>,
        %add3A_816 = arith.constant 16 : i32
        %add3A_817 = vector.broadcast %add3A_816 : i32 to vector<16xi32>
        %add3A_818 = arith.addi %add3A_809, %add3A_817 : vector<16xi32>
        %add3A_819 = arith.constant 16 : i32
        %add3A_820 = vector.broadcast %add3A_819 : i32 to vector<16xi32>
        %add3A_821 = arith.addi %add3A_812, %add3A_820 : vector<16xi32>
        %scan3A_822 = arith.constant 3 : i32
        %scan3A_823 = arith.addi %scan3A_794, %scan3A_822 : i32
        %gather3A_824 = tpu.vector_load_idx %arg7[%add3A_818] : memref<32000xf32, #tpu.memory_space<vmem>>[vector<16xi32>], vector<16xf32>,
        tpu.vector_store_idx %arg8[%add3A_821, %rem3A_690], %gather3A_824 : memref<4000x16xf32, #tpu.memory_space<vmem>>[vector<16xi32>, vector<16xi32>], vector<16xf32>,
        %add3A_825 = arith.constant 16 : i32
        %add3A_826 = vector.broadcast %add3A_825 : i32 to vector<16xi32>
        %add3A_827 = arith.addi %add3A_818, %add3A_826 : vector<16xi32>
        %add3A_828 = arith.constant 16 : i32
        %add3A_829 = vector.broadcast %add3A_828 : i32 to vector<16xi32>
        %add3A_830 = arith.addi %add3A_821, %add3A_829 : vector<16xi32>
        scf.yield %add3A_827, %add3A_830 : vector<16xi32>, vector<16xi32>
      }
      %scan3A_704 = arith.constant 124 : i32
      %scan3A_705 = arith.addi %scan3A_699, %scan3A_704 : i32
      %gather3A_706 = tpu.vector_load_idx %arg7[%scan3A_703#0] : memref<32000xf32, #tpu.memory_space<vmem>>[vector<16xi32>], vector<16xf32>,
      tpu.vector_store_idx %arg8[%scan3A_703#1, %rem3A_690], %gather3A_706 : memref<4000x16xf32, #tpu.memory_space<vmem>>[vector<16xi32>, vector<16xi32>], vector<16xf32>,
      %add3A_707 = arith.constant 16 : i32
      %add3A_708 = vector.broadcast %add3A_707 : i32 to vector<16xi32>
      %add3A_709 = arith.addi %scan3A_703#0, %add3A_708 : vector<16xi32>
      %add3A_710 = arith.constant 16 : i32
      %add3A_711 = vector.broadcast %add3A_710 : i32 to vector<16xi32>
      %add3A_712 = arith.addi %scan3A_703#1, %add3A_711 : vector<16xi32>
      %scan3A_713 = arith.constant 125 : i32
      %add3A_714 = arith.constant 14 : i32
      %add3A_715 = vector.broadcast %add3A_714 : i32 to vector<16xi32>
      %add3A_716 = arith.addi %iota3A, %add3A_715 : vector<16xi32>
      %rem3A_717 = arith.constant 16 : i32
      %rem3A_718 = vector.broadcast %rem3A_717 : i32 to vector<16xi32>
      %rem3A_719 = arith.remsi %add3A_716, %rem3A_718 : vector<16xi32>
      %mul3A_720 = arith.constant 2000 : i32
      %mul3A_721 = vector.broadcast %mul3A_720 : i32 to vector<16xi32>
      %mul3A_722 = arith.muli %rem3A_719, %mul3A_721 : vector<16xi32>
      %add3A_723 = arith.addi %mul3A_722, %iota3A : vector<16xi32>
      %mul3A_724 = arith.constant 2000 : i32
      %mul3A_725 = arith.muli %rem3A_295, %mul3A_724 : i32
      %add3A_726 = vector.broadcast %mul3A_725 : i32 to vector<16xi32>
      %add3A_727 = arith.addi %iota3A, %add3A_726 : vector<16xi32>
      %scan3A_728 = arith.constant 0 : i32
      %scan3A_729 = arith.constant 124 : i32
      %scan3A_730 = arith.addi %scan3A_728, %scan3A_729 : i32
      %scan3A_731 = arith.constant 4 : i32
      %scan3A_732:2 = scf.for %scan3A_794 = %scan3A_728 to %scan3A_730 step %scan3A_731 iter_args(%scan3A_795 = %add3A_723, %scan3A_796 = %add3A_727) -> (vector<16xi32>, vector<16xi32>)  : i32 {
        %gather3A_797 = tpu.vector_load_idx %arg7[%scan3A_795] : memref<32000xf32, #tpu.memory_space<vmem>>[vector<16xi32>], vector<16xf32>,
        tpu.vector_store_idx %arg8[%scan3A_796, %rem3A_719], %gather3A_797 : memref<4000x16xf32, #tpu.memory_space<vmem>>[vector<16xi32>, vector<16xi32>], vector<16xf32>,
        %add3A_798 = arith.constant 16 : i32
        %add3A_799 = vector.broadcast %add3A_798 : i32 to vector<16xi32>
        %add3A_800 = arith.addi %scan3A_795, %add3A_799 : vector<16xi32>
        %add3A_801 = arith.constant 16 : i32
        %add3A_802 = vector.broadcast %add3A_801 : i32 to vector<16xi32>
        %add3A_803 = arith.addi %scan3A_796, %add3A_802 : vector<16xi32>
        %scan3A_804 = arith.constant 1 : i32
        %scan3A_805 = arith.addi %scan3A_794, %scan3A_804 : i32
        %gather3A_806 = tpu.vector_load_idx %arg7[%add3A_800] : memref<32000xf32, #tpu.memory_space<vmem>>[vector<16xi32>], vector<16xf32>,
        tpu.vector_store_idx %arg8[%add3A_803, %rem3A_719], %gather3A_806 : memref<4000x16xf32, #tpu.memory_space<vmem>>[vector<16xi32>, vector<16xi32>], vector<16xf32>,
        %add3A_807 = arith.constant 16 : i32
        %add3A_808 = vector.broadcast %add3A_807 : i32 to vector<16xi32>
        %add3A_809 = arith.addi %add3A_800, %add3A_808 : vector<16xi32>
        %add3A_810 = arith.constant 16 : i32
        %add3A_811 = vector.broadcast %add3A_810 : i32 to vector<16xi32>
        %add3A_812 = arith.addi %add3A_803, %add3A_811 : vector<16xi32>
        %scan3A_813 = arith.constant 2 : i32
        %scan3A_814 = arith.addi %scan3A_794, %scan3A_813 : i32
        %gather3A_815 = tpu.vector_load_idx %arg7[%add3A_809] : memref<32000xf32, #tpu.memory_space<vmem>>[vector<16xi32>], vector<16xf32>,
        tpu.vector_store_idx %arg8[%add3A_812, %rem3A_719], %gather3A_815 : memref<4000x16xf32, #tpu.memory_space<vmem>>[vector<16xi32>, vector<16xi32>], vector<16xf32>,
        %add3A_816 = arith.constant 16 : i32
        %add3A_817 = vector.broadcast %add3A_816 : i32 to vector<16xi32>
        %add3A_818 = arith.addi %add3A_809, %add3A_817 : vector<16xi32>
        %add3A_819 = arith.constant 16 : i32
        %add3A_820 = vector.broadcast %add3A_819 : i32 to vector<16xi32>
        %add3A_821 = arith.addi %add3A_812, %add3A_820 : vector<16xi32>
        %scan3A_822 = arith.constant 3 : i32
        %scan3A_823 = arith.addi %scan3A_794, %scan3A_822 : i32
        %gather3A_824 = tpu.vector_load_idx %arg7[%add3A_818] : memref<32000xf32, #tpu.memory_space<vmem>>[vector<16xi32>], vector<16xf32>,
        tpu.vector_store_idx %arg8[%add3A_821, %rem3A_719], %gather3A_824 : memref<4000x16xf32, #tpu.memory_space<vmem>>[vector<16xi32>, vector<16xi32>], vector<16xf32>,
        %add3A_825 = arith.constant 16 : i32
        %add3A_826 = vector.broadcast %add3A_825 : i32 to vector<16xi32>
        %add3A_827 = arith.addi %add3A_818, %add3A_826 : vector<16xi32>
        %add3A_828 = arith.constant 16 : i32
        %add3A_829 = vector.broadcast %add3A_828 : i32 to vector<16xi32>
        %add3A_830 = arith.addi %add3A_821, %add3A_829 : vector<16xi32>
        scf.yield %add3A_827, %add3A_830 : vector<16xi32>, vector<16xi32>
      }
      %scan3A_733 = arith.constant 124 : i32
      %scan3A_734 = arith.addi %scan3A_728, %scan3A_733 : i32
      %gather3A_735 = tpu.vector_load_idx %arg7[%scan3A_732#0] : memref<32000xf32, #tpu.memory_space<vmem>>[vector<16xi32>], vector<16xf32>,
      tpu.vector_store_idx %arg8[%scan3A_732#1, %rem3A_719], %gather3A_735 : memref<4000x16xf32, #tpu.memory_space<vmem>>[vector<16xi32>, vector<16xi32>], vector<16xf32>,
      %add3A_736 = arith.constant 16 : i32
      %add3A_737 = vector.broadcast %add3A_736 : i32 to vector<16xi32>
      %add3A_738 = arith.addi %scan3A_732#0, %add3A_737 : vector<16xi32>
      %add3A_739 = arith.constant 16 : i32
      %add3A_740 = vector.broadcast %add3A_739 : i32 to vector<16xi32>
      %add3A_741 = arith.addi %scan3A_732#1, %add3A_740 : vector<16xi32>
      %scan3A_742 = arith.constant 125 : i32
      %add3A_743 = arith.constant 15 : i32
      %add3A_744 = vector.broadcast %add3A_743 : i32 to vector<16xi32>
      %add3A_745 = arith.addi %iota3A, %add3A_744 : vector<16xi32>
      %rem3A_746 = arith.constant 16 : i32
      %rem3A_747 = vector.broadcast %rem3A_746 : i32 to vector<16xi32>
      %rem3A_748 = arith.remsi %add3A_745, %rem3A_747 : vector<16xi32>
      %mul3A_749 = arith.constant 2000 : i32
      %mul3A_750 = vector.broadcast %mul3A_749 : i32 to vector<16xi32>
      %mul3A_751 = arith.muli %rem3A_748, %mul3A_750 : vector<16xi32>
      %add3A_752 = arith.addi %mul3A_751, %iota3A : vector<16xi32>
      %mul3A_753 = arith.constant 2000 : i32
      %mul3A_754 = arith.muli %rem3A_295, %mul3A_753 : i32
      %add3A_755 = vector.broadcast %mul3A_754 : i32 to vector<16xi32>
      %add3A_756 = arith.addi %iota3A, %add3A_755 : vector<16xi32>
      %scan3A_757 = arith.constant 0 : i32
      %scan3A_758 = arith.constant 124 : i32
      %scan3A_759 = arith.addi %scan3A_757, %scan3A_758 : i32
      %scan3A_760 = arith.constant 4 : i32
      %scan3A_761:2 = scf.for %scan3A_794 = %scan3A_757 to %scan3A_759 step %scan3A_760 iter_args(%scan3A_795 = %add3A_752, %scan3A_796 = %add3A_756) -> (vector<16xi32>, vector<16xi32>)  : i32 {
        %gather3A_797 = tpu.vector_load_idx %arg7[%scan3A_795] : memref<32000xf32, #tpu.memory_space<vmem>>[vector<16xi32>], vector<16xf32>,
        tpu.vector_store_idx %arg8[%scan3A_796, %rem3A_748], %gather3A_797 : memref<4000x16xf32, #tpu.memory_space<vmem>>[vector<16xi32>, vector<16xi32>], vector<16xf32>,
        %add3A_798 = arith.constant 16 : i32
        %add3A_799 = vector.broadcast %add3A_798 : i32 to vector<16xi32>
        %add3A_800 = arith.addi %scan3A_795, %add3A_799 : vector<16xi32>
        %add3A_801 = arith.constant 16 : i32
        %add3A_802 = vector.broadcast %add3A_801 : i32 to vector<16xi32>
        %add3A_803 = arith.addi %scan3A_796, %add3A_802 : vector<16xi32>
        %scan3A_804 = arith.constant 1 : i32
        %scan3A_805 = arith.addi %scan3A_794, %scan3A_804 : i32
        %gather3A_806 = tpu.vector_load_idx %arg7[%add3A_800] : memref<32000xf32, #tpu.memory_space<vmem>>[vector<16xi32>], vector<16xf32>,
        tpu.vector_store_idx %arg8[%add3A_803, %rem3A_748], %gather3A_806 : memref<4000x16xf32, #tpu.memory_space<vmem>>[vector<16xi32>, vector<16xi32>], vector<16xf32>,
        %add3A_807 = arith.constant 16 : i32
        %add3A_808 = vector.broadcast %add3A_807 : i32 to vector<16xi32>
        %add3A_809 = arith.addi %add3A_800, %add3A_808 : vector<16xi32>
        %add3A_810 = arith.constant 16 : i32
        %add3A_811 = vector.broadcast %add3A_810 : i32 to vector<16xi32>
        %add3A_812 = arith.addi %add3A_803, %add3A_811 : vector<16xi32>
        %scan3A_813 = arith.constant 2 : i32
        %scan3A_814 = arith.addi %scan3A_794, %scan3A_813 : i32
        %gather3A_815 = tpu.vector_load_idx %arg7[%add3A_809] : memref<32000xf32, #tpu.memory_space<vmem>>[vector<16xi32>], vector<16xf32>,
        tpu.vector_store_idx %arg8[%add3A_812, %rem3A_748], %gather3A_815 : memref<4000x16xf32, #tpu.memory_space<vmem>>[vector<16xi32>, vector<16xi32>], vector<16xf32>,
        %add3A_816 = arith.constant 16 : i32
        %add3A_817 = vector.broadcast %add3A_816 : i32 to vector<16xi32>
        %add3A_818 = arith.addi %add3A_809, %add3A_817 : vector<16xi32>
        %add3A_819 = arith.constant 16 : i32
        %add3A_820 = vector.broadcast %add3A_819 : i32 to vector<16xi32>
        %add3A_821 = arith.addi %add3A_812, %add3A_820 : vector<16xi32>
        %scan3A_822 = arith.constant 3 : i32
        %scan3A_823 = arith.addi %scan3A_794, %scan3A_822 : i32
        %gather3A_824 = tpu.vector_load_idx %arg7[%add3A_818] : memref<32000xf32, #tpu.memory_space<vmem>>[vector<16xi32>], vector<16xf32>,
        tpu.vector_store_idx %arg8[%add3A_821, %rem3A_748], %gather3A_824 : memref<4000x16xf32, #tpu.memory_space<vmem>>[vector<16xi32>, vector<16xi32>], vector<16xf32>,
        %add3A_825 = arith.constant 16 : i32
        %add3A_826 = vector.broadcast %add3A_825 : i32 to vector<16xi32>
        %add3A_827 = arith.addi %add3A_818, %add3A_826 : vector<16xi32>
        %add3A_828 = arith.constant 16 : i32
        %add3A_829 = vector.broadcast %add3A_828 : i32 to vector<16xi32>
        %add3A_830 = arith.addi %add3A_821, %add3A_829 : vector<16xi32>
        scf.yield %add3A_827, %add3A_830 : vector<16xi32>, vector<16xi32>
      }
      %scan3A_762 = arith.constant 124 : i32
      %scan3A_763 = arith.addi %scan3A_757, %scan3A_762 : i32
      %gather3A_764 = tpu.vector_load_idx %arg7[%scan3A_761#0] : memref<32000xf32, #tpu.memory_space<vmem>>[vector<16xi32>], vector<16xf32>,
      tpu.vector_store_idx %arg8[%scan3A_761#1, %rem3A_748], %gather3A_764 : memref<4000x16xf32, #tpu.memory_space<vmem>>[vector<16xi32>, vector<16xi32>], vector<16xf32>,
      %add3A_765 = arith.constant 16 : i32
      %add3A_766 = vector.broadcast %add3A_765 : i32 to vector<16xi32>
      %add3A_767 = arith.addi %scan3A_761#0, %add3A_766 : vector<16xi32>
      %add3A_768 = arith.constant 16 : i32
      %add3A_769 = vector.broadcast %add3A_768 : i32 to vector<16xi32>
      %add3A_770 = arith.addi %scan3A_761#1, %add3A_769 : vector<16xi32>
      %scan3A_771 = arith.constant 125 : i32
      %lt3A = arith.constant 4 : i32
      %lt3A_772 = arith.cmpi slt, %scan3A_294, %lt3A : i32
      %convert_element_type3A_773 = arith.extui %lt3A_772 : i1 to i32
      %cond3A_774 = arith.constant 0 : i32
      %cond3A_775 = arith.cmpi ne, %convert_element_type3A_773, %cond3A_774 : i32
      scf.if %cond3A_775 {
        %add3A_794 = arith.constant 1 : i32
        %add3A_795 = arith.addi %scan3A_294, %add3A_794 : i32
        %mul3A_796 = arith.constant 2000 : i32
        %mul3A_797 = arith.muli %add3A_795, %mul3A_796 : i32
        %add3A_798 = arith.addi %mul3A_2, %mul3A_797 : i32
        %dma_start3A_799 = arith.constant 0 : i32
        %dma_start3A_800 = arith.constant 0 : i32
        %dma_start3A_801 = tpu.memref_slice %arg7[%dma_start3A_800] : memref<32000xf32, #tpu.memory_space<vmem>> -> memref<2000xf32, #tpu.memory_space<vmem>>
        %dma_start3A_802 = arith.constant 0 : i32
        %dma_start3A_803 = tpu.memref_slice %arg3[%dma_start3A_799, %dma_start3A_802] : memref<16x320000xf32, #tpu.memory_space<hbm>> -> memref<1x320000xf32, #tpu.memory_space<hbm>>
        %dma_start3A_804 = tpu.memref_squeeze %dma_start3A_803 : memref<1x320000xf32, #tpu.memory_space<hbm>> -> memref<320000xf32, #tpu.memory_space<hbm>>
        %dma_start3A_805 = tpu.memref_slice %dma_start3A_804[%add3A_798] : memref<320000xf32, #tpu.memory_space<hbm>> -> memref<2000xf32, #tpu.memory_space<hbm>>
        %dma_start3A_806 = arith.constant 0 : i32
        %dma_start3A_807 = tpu.memref_slice %arg7[%dma_start3A_806] : memref<32000xf32, #tpu.memory_space<vmem>> -> memref<2000xf32, #tpu.memory_space<vmem>>
        %dma_start3A_808 = arith.constant 0 : i32
        %dma_start3A_809 = tpu.memref_slice %arg3[%dma_start3A_799, %dma_start3A_808] : memref<16x320000xf32, #tpu.memory_space<hbm>> -> memref<1x320000xf32, #tpu.memory_space<hbm>>
        %dma_start3A_810 = tpu.memref_squeeze %dma_start3A_809 : memref<1x320000xf32, #tpu.memory_space<hbm>> -> memref<320000xf32, #tpu.memory_space<hbm>>
        %dma_start3A_811 = tpu.memref_slice %dma_start3A_810[%add3A_798] : memref<320000xf32, #tpu.memory_space<hbm>> -> memref<2000xf32, #tpu.memory_space<hbm>>
        tpu.enqueue_dma source(%dma_start3A_811 : memref<2000xf32, #tpu.memory_space<hbm>>) target(%dma_start3A_807 : memref<2000xf32, #tpu.memory_space<vmem>>) target_semaphore(%arg10 : memref<!tpu.dma_semaphore, #tpu.memory_space<semaphore_mem>>)
        %mul3A_812 = arith.constant 2000 : i32
        %mul3A_813 = arith.muli %add3A_795, %mul3A_812 : i32
        %add3A_814 = arith.addi %mul3A_2, %mul3A_813 : i32
        %dma_start3A_815 = arith.constant 1 : i32
        %dma_start3A_816 = arith.constant 2000 : i32
        %dma_start3A_817 = tpu.memref_slice %arg7[%dma_start3A_816] : memref<32000xf32, #tpu.memory_space<vmem>> -> memref<2000xf32, #tpu.memory_space<vmem>>
        %dma_start3A_818 = arith.constant 0 : i32
        %dma_start3A_819 = tpu.memref_slice %arg3[%dma_start3A_815, %dma_start3A_818] : memref<16x320000xf32, #tpu.memory_space<hbm>> -> memref<1x320000xf32, #tpu.memory_space<hbm>>
        %dma_start3A_820 = tpu.memref_squeeze %dma_start3A_819 : memref<1x320000xf32, #tpu.memory_space<hbm>> -> memref<320000xf32, #tpu.memory_space<hbm>>
        %dma_start3A_821 = tpu.memref_slice %dma_start3A_820[%add3A_814] : memref<320000xf32, #tpu.memory_space<hbm>> -> memref<2000xf32, #tpu.memory_space<hbm>>
        %dma_start3A_822 = arith.constant 2000 : i32
        %dma_start3A_823 = tpu.memref_slice %arg7[%dma_start3A_822] : memref<32000xf32, #tpu.memory_space<vmem>> -> memref<2000xf32, #tpu.memory_space<vmem>>
        %dma_start3A_824 = arith.constant 0 : i32
        %dma_start3A_825 = tpu.memref_slice %arg3[%dma_start3A_815, %dma_start3A_824] : memref<16x320000xf32, #tpu.memory_space<hbm>> -> memref<1x320000xf32, #tpu.memory_space<hbm>>
        %dma_start3A_826 = tpu.memref_squeeze %dma_start3A_825 : memref<1x320000xf32, #tpu.memory_space<hbm>> -> memref<320000xf32, #tpu.memory_space<hbm>>
        %dma_start3A_827 = tpu.memref_slice %dma_start3A_826[%add3A_814] : memref<320000xf32, #tpu.memory_space<hbm>> -> memref<2000xf32, #tpu.memory_space<hbm>>
        tpu.enqueue_dma source(%dma_start3A_827 : memref<2000xf32, #tpu.memory_space<hbm>>) target(%dma_start3A_823 : memref<2000xf32, #tpu.memory_space<vmem>>) target_semaphore(%arg10 : memref<!tpu.dma_semaphore, #tpu.memory_space<semaphore_mem>>)
        %mul3A_828 = arith.constant 2000 : i32
        %mul3A_829 = arith.muli %add3A_795, %mul3A_828 : i32
        %add3A_830 = arith.addi %mul3A_2, %mul3A_829 : i32
        %dma_start3A_831 = arith.constant 2 : i32
        %dma_start3A_832 = arith.constant 4000 : i32
        %dma_start3A_833 = tpu.memref_slice %arg7[%dma_start3A_832] : memref<32000xf32, #tpu.memory_space<vmem>> -> memref<2000xf32, #tpu.memory_space<vmem>>
        %dma_start3A_834 = arith.constant 0 : i32
        %dma_start3A_835 = tpu.memref_slice %arg3[%dma_start3A_831, %dma_start3A_834] : memref<16x320000xf32, #tpu.memory_space<hbm>> -> memref<1x320000xf32, #tpu.memory_space<hbm>>
        %dma_start3A_836 = tpu.memref_squeeze %dma_start3A_835 : memref<1x320000xf32, #tpu.memory_space<hbm>> -> memref<320000xf32, #tpu.memory_space<hbm>>
        %dma_start3A_837 = tpu.memref_slice %dma_start3A_836[%add3A_830] : memref<320000xf32, #tpu.memory_space<hbm>> -> memref<2000xf32, #tpu.memory_space<hbm>>
        %dma_start3A_838 = arith.constant 4000 : i32
        %dma_start3A_839 = tpu.memref_slice %arg7[%dma_start3A_838] : memref<32000xf32, #tpu.memory_space<vmem>> -> memref<2000xf32, #tpu.memory_space<vmem>>
        %dma_start3A_840 = arith.constant 0 : i32
        %dma_start3A_841 = tpu.memref_slice %arg3[%dma_start3A_831, %dma_start3A_840] : memref<16x320000xf32, #tpu.memory_space<hbm>> -> memref<1x320000xf32, #tpu.memory_space<hbm>>
        %dma_start3A_842 = tpu.memref_squeeze %dma_start3A_841 : memref<1x320000xf32, #tpu.memory_space<hbm>> -> memref<320000xf32, #tpu.memory_space<hbm>>
        %dma_start3A_843 = tpu.memref_slice %dma_start3A_842[%add3A_830] : memref<320000xf32, #tpu.memory_space<hbm>> -> memref<2000xf32, #tpu.memory_space<hbm>>
        tpu.enqueue_dma source(%dma_start3A_843 : memref<2000xf32, #tpu.memory_space<hbm>>) target(%dma_start3A_839 : memref<2000xf32, #tpu.memory_space<vmem>>) target_semaphore(%arg10 : memref<!tpu.dma_semaphore, #tpu.memory_space<semaphore_mem>>)
        %mul3A_844 = arith.constant 2000 : i32
        %mul3A_845 = arith.muli %add3A_795, %mul3A_844 : i32
        %add3A_846 = arith.addi %mul3A_2, %mul3A_845 : i32
        %dma_start3A_847 = arith.constant 3 : i32
        %dma_start3A_848 = arith.constant 6000 : i32
        %dma_start3A_849 = tpu.memref_slice %arg7[%dma_start3A_848] : memref<32000xf32, #tpu.memory_space<vmem>> -> memref<2000xf32, #tpu.memory_space<vmem>>
        %dma_start3A_850 = arith.constant 0 : i32
        %dma_start3A_851 = tpu.memref_slice %arg3[%dma_start3A_847, %dma_start3A_850] : memref<16x320000xf32, #tpu.memory_space<hbm>> -> memref<1x320000xf32, #tpu.memory_space<hbm>>
        %dma_start3A_852 = tpu.memref_squeeze %dma_start3A_851 : memref<1x320000xf32, #tpu.memory_space<hbm>> -> memref<320000xf32, #tpu.memory_space<hbm>>
        %dma_start3A_853 = tpu.memref_slice %dma_start3A_852[%add3A_846] : memref<320000xf32, #tpu.memory_space<hbm>> -> memref<2000xf32, #tpu.memory_space<hbm>>
        %dma_start3A_854 = arith.constant 6000 : i32
        %dma_start3A_855 = tpu.memref_slice %arg7[%dma_start3A_854] : memref<32000xf32, #tpu.memory_space<vmem>> -> memref<2000xf32, #tpu.memory_space<vmem>>
        %dma_start3A_856 = arith.constant 0 : i32
        %dma_start3A_857 = tpu.memref_slice %arg3[%dma_start3A_847, %dma_start3A_856] : memref<16x320000xf32, #tpu.memory_space<hbm>> -> memref<1x320000xf32, #tpu.memory_space<hbm>>
        %dma_start3A_858 = tpu.memref_squeeze %dma_start3A_857 : memref<1x320000xf32, #tpu.memory_space<hbm>> -> memref<320000xf32, #tpu.memory_space<hbm>>
        %dma_start3A_859 = tpu.memref_slice %dma_start3A_858[%add3A_846] : memref<320000xf32, #tpu.memory_space<hbm>> -> memref<2000xf32, #tpu.memory_space<hbm>>
        tpu.enqueue_dma source(%dma_start3A_859 : memref<2000xf32, #tpu.memory_space<hbm>>) target(%dma_start3A_855 : memref<2000xf32, #tpu.memory_space<vmem>>) target_semaphore(%arg10 : memref<!tpu.dma_semaphore, #tpu.memory_space<semaphore_mem>>)
        %mul3A_860 = arith.constant 2000 : i32
        %mul3A_861 = arith.muli %add3A_795, %mul3A_860 : i32
        %add3A_862 = arith.addi %mul3A_2, %mul3A_861 : i32
        %dma_start3A_863 = arith.constant 4 : i32
        %dma_start3A_864 = arith.constant 8000 : i32
        %dma_start3A_865 = tpu.memref_slice %arg7[%dma_start3A_864] : memref<32000xf32, #tpu.memory_space<vmem>> -> memref<2000xf32, #tpu.memory_space<vmem>>
        %dma_start3A_866 = arith.constant 0 : i32
        %dma_start3A_867 = tpu.memref_slice %arg3[%dma_start3A_863, %dma_start3A_866] : memref<16x320000xf32, #tpu.memory_space<hbm>> -> memref<1x320000xf32, #tpu.memory_space<hbm>>
        %dma_start3A_868 = tpu.memref_squeeze %dma_start3A_867 : memref<1x320000xf32, #tpu.memory_space<hbm>> -> memref<320000xf32, #tpu.memory_space<hbm>>
        %dma_start3A_869 = tpu.memref_slice %dma_start3A_868[%add3A_862] : memref<320000xf32, #tpu.memory_space<hbm>> -> memref<2000xf32, #tpu.memory_space<hbm>>
        %dma_start3A_870 = arith.constant 8000 : i32
        %dma_start3A_871 = tpu.memref_slice %arg7[%dma_start3A_870] : memref<32000xf32, #tpu.memory_space<vmem>> -> memref<2000xf32, #tpu.memory_space<vmem>>
        %dma_start3A_872 = arith.constant 0 : i32
        %dma_start3A_873 = tpu.memref_slice %arg3[%dma_start3A_863, %dma_start3A_872] : memref<16x320000xf32, #tpu.memory_space<hbm>> -> memref<1x320000xf32, #tpu.memory_space<hbm>>
        %dma_start3A_874 = tpu.memref_squeeze %dma_start3A_873 : memref<1x320000xf32, #tpu.memory_space<hbm>> -> memref<320000xf32, #tpu.memory_space<hbm>>
        %dma_start3A_875 = tpu.memref_slice %dma_start3A_874[%add3A_862] : memref<320000xf32, #tpu.memory_space<hbm>> -> memref<2000xf32, #tpu.memory_space<hbm>>
        tpu.enqueue_dma source(%dma_start3A_875 : memref<2000xf32, #tpu.memory_space<hbm>>) target(%dma_start3A_871 : memref<2000xf32, #tpu.memory_space<vmem>>) target_semaphore(%arg10 : memref<!tpu.dma_semaphore, #tpu.memory_space<semaphore_mem>>)
        %mul3A_876 = arith.constant 2000 : i32
        %mul3A_877 = arith.muli %add3A_795, %mul3A_876 : i32
        %add3A_878 = arith.addi %mul3A_2, %mul3A_877 : i32
        %dma_start3A_879 = arith.constant 5 : i32
        %dma_start3A_880 = arith.constant 10000 : i32
        %dma_start3A_881 = tpu.memref_slice %arg7[%dma_start3A_880] : memref<32000xf32, #tpu.memory_space<vmem>> -> memref<2000xf32, #tpu.memory_space<vmem>>
        %dma_start3A_882 = arith.constant 0 : i32
        %dma_start3A_883 = tpu.memref_slice %arg3[%dma_start3A_879, %dma_start3A_882] : memref<16x320000xf32, #tpu.memory_space<hbm>> -> memref<1x320000xf32, #tpu.memory_space<hbm>>
        %dma_start3A_884 = tpu.memref_squeeze %dma_start3A_883 : memref<1x320000xf32, #tpu.memory_space<hbm>> -> memref<320000xf32, #tpu.memory_space<hbm>>
        %dma_start3A_885 = tpu.memref_slice %dma_start3A_884[%add3A_878] : memref<320000xf32, #tpu.memory_space<hbm>> -> memref<2000xf32, #tpu.memory_space<hbm>>
        %dma_start3A_886 = arith.constant 10000 : i32
        %dma_start3A_887 = tpu.memref_slice %arg7[%dma_start3A_886] : memref<32000xf32, #tpu.memory_space<vmem>> -> memref<2000xf32, #tpu.memory_space<vmem>>
        %dma_start3A_888 = arith.constant 0 : i32
        %dma_start3A_889 = tpu.memref_slice %arg3[%dma_start3A_879, %dma_start3A_888] : memref<16x320000xf32, #tpu.memory_space<hbm>> -> memref<1x320000xf32, #tpu.memory_space<hbm>>
        %dma_start3A_890 = tpu.memref_squeeze %dma_start3A_889 : memref<1x320000xf32, #tpu.memory_space<hbm>> -> memref<320000xf32, #tpu.memory_space<hbm>>
        %dma_start3A_891 = tpu.memref_slice %dma_start3A_890[%add3A_878] : memref<320000xf32, #tpu.memory_space<hbm>> -> memref<2000xf32, #tpu.memory_space<hbm>>
        tpu.enqueue_dma source(%dma_start3A_891 : memref<2000xf32, #tpu.memory_space<hbm>>) target(%dma_start3A_887 : memref<2000xf32, #tpu.memory_space<vmem>>) target_semaphore(%arg10 : memref<!tpu.dma_semaphore, #tpu.memory_space<semaphore_mem>>)
        %mul3A_892 = arith.constant 2000 : i32
        %mul3A_893 = arith.muli %add3A_795, %mul3A_892 : i32
        %add3A_894 = arith.addi %mul3A_2, %mul3A_893 : i32
        %dma_start3A_895 = arith.constant 6 : i32
        %dma_start3A_896 = arith.constant 12000 : i32
        %dma_start3A_897 = tpu.memref_slice %arg7[%dma_start3A_896] : memref<32000xf32, #tpu.memory_space<vmem>> -> memref<2000xf32, #tpu.memory_space<vmem>>
        %dma_start3A_898 = arith.constant 0 : i32
        %dma_start3A_899 = tpu.memref_slice %arg3[%dma_start3A_895, %dma_start3A_898] : memref<16x320000xf32, #tpu.memory_space<hbm>> -> memref<1x320000xf32, #tpu.memory_space<hbm>>
        %dma_start3A_900 = tpu.memref_squeeze %dma_start3A_899 : memref<1x320000xf32, #tpu.memory_space<hbm>> -> memref<320000xf32, #tpu.memory_space<hbm>>
        %dma_start3A_901 = tpu.memref_slice %dma_start3A_900[%add3A_894] : memref<320000xf32, #tpu.memory_space<hbm>> -> memref<2000xf32, #tpu.memory_space<hbm>>
        %dma_start3A_902 = arith.constant 12000 : i32
        %dma_start3A_903 = tpu.memref_slice %arg7[%dma_start3A_902] : memref<32000xf32, #tpu.memory_space<vmem>> -> memref<2000xf32, #tpu.memory_space<vmem>>
        %dma_start3A_904 = arith.constant 0 : i32
        %dma_start3A_905 = tpu.memref_slice %arg3[%dma_start3A_895, %dma_start3A_904] : memref<16x320000xf32, #tpu.memory_space<hbm>> -> memref<1x320000xf32, #tpu.memory_space<hbm>>
        %dma_start3A_906 = tpu.memref_squeeze %dma_start3A_905 : memref<1x320000xf32, #tpu.memory_space<hbm>> -> memref<320000xf32, #tpu.memory_space<hbm>>
        %dma_start3A_907 = tpu.memref_slice %dma_start3A_906[%add3A_894] : memref<320000xf32, #tpu.memory_space<hbm>> -> memref<2000xf32, #tpu.memory_space<hbm>>
        tpu.enqueue_dma source(%dma_start3A_907 : memref<2000xf32, #tpu.memory_space<hbm>>) target(%dma_start3A_903 : memref<2000xf32, #tpu.memory_space<vmem>>) target_semaphore(%arg10 : memref<!tpu.dma_semaphore, #tpu.memory_space<semaphore_mem>>)
        %mul3A_908 = arith.constant 2000 : i32
        %mul3A_909 = arith.muli %add3A_795, %mul3A_908 : i32
        %add3A_910 = arith.addi %mul3A_2, %mul3A_909 : i32
        %dma_start3A_911 = arith.constant 7 : i32
        %dma_start3A_912 = arith.constant 14000 : i32
        %dma_start3A_913 = tpu.memref_slice %arg7[%dma_start3A_912] : memref<32000xf32, #tpu.memory_space<vmem>> -> memref<2000xf32, #tpu.memory_space<vmem>>
        %dma_start3A_914 = arith.constant 0 : i32
        %dma_start3A_915 = tpu.memref_slice %arg3[%dma_start3A_911, %dma_start3A_914] : memref<16x320000xf32, #tpu.memory_space<hbm>> -> memref<1x320000xf32, #tpu.memory_space<hbm>>
        %dma_start3A_916 = tpu.memref_squeeze %dma_start3A_915 : memref<1x320000xf32, #tpu.memory_space<hbm>> -> memref<320000xf32, #tpu.memory_space<hbm>>
        %dma_start3A_917 = tpu.memref_slice %dma_start3A_916[%add3A_910] : memref<320000xf32, #tpu.memory_space<hbm>> -> memref<2000xf32, #tpu.memory_space<hbm>>
        %dma_start3A_918 = arith.constant 14000 : i32
        %dma_start3A_919 = tpu.memref_slice %arg7[%dma_start3A_918] : memref<32000xf32, #tpu.memory_space<vmem>> -> memref<2000xf32, #tpu.memory_space<vmem>>
        %dma_start3A_920 = arith.constant 0 : i32
        %dma_start3A_921 = tpu.memref_slice %arg3[%dma_start3A_911, %dma_start3A_920] : memref<16x320000xf32, #tpu.memory_space<hbm>> -> memref<1x320000xf32, #tpu.memory_space<hbm>>
        %dma_start3A_922 = tpu.memref_squeeze %dma_start3A_921 : memref<1x320000xf32, #tpu.memory_space<hbm>> -> memref<320000xf32, #tpu.memory_space<hbm>>
        %dma_start3A_923 = tpu.memref_slice %dma_start3A_922[%add3A_910] : memref<320000xf32, #tpu.memory_space<hbm>> -> memref<2000xf32, #tpu.memory_space<hbm>>
        tpu.enqueue_dma source(%dma_start3A_923 : memref<2000xf32, #tpu.memory_space<hbm>>) target(%dma_start3A_919 : memref<2000xf32, #tpu.memory_space<vmem>>) target_semaphore(%arg10 : memref<!tpu.dma_semaphore, #tpu.memory_space<semaphore_mem>>)
        %mul3A_924 = arith.constant 2000 : i32
        %mul3A_925 = arith.muli %add3A_795, %mul3A_924 : i32
        %add3A_926 = arith.addi %mul3A_2, %mul3A_925 : i32
        %dma_start3A_927 = arith.constant 8 : i32
        %dma_start3A_928 = arith.constant 16000 : i32
        %dma_start3A_929 = tpu.memref_slice %arg7[%dma_start3A_928] : memref<32000xf32, #tpu.memory_space<vmem>> -> memref<2000xf32, #tpu.memory_space<vmem>>
        %dma_start3A_930 = arith.constant 0 : i32
        %dma_start3A_931 = tpu.memref_slice %arg3[%dma_start3A_927, %dma_start3A_930] : memref<16x320000xf32, #tpu.memory_space<hbm>> -> memref<1x320000xf32, #tpu.memory_space<hbm>>
        %dma_start3A_932 = tpu.memref_squeeze %dma_start3A_931 : memref<1x320000xf32, #tpu.memory_space<hbm>> -> memref<320000xf32, #tpu.memory_space<hbm>>
        %dma_start3A_933 = tpu.memref_slice %dma_start3A_932[%add3A_926] : memref<320000xf32, #tpu.memory_space<hbm>> -> memref<2000xf32, #tpu.memory_space<hbm>>
        %dma_start3A_934 = arith.constant 16000 : i32
        %dma_start3A_935 = tpu.memref_slice %arg7[%dma_start3A_934] : memref<32000xf32, #tpu.memory_space<vmem>> -> memref<2000xf32, #tpu.memory_space<vmem>>
        %dma_start3A_936 = arith.constant 0 : i32
        %dma_start3A_937 = tpu.memref_slice %arg3[%dma_start3A_927, %dma_start3A_936] : memref<16x320000xf32, #tpu.memory_space<hbm>> -> memref<1x320000xf32, #tpu.memory_space<hbm>>
        %dma_start3A_938 = tpu.memref_squeeze %dma_start3A_937 : memref<1x320000xf32, #tpu.memory_space<hbm>> -> memref<320000xf32, #tpu.memory_space<hbm>>
        %dma_start3A_939 = tpu.memref_slice %dma_start3A_938[%add3A_926] : memref<320000xf32, #tpu.memory_space<hbm>> -> memref<2000xf32, #tpu.memory_space<hbm>>
        tpu.enqueue_dma source(%dma_start3A_939 : memref<2000xf32, #tpu.memory_space<hbm>>) target(%dma_start3A_935 : memref<2000xf32, #tpu.memory_space<vmem>>) target_semaphore(%arg10 : memref<!tpu.dma_semaphore, #tpu.memory_space<semaphore_mem>>)
        %mul3A_940 = arith.constant 2000 : i32
        %mul3A_941 = arith.muli %add3A_795, %mul3A_940 : i32
        %add3A_942 = arith.addi %mul3A_2, %mul3A_941 : i32
        %dma_start3A_943 = arith.constant 9 : i32
        %dma_start3A_944 = arith.constant 18000 : i32
        %dma_start3A_945 = tpu.memref_slice %arg7[%dma_start3A_944] : memref<32000xf32, #tpu.memory_space<vmem>> -> memref<2000xf32, #tpu.memory_space<vmem>>
        %dma_start3A_946 = arith.constant 0 : i32
        %dma_start3A_947 = tpu.memref_slice %arg3[%dma_start3A_943, %dma_start3A_946] : memref<16x320000xf32, #tpu.memory_space<hbm>> -> memref<1x320000xf32, #tpu.memory_space<hbm>>
        %dma_start3A_948 = tpu.memref_squeeze %dma_start3A_947 : memref<1x320000xf32, #tpu.memory_space<hbm>> -> memref<320000xf32, #tpu.memory_space<hbm>>
        %dma_start3A_949 = tpu.memref_slice %dma_start3A_948[%add3A_942] : memref<320000xf32, #tpu.memory_space<hbm>> -> memref<2000xf32, #tpu.memory_space<hbm>>
        %dma_start3A_950 = arith.constant 18000 : i32
        %dma_start3A_951 = tpu.memref_slice %arg7[%dma_start3A_950] : memref<32000xf32, #tpu.memory_space<vmem>> -> memref<2000xf32, #tpu.memory_space<vmem>>
        %dma_start3A_952 = arith.constant 0 : i32
        %dma_start3A_953 = tpu.memref_slice %arg3[%dma_start3A_943, %dma_start3A_952] : memref<16x320000xf32, #tpu.memory_space<hbm>> -> memref<1x320000xf32, #tpu.memory_space<hbm>>
        %dma_start3A_954 = tpu.memref_squeeze %dma_start3A_953 : memref<1x320000xf32, #tpu.memory_space<hbm>> -> memref<320000xf32, #tpu.memory_space<hbm>>
        %dma_start3A_955 = tpu.memref_slice %dma_start3A_954[%add3A_942] : memref<320000xf32, #tpu.memory_space<hbm>> -> memref<2000xf32, #tpu.memory_space<hbm>>
        tpu.enqueue_dma source(%dma_start3A_955 : memref<2000xf32, #tpu.memory_space<hbm>>) target(%dma_start3A_951 : memref<2000xf32, #tpu.memory_space<vmem>>) target_semaphore(%arg10 : memref<!tpu.dma_semaphore, #tpu.memory_space<semaphore_mem>>)
        %mul3A_956 = arith.constant 2000 : i32
        %mul3A_957 = arith.muli %add3A_795, %mul3A_956 : i32
        %add3A_958 = arith.addi %mul3A_2, %mul3A_957 : i32
        %dma_start3A_959 = arith.constant 10 : i32
        %dma_start3A_960 = arith.constant 20000 : i32
        %dma_start3A_961 = tpu.memref_slice %arg7[%dma_start3A_960] : memref<32000xf32, #tpu.memory_space<vmem>> -> memref<2000xf32, #tpu.memory_space<vmem>>
        %dma_start3A_962 = arith.constant 0 : i32
        %dma_start3A_963 = tpu.memref_slice %arg3[%dma_start3A_959, %dma_start3A_962] : memref<16x320000xf32, #tpu.memory_space<hbm>> -> memref<1x320000xf32, #tpu.memory_space<hbm>>
        %dma_start3A_964 = tpu.memref_squeeze %dma_start3A_963 : memref<1x320000xf32, #tpu.memory_space<hbm>> -> memref<320000xf32, #tpu.memory_space<hbm>>
        %dma_start3A_965 = tpu.memref_slice %dma_start3A_964[%add3A_958] : memref<320000xf32, #tpu.memory_space<hbm>> -> memref<2000xf32, #tpu.memory_space<hbm>>
        %dma_start3A_966 = arith.constant 20000 : i32
        %dma_start3A_967 = tpu.memref_slice %arg7[%dma_start3A_966] : memref<32000xf32, #tpu.memory_space<vmem>> -> memref<2000xf32, #tpu.memory_space<vmem>>
        %dma_start3A_968 = arith.constant 0 : i32
        %dma_start3A_969 = tpu.memref_slice %arg3[%dma_start3A_959, %dma_start3A_968] : memref<16x320000xf32, #tpu.memory_space<hbm>> -> memref<1x320000xf32, #tpu.memory_space<hbm>>
        %dma_start3A_970 = tpu.memref_squeeze %dma_start3A_969 : memref<1x320000xf32, #tpu.memory_space<hbm>> -> memref<320000xf32, #tpu.memory_space<hbm>>
        %dma_start3A_971 = tpu.memref_slice %dma_start3A_970[%add3A_958] : memref<320000xf32, #tpu.memory_space<hbm>> -> memref<2000xf32, #tpu.memory_space<hbm>>
        tpu.enqueue_dma source(%dma_start3A_971 : memref<2000xf32, #tpu.memory_space<hbm>>) target(%dma_start3A_967 : memref<2000xf32, #tpu.memory_space<vmem>>) target_semaphore(%arg10 : memref<!tpu.dma_semaphore, #tpu.memory_space<semaphore_mem>>)
        %mul3A_972 = arith.constant 2000 : i32
        %mul3A_973 = arith.muli %add3A_795, %mul3A_972 : i32
        %add3A_974 = arith.addi %mul3A_2, %mul3A_973 : i32
        %dma_start3A_975 = arith.constant 11 : i32
        %dma_start3A_976 = arith.constant 22000 : i32
        %dma_start3A_977 = tpu.memref_slice %arg7[%dma_start3A_976] : memref<32000xf32, #tpu.memory_space<vmem>> -> memref<2000xf32, #tpu.memory_space<vmem>>
        %dma_start3A_978 = arith.constant 0 : i32
        %dma_start3A_979 = tpu.memref_slice %arg3[%dma_start3A_975, %dma_start3A_978] : memref<16x320000xf32, #tpu.memory_space<hbm>> -> memref<1x320000xf32, #tpu.memory_space<hbm>>
        %dma_start3A_980 = tpu.memref_squeeze %dma_start3A_979 : memref<1x320000xf32, #tpu.memory_space<hbm>> -> memref<320000xf32, #tpu.memory_space<hbm>>
        %dma_start3A_981 = tpu.memref_slice %dma_start3A_980[%add3A_974] : memref<320000xf32, #tpu.memory_space<hbm>> -> memref<2000xf32, #tpu.memory_space<hbm>>
        %dma_start3A_982 = arith.constant 22000 : i32
        %dma_start3A_983 = tpu.memref_slice %arg7[%dma_start3A_982] : memref<32000xf32, #tpu.memory_space<vmem>> -> memref<2000xf32, #tpu.memory_space<vmem>>
        %dma_start3A_984 = arith.constant 0 : i32
        %dma_start3A_985 = tpu.memref_slice %arg3[%dma_start3A_975, %dma_start3A_984] : memref<16x320000xf32, #tpu.memory_space<hbm>> -> memref<1x320000xf32, #tpu.memory_space<hbm>>
        %dma_start3A_986 = tpu.memref_squeeze %dma_start3A_985 : memref<1x320000xf32, #tpu.memory_space<hbm>> -> memref<320000xf32, #tpu.memory_space<hbm>>
        %dma_start3A_987 = tpu.memref_slice %dma_start3A_986[%add3A_974] : memref<320000xf32, #tpu.memory_space<hbm>> -> memref<2000xf32, #tpu.memory_space<hbm>>
        tpu.enqueue_dma source(%dma_start3A_987 : memref<2000xf32, #tpu.memory_space<hbm>>) target(%dma_start3A_983 : memref<2000xf32, #tpu.memory_space<vmem>>) target_semaphore(%arg10 : memref<!tpu.dma_semaphore, #tpu.memory_space<semaphore_mem>>)
        %mul3A_988 = arith.constant 2000 : i32
        %mul3A_989 = arith.muli %add3A_795, %mul3A_988 : i32
        %add3A_990 = arith.addi %mul3A_2, %mul3A_989 : i32
        %dma_start3A_991 = arith.constant 12 : i32
        %dma_start3A_992 = arith.constant 24000 : i32
        %dma_start3A_993 = tpu.memref_slice %arg7[%dma_start3A_992] : memref<32000xf32, #tpu.memory_space<vmem>> -> memref<2000xf32, #tpu.memory_space<vmem>>
        %dma_start3A_994 = arith.constant 0 : i32
        %dma_start3A_995 = tpu.memref_slice %arg3[%dma_start3A_991, %dma_start3A_994] : memref<16x320000xf32, #tpu.memory_space<hbm>> -> memref<1x320000xf32, #tpu.memory_space<hbm>>
        %dma_start3A_996 = tpu.memref_squeeze %dma_start3A_995 : memref<1x320000xf32, #tpu.memory_space<hbm>> -> memref<320000xf32, #tpu.memory_space<hbm>>
        %dma_start3A_997 = tpu.memref_slice %dma_start3A_996[%add3A_990] : memref<320000xf32, #tpu.memory_space<hbm>> -> memref<2000xf32, #tpu.memory_space<hbm>>
        %dma_start3A_998 = arith.constant 24000 : i32
        %dma_start3A_999 = tpu.memref_slice %arg7[%dma_start3A_998] : memref<32000xf32, #tpu.memory_space<vmem>> -> memref<2000xf32, #tpu.memory_space<vmem>>
        %dma_start3A_1000 = arith.constant 0 : i32
        %dma_start3A_1001 = tpu.memref_slice %arg3[%dma_start3A_991, %dma_start3A_1000] : memref<16x320000xf32, #tpu.memory_space<hbm>> -> memref<1x320000xf32, #tpu.memory_space<hbm>>
        %dma_start3A_1002 = tpu.memref_squeeze %dma_start3A_1001 : memref<1x320000xf32, #tpu.memory_space<hbm>> -> memref<320000xf32, #tpu.memory_space<hbm>>
        %dma_start3A_1003 = tpu.memref_slice %dma_start3A_1002[%add3A_990] : memref<320000xf32, #tpu.memory_space<hbm>> -> memref<2000xf32, #tpu.memory_space<hbm>>
        tpu.enqueue_dma source(%dma_start3A_1003 : memref<2000xf32, #tpu.memory_space<hbm>>) target(%dma_start3A_999 : memref<2000xf32, #tpu.memory_space<vmem>>) target_semaphore(%arg10 : memref<!tpu.dma_semaphore, #tpu.memory_space<semaphore_mem>>)
        %mul3A_1004 = arith.constant 2000 : i32
        %mul3A_1005 = arith.muli %add3A_795, %mul3A_1004 : i32
        %add3A_1006 = arith.addi %mul3A_2, %mul3A_1005 : i32
        %dma_start3A_1007 = arith.constant 13 : i32
        %dma_start3A_1008 = arith.constant 26000 : i32
        %dma_start3A_1009 = tpu.memref_slice %arg7[%dma_start3A_1008] : memref<32000xf32, #tpu.memory_space<vmem>> -> memref<2000xf32, #tpu.memory_space<vmem>>
        %dma_start3A_1010 = arith.constant 0 : i32
        %dma_start3A_1011 = tpu.memref_slice %arg3[%dma_start3A_1007, %dma_start3A_1010] : memref<16x320000xf32, #tpu.memory_space<hbm>> -> memref<1x320000xf32, #tpu.memory_space<hbm>>
        %dma_start3A_1012 = tpu.memref_squeeze %dma_start3A_1011 : memref<1x320000xf32, #tpu.memory_space<hbm>> -> memref<320000xf32, #tpu.memory_space<hbm>>
        %dma_start3A_1013 = tpu.memref_slice %dma_start3A_1012[%add3A_1006] : memref<320000xf32, #tpu.memory_space<hbm>> -> memref<2000xf32, #tpu.memory_space<hbm>>
        %dma_start3A_1014 = arith.constant 26000 : i32
        %dma_start3A_1015 = tpu.memref_slice %arg7[%dma_start3A_1014] : memref<32000xf32, #tpu.memory_space<vmem>> -> memref<2000xf32, #tpu.memory_space<vmem>>
        %dma_start3A_1016 = arith.constant 0 : i32
        %dma_start3A_1017 = tpu.memref_slice %arg3[%dma_start3A_1007, %dma_start3A_1016] : memref<16x320000xf32, #tpu.memory_space<hbm>> -> memref<1x320000xf32, #tpu.memory_space<hbm>>
        %dma_start3A_1018 = tpu.memref_squeeze %dma_start3A_1017 : memref<1x320000xf32, #tpu.memory_space<hbm>> -> memref<320000xf32, #tpu.memory_space<hbm>>
        %dma_start3A_1019 = tpu.memref_slice %dma_start3A_1018[%add3A_1006] : memref<320000xf32, #tpu.memory_space<hbm>> -> memref<2000xf32, #tpu.memory_space<hbm>>
        tpu.enqueue_dma source(%dma_start3A_1019 : memref<2000xf32, #tpu.memory_space<hbm>>) target(%dma_start3A_1015 : memref<2000xf32, #tpu.memory_space<vmem>>) target_semaphore(%arg10 : memref<!tpu.dma_semaphore, #tpu.memory_space<semaphore_mem>>)
        %mul3A_1020 = arith.constant 2000 : i32
        %mul3A_1021 = arith.muli %add3A_795, %mul3A_1020 : i32
        %add3A_1022 = arith.addi %mul3A_2, %mul3A_1021 : i32
        %dma_start3A_1023 = arith.constant 14 : i32
        %dma_start3A_1024 = arith.constant 28000 : i32
        %dma_start3A_1025 = tpu.memref_slice %arg7[%dma_start3A_1024] : memref<32000xf32, #tpu.memory_space<vmem>> -> memref<2000xf32, #tpu.memory_space<vmem>>
        %dma_start3A_1026 = arith.constant 0 : i32
        %dma_start3A_1027 = tpu.memref_slice %arg3[%dma_start3A_1023, %dma_start3A_1026] : memref<16x320000xf32, #tpu.memory_space<hbm>> -> memref<1x320000xf32, #tpu.memory_space<hbm>>
        %dma_start3A_1028 = tpu.memref_squeeze %dma_start3A_1027 : memref<1x320000xf32, #tpu.memory_space<hbm>> -> memref<320000xf32, #tpu.memory_space<hbm>>
        %dma_start3A_1029 = tpu.memref_slice %dma_start3A_1028[%add3A_1022] : memref<320000xf32, #tpu.memory_space<hbm>> -> memref<2000xf32, #tpu.memory_space<hbm>>
        %dma_start3A_1030 = arith.constant 28000 : i32
        %dma_start3A_1031 = tpu.memref_slice %arg7[%dma_start3A_1030] : memref<32000xf32, #tpu.memory_space<vmem>> -> memref<2000xf32, #tpu.memory_space<vmem>>
        %dma_start3A_1032 = arith.constant 0 : i32
        %dma_start3A_1033 = tpu.memref_slice %arg3[%dma_start3A_1023, %dma_start3A_1032] : memref<16x320000xf32, #tpu.memory_space<hbm>> -> memref<1x320000xf32, #tpu.memory_space<hbm>>
        %dma_start3A_1034 = tpu.memref_squeeze %dma_start3A_1033 : memref<1x320000xf32, #tpu.memory_space<hbm>> -> memref<320000xf32, #tpu.memory_space<hbm>>
        %dma_start3A_1035 = tpu.memref_slice %dma_start3A_1034[%add3A_1022] : memref<320000xf32, #tpu.memory_space<hbm>> -> memref<2000xf32, #tpu.memory_space<hbm>>
        tpu.enqueue_dma source(%dma_start3A_1035 : memref<2000xf32, #tpu.memory_space<hbm>>) target(%dma_start3A_1031 : memref<2000xf32, #tpu.memory_space<vmem>>) target_semaphore(%arg10 : memref<!tpu.dma_semaphore, #tpu.memory_space<semaphore_mem>>)
        %mul3A_1036 = arith.constant 2000 : i32
        %mul3A_1037 = arith.muli %add3A_795, %mul3A_1036 : i32
        %add3A_1038 = arith.addi %mul3A_2, %mul3A_1037 : i32
        %dma_start3A_1039 = arith.constant 15 : i32
        %dma_start3A_1040 = arith.constant 30000 : i32
        %dma_start3A_1041 = tpu.memref_slice %arg7[%dma_start3A_1040] : memref<32000xf32, #tpu.memory_space<vmem>> -> memref<2000xf32, #tpu.memory_space<vmem>>
        %dma_start3A_1042 = arith.constant 0 : i32
        %dma_start3A_1043 = tpu.memref_slice %arg3[%dma_start3A_1039, %dma_start3A_1042] : memref<16x320000xf32, #tpu.memory_space<hbm>> -> memref<1x320000xf32, #tpu.memory_space<hbm>>
        %dma_start3A_1044 = tpu.memref_squeeze %dma_start3A_1043 : memref<1x320000xf32, #tpu.memory_space<hbm>> -> memref<320000xf32, #tpu.memory_space<hbm>>
        %dma_start3A_1045 = tpu.memref_slice %dma_start3A_1044[%add3A_1038] : memref<320000xf32, #tpu.memory_space<hbm>> -> memref<2000xf32, #tpu.memory_space<hbm>>
        %dma_start3A_1046 = arith.constant 30000 : i32
        %dma_start3A_1047 = tpu.memref_slice %arg7[%dma_start3A_1046] : memref<32000xf32, #tpu.memory_space<vmem>> -> memref<2000xf32, #tpu.memory_space<vmem>>
        %dma_start3A_1048 = arith.constant 0 : i32
        %dma_start3A_1049 = tpu.memref_slice %arg3[%dma_start3A_1039, %dma_start3A_1048] : memref<16x320000xf32, #tpu.memory_space<hbm>> -> memref<1x320000xf32, #tpu.memory_space<hbm>>
        %dma_start3A_1050 = tpu.memref_squeeze %dma_start3A_1049 : memref<1x320000xf32, #tpu.memory_space<hbm>> -> memref<320000xf32, #tpu.memory_space<hbm>>
        %dma_start3A_1051 = tpu.memref_slice %dma_start3A_1050[%add3A_1038] : memref<320000xf32, #tpu.memory_space<hbm>> -> memref<2000xf32, #tpu.memory_space<hbm>>
        tpu.enqueue_dma source(%dma_start3A_1051 : memref<2000xf32, #tpu.memory_space<hbm>>) target(%dma_start3A_1047 : memref<2000xf32, #tpu.memory_space<vmem>>) target_semaphore(%arg10 : memref<!tpu.dma_semaphore, #tpu.memory_space<semaphore_mem>>)
      } else {
      }
      %scan3A_776 = arith.constant 0 : i32
      %mul3A_777 = arith.constant 2000 : i32
      %mul3A_778 = arith.muli %rem3A_295, %mul3A_777 : i32
      %mul3A_779 = arith.constant 2000 : i32
      %mul3A_780 = arith.muli %scan3A_776, %mul3A_779 : i32
      %add3A_781 = arith.addi %mul3A_778, %mul3A_780 : i32
      %mul3A_782 = arith.constant 2000 : i32
      %mul3A_783 = arith.muli %scan3A_294, %mul3A_782 : i32
      %mul3A_784 = arith.constant 2000 : i32
      %mul3A_785 = arith.muli %scan3A_776, %mul3A_784 : i32
      %add3A_786 = arith.addi %mul3A_783, %mul3A_785 : i32
      %dma_start3A_787 = arith.constant 0 : i32
      %dma_start3A_788 = tpu.memref_slice %arg8[%add3A_781, %dma_start3A_787] : memref<4000x16xf32, #tpu.memory_space<vmem>> -> memref<2000x16xf32, #tpu.memory_space<vmem>>
      %dma_start3A_789 = tpu.memref_slice %arg6[%add3A_786] : memref<10000xi32, #tpu.memory_space<vmem>> -> memref<2000xi32, #tpu.memory_space<vmem>>
      %dma_start3A_790 = arith.constant 0 : i32
      %dma_start3A_791 = arith.constant 0 : i32
      %dma_start3A_792 = tpu.memref_slice %arg9[%dma_start3A_790, %dma_start3A_791] : memref<10240x16xf32, #tpu.memory_space<vmem_shared>> -> memref<10240x16xf32, #tpu.memory_space<vmem_shared>>
      tpu.enqueue_indirect_dma source(%dma_start3A_788 : memref<2000x16xf32, #tpu.memory_space<vmem>>) target(%dma_start3A_792 : memref<10240x16xf32, #tpu.memory_space<vmem_shared>>) offsets(%dma_start3A_789 : memref<2000xi32, #tpu.memory_space<vmem>>) semaphore(%arg11 : memref<!tpu.dma_semaphore, #tpu.memory_space<semaphore_mem>>) {add = true}
      %scan3A_793 = arith.constant 1 : i32
    }
    %scan3A_247 = arith.constant 5 : i32
    %dma_wait3A = arith.constant 0 : i32
    %dma_wait3A_248 = arith.constant 0 : i32
    %dma_wait3A_249 = arith.constant 0 : i32
    %dma_wait3A_250 = tpu.memref_slice %arg8[%dma_wait3A_248, %dma_wait3A_249] : memref<4000x16xf32, #tpu.memory_space<vmem>> -> memref<2000x16xf32, #tpu.memory_space<vmem>>
    %dma_wait3A_251 = arith.constant 0 : i32
    %dma_wait3A_252 = arith.constant 0 : i32
    %dma_wait3A_253 = tpu.memref_slice %arg5[%dma_wait3A, %dma_wait3A_251, %dma_wait3A_252] : memref<2x10240x16xf32, #tpu.memory_space<hbm>> -> memref<1x10240x16xf32, #tpu.memory_space<hbm>>
    %dma_wait3A_254 = tpu.memref_squeeze %dma_wait3A_253 : memref<1x10240x16xf32, #tpu.memory_space<hbm>> -> memref<10240x16xf32, #tpu.memory_space<hbm>>
    %dma_wait3A_255 = arith.constant 0 : i32
    %dma_wait3A_256 = arith.constant 0 : i32
    %dma_wait3A_257 = tpu.memref_slice %dma_wait3A_254[%dma_wait3A_255, %dma_wait3A_256] : memref<10240x16xf32, #tpu.memory_space<hbm>> -> memref<2000x16xf32, #tpu.memory_space<hbm>>
    %dma_wait3A_258 = arith.constant 0 : i32
    %dma_wait3A_259 = arith.constant 0 : i32
    %dma_wait3A_260 = tpu.memref_slice %arg8[%dma_wait3A_258, %dma_wait3A_259] : memref<4000x16xf32, #tpu.memory_space<vmem>> -> memref<2000x16xf32, #tpu.memory_space<vmem>>
    %dma_wait3A_261 = arith.constant 0 : i32
    %dma_wait3A_262 = arith.constant 0 : i32
    %dma_wait3A_263 = tpu.memref_slice %arg5[%dma_wait3A, %dma_wait3A_261, %dma_wait3A_262] : memref<2x10240x16xf32, #tpu.memory_space<hbm>> -> memref<1x10240x16xf32, #tpu.memory_space<hbm>>
    %dma_wait3A_264 = tpu.memref_squeeze %dma_wait3A_263 : memref<1x10240x16xf32, #tpu.memory_space<hbm>> -> memref<10240x16xf32, #tpu.memory_space<hbm>>
    %dma_wait3A_265 = arith.constant 0 : i32
    %dma_wait3A_266 = arith.constant 0 : i32
    %dma_wait3A_267 = tpu.memref_slice %dma_wait3A_264[%dma_wait3A_265, %dma_wait3A_266] : memref<10240x16xf32, #tpu.memory_space<hbm>> -> memref<2000x16xf32, #tpu.memory_space<hbm>>
    tpu.wait_dma2 semaphore(%arg11 : memref<!tpu.dma_semaphore, #tpu.memory_space<semaphore_mem>>) src(%dma_wait3A_267 : memref<2000x16xf32, #tpu.memory_space<hbm>>) dst(%dma_wait3A_260 : memref<2000x16xf32, #tpu.memory_space<vmem>>)
    %dma_wait3A_268 = arith.constant 0 : i32
    %dma_wait3A_269 = arith.constant 0 : i32
    %dma_wait3A_270 = arith.constant 0 : i32
    %dma_wait3A_271 = tpu.memref_slice %arg8[%dma_wait3A_269, %dma_wait3A_270] : memref<4000x16xf32, #tpu.memory_space<vmem>> -> memref<2000x16xf32, #tpu.memory_space<vmem>>
    %dma_wait3A_272 = arith.constant 0 : i32
    %dma_wait3A_273 = arith.constant 0 : i32
    %dma_wait3A_274 = tpu.memref_slice %arg5[%dma_wait3A_268, %dma_wait3A_272, %dma_wait3A_273] : memref<2x10240x16xf32, #tpu.memory_space<hbm>> -> memref<1x10240x16xf32, #tpu.memory_space<hbm>>
    %dma_wait3A_275 = tpu.memref_squeeze %dma_wait3A_274 : memref<1x10240x16xf32, #tpu.memory_space<hbm>> -> memref<10240x16xf32, #tpu.memory_space<hbm>>
    %dma_wait3A_276 = arith.constant 0 : i32
    %dma_wait3A_277 = arith.constant 0 : i32
    %dma_wait3A_278 = tpu.memref_slice %dma_wait3A_275[%dma_wait3A_276, %dma_wait3A_277] : memref<10240x16xf32, #tpu.memory_space<hbm>> -> memref<2000x16xf32, #tpu.memory_space<hbm>>
    %dma_wait3A_279 = arith.constant 0 : i32
    %dma_wait3A_280 = arith.constant 0 : i32
    %dma_wait3A_281 = tpu.memref_slice %arg8[%dma_wait3A_279, %dma_wait3A_280] : memref<4000x16xf32, #tpu.memory_space<vmem>> -> memref<2000x16xf32, #tpu.memory_space<vmem>>
    %dma_wait3A_282 = arith.constant 0 : i32
    %dma_wait3A_283 = arith.constant 0 : i32
    %dma_wait3A_284 = tpu.memref_slice %arg5[%dma_wait3A_268, %dma_wait3A_282, %dma_wait3A_283] : memref<2x10240x16xf32, #tpu.memory_space<hbm>> -> memref<1x10240x16xf32, #tpu.memory_space<hbm>>
    %dma_wait3A_285 = tpu.memref_squeeze %dma_wait3A_284 : memref<1x10240x16xf32, #tpu.memory_space<hbm>> -> memref<10240x16xf32, #tpu.memory_space<hbm>>
    %dma_wait3A_286 = arith.constant 0 : i32
    %dma_wait3A_287 = arith.constant 0 : i32
    %dma_wait3A_288 = tpu.memref_slice %dma_wait3A_285[%dma_wait3A_286, %dma_wait3A_287] : memref<10240x16xf32, #tpu.memory_space<hbm>> -> memref<2000x16xf32, #tpu.memory_space<hbm>>
    tpu.wait_dma2 semaphore(%arg11 : memref<!tpu.dma_semaphore, #tpu.memory_space<semaphore_mem>>) src(%dma_wait3A_288 : memref<2000x16xf32, #tpu.memory_space<hbm>>) dst(%dma_wait3A_281 : memref<2000x16xf32, #tpu.memory_space<vmem>>)
    %barrier3A_289 = arith.constant 0 : index
    tpu.barrier barrier_id(%barrier3A_289)
    %mul3A_290 = arith.constant 640 : i32
    %mul3A_291 = arith.muli %arg1, %mul3A_290 : i32
    %mul3A_292 = arith.constant 640 : i32
    %mul3A_293 = arith.muli %arg1, %mul3A_292 : i32
    "tpu.region"() ({
      %run_scoped3A = tpu.sem_alloc : memref<!tpu.dma_semaphore, #tpu.memory_space<semaphore_mem>>
      %dma_start3A_294 = arith.constant 0 : i32
      %dma_start3A_295 = arith.constant 0 : i32
      %dma_start3A_296 = tpu.memref_slice %arg5[%arg0, %dma_start3A_294, %dma_start3A_295] : memref<2x10240x16xf32, #tpu.memory_space<hbm>> -> memref<1x10240x16xf32, #tpu.memory_space<hbm>>
      %dma_start3A_297 = tpu.memref_squeeze %dma_start3A_296 : memref<1x10240x16xf32, #tpu.memory_space<hbm>> -> memref<10240x16xf32, #tpu.memory_space<hbm>>
      %dma_start3A_298 = arith.constant 0 : i32
      %dma_start3A_299 = tpu.memref_slice %dma_start3A_297[%mul3A_293, %dma_start3A_298] : memref<10240x16xf32, #tpu.memory_space<hbm>> -> memref<640x16xf32, #tpu.memory_space<hbm>>
      %dma_start3A_300 = arith.constant 0 : i32
      %dma_start3A_301 = tpu.memref_slice %arg9[%mul3A_291, %dma_start3A_300] : memref<10240x16xf32, #tpu.memory_space<vmem_shared>> -> memref<640x16xf32, #tpu.memory_space<vmem_shared>>
      tpu.enqueue_dma source(%dma_start3A_301 : memref<640x16xf32, #tpu.memory_space<vmem_shared>>) target(%dma_start3A_299 : memref<640x16xf32, #tpu.memory_space<hbm>>) target_semaphore(%run_scoped3A : memref<!tpu.dma_semaphore, #tpu.memory_space<semaphore_mem>>)
      %dma_wait3A_302 = arith.constant 0 : i32
      %dma_wait3A_303 = arith.constant 0 : i32
      %dma_wait3A_304 = tpu.memref_slice %arg5[%arg0, %dma_wait3A_302, %dma_wait3A_303] : memref<2x10240x16xf32, #tpu.memory_space<hbm>> -> memref<1x10240x16xf32, #tpu.memory_space<hbm>>
      %dma_wait3A_305 = tpu.memref_squeeze %dma_wait3A_304 : memref<1x10240x16xf32, #tpu.memory_space<hbm>> -> memref<10240x16xf32, #tpu.memory_space<hbm>>
      %dma_wait3A_306 = arith.constant 0 : i32
      %dma_wait3A_307 = tpu.memref_slice %dma_wait3A_305[%mul3A_293, %dma_wait3A_306] : memref<10240x16xf32, #tpu.memory_space<hbm>> -> memref<640x16xf32, #tpu.memory_space<hbm>>
      %dma_wait3A_308 = arith.constant 0 : i32
      %dma_wait3A_309 = tpu.memref_slice %arg9[%mul3A_291, %dma_wait3A_308] : memref<10240x16xf32, #tpu.memory_space<vmem_shared>> -> memref<640x16xf32, #tpu.memory_space<vmem_shared>>
      tpu.wait_dma2 semaphore(%run_scoped3A : memref<!tpu.dma_semaphore, #tpu.memory_space<semaphore_mem>>) src(%dma_wait3A_309 : memref<640x16xf32, #tpu.memory_space<vmem_shared>>) dst(%dma_wait3A_307 : memref<640x16xf32, #tpu.memory_space<hbm>>)
      tpu.yield
    }) : () -> ()
    return
  }
}

module attributes {stable_mosaic.version = 14 : i64} {
  func.func @_mlp_body(%arg0: i32, %arg1: memref<1024x128xf32, #tpu.memory_space<vmem>>, %arg2: memref<2x128x128xf32, #tpu.memory_space<vmem>>, %arg3: memref<128x128xf32, #tpu.memory_space<vmem>>, %arg4: memref<128x1024xf32, #tpu.memory_space<vmem>>, %arg5: memref<1x128xf32, #tpu.memory_space<vmem>>, %arg6: memref<128x128xf32, #tpu.memory_space<vmem>>, %arg7: memref<1x128xf32, #tpu.memory_space<vmem>>, %arg8: memref<1x128xf32, #tpu.memory_space<vmem>>, %arg9: memref<1x128xf32, #tpu.memory_space<vmem>>, %arg10: memref<1024x128xf32, #tpu.memory_space<vmem>>) attributes {dimension_semantics = [#tpu.dimension_semantics<arbitrary>], iteration_bounds = array<i64: 10>, scalar_prefetch = 0 : i64, scratch_operands = 0 : i64, tpu.core_type = #tpu.core_type<tc>, window_params = [{transform_indices = @transform_0, window_bounds = array<i64: 1024, 128>}, {transform_indices = @transform_1, window_bounds = array<i64: 2, 128, 128>}, {pipeline_mode = #tpu.pipeline_mode<synchronous>, transform_indices = @transform_2, window_bounds = array<i64: 128, 128>}, {pipeline_mode = #tpu.pipeline_mode<synchronous>, transform_indices = @transform_3, window_bounds = array<i64: 128, 1024>}, {pipeline_mode = #tpu.pipeline_mode<synchronous>, transform_indices = @transform_4, window_bounds = array<i64: 1, 128>}, {pipeline_mode = #tpu.pipeline_mode<synchronous>, transform_indices = @transform_5, window_bounds = array<i64: 128, 128>}, {pipeline_mode = #tpu.pipeline_mode<synchronous>, transform_indices = @transform_6, window_bounds = array<i64: 1, 128>}, {pipeline_mode = #tpu.pipeline_mode<synchronous>, transform_indices = @transform_7, window_bounds = array<i64: 1, 128>}, {pipeline_mode = #tpu.pipeline_mode<synchronous>, transform_indices = @transform_8, window_bounds = array<i64: 1, 128>}, {transform_indices = @transform_9, window_bounds = array<i64: 1024, 128>}]} {
    %get3A = arith.constant 0 : index
    %get3A_0 = arith.constant 0 : index
    %get3A_1 = vector.load %arg1[%get3A, %get3A_0] : memref<1024x128xf32, #tpu.memory_space<vmem>>, vector<1024x128xf32>
    %get3A_2 = arith.constant 0 : index
    %get3A_3 = arith.constant 0 : index
    %get3A_4 = arith.constant 0 : index
    %get3A_5 = vector.load %arg2[%get3A_2, %get3A_3, %get3A_4] : memref<2x128x128xf32, #tpu.memory_space<vmem>>, vector<1x128x128xf32>
    %get3A_6 = vector.shape_cast %get3A_5 : vector<1x128x128xf32> to vector<128x128xf32>
    %get3A_7 = arith.constant 1 : index
    %get3A_8 = arith.constant 0 : index
    %get3A_9 = arith.constant 0 : index
    %get3A_10 = vector.load %arg2[%get3A_7, %get3A_8, %get3A_9] : memref<2x128x128xf32, #tpu.memory_space<vmem>>, vector<1x128x128xf32>
    %get3A_11 = vector.shape_cast %get3A_10 : vector<1x128x128xf32> to vector<128x128xf32>
    %add3A = arith.addf %get3A_6, %get3A_11 : vector<128x128xf32>
    %get3A_12 = arith.constant 0 : index
    %get3A_13 = arith.constant 0 : index
    %get3A_14 = vector.load %arg4[%get3A_12, %get3A_13] : memref<128x1024xf32, #tpu.memory_space<vmem>>, vector<128x1024xf32>
    %dot_general3A = arith.constant dense<0.000000e+00> : vector<128x1024xf32>
    %dot_general3A_15 = tpu.matmul %add3A, %get3A_14, %dot_general3A {dimension_numbers = #tpu.dot_dimension_numbers<[1], [0], [0], [1], [0, 0, 1, 1], [], []>, transpose_lhs_hint = false} : vector<128x128xf32>, vector<128x1024xf32>, vector<128x1024xf32> -> vector<128x1024xf32>
    %get3A_16 = arith.constant 0 : index
    %get3A_17 = arith.constant 0 : index
    %get3A_18 = vector.load %arg3[%get3A_16, %get3A_17] : memref<128x128xf32, #tpu.memory_space<vmem>>, vector<128x128xf32>
    %dot_general3A_19 = arith.constant dense<0.000000e+00> : vector<1024x128xf32>
    %dot_general3A_20 = tpu.matmul %get3A_1, %get3A_18, %dot_general3A_19 {dimension_numbers = #tpu.dot_dimension_numbers<[1], [0], [0], [1], [0, 0, 1, 1], [], []>, transpose_lhs_hint = false} : vector<1024x128xf32>, vector<128x128xf32>, vector<1024x128xf32> -> vector<1024x128xf32>
    %reshape3A = vector.shape_cast %dot_general3A_15 : vector<128x1024xf32> to vector<1024x128xf32>
    %add3A_21 = arith.addf %dot_general3A_20, %reshape3A : vector<1024x128xf32>
    %get3A_22 = arith.constant 0 : index
    %get3A_23 = arith.constant 0 : index
    %get3A_24 = vector.load %arg5[%get3A_22, %get3A_23] : memref<1x128xf32, #tpu.memory_space<vmem>>, vector<1x128xf32>
    %add3A_25 = vector.broadcast %get3A_24 : vector<1x128xf32> to vector<1024x128xf32>
    %add3A_26 = arith.addf %add3A_21, %add3A_25 : vector<1024x128xf32>
    %max3A = arith.constant 0.000000e+00 : f32
    %max3A_27 = vector.broadcast %max3A : f32 to vector<1024x128xf32>
    %max3A_28 = arith.maximumf %add3A_26, %max3A_27 : vector<1024x128xf32>
    %get3A_29 = arith.constant 0 : index
    %get3A_30 = arith.constant 0 : index
    %get3A_31 = vector.load %arg6[%get3A_29, %get3A_30] : memref<128x128xf32, #tpu.memory_space<vmem>>, vector<128x128xf32>
    %dot_general3A_32 = arith.constant dense<0.000000e+00> : vector<1024x128xf32>
    %dot_general3A_33 = tpu.matmul %max3A_28, %get3A_31, %dot_general3A_32 {dimension_numbers = #tpu.dot_dimension_numbers<[1], [0], [0], [1], [0, 0, 1, 1], [], []>, transpose_lhs_hint = false} : vector<1024x128xf32>, vector<128x128xf32>, vector<1024x128xf32> -> vector<1024x128xf32>
    %get3A_34 = arith.constant 0 : index
    %get3A_35 = arith.constant 0 : index
    %get3A_36 = vector.load %arg7[%get3A_34, %get3A_35] : memref<1x128xf32, #tpu.memory_space<vmem>>, vector<1x128xf32>
    %add3A_37 = vector.broadcast %get3A_36 : vector<1x128xf32> to vector<1024x128xf32>
    %add3A_38 = arith.addf %dot_general3A_33, %add3A_37 : vector<1024x128xf32>
    %reduce_sum3A = arith.constant dense<0.000000e+00> : vector<1024xf32>
    %reduce_sum3A_39 = vector.multi_reduction <add>, %add3A_38, %reduce_sum3A [1] : vector<1024x128xf32> to vector<1024xf32>
    %broadcast_in_dim3A = vector.shape_cast %reduce_sum3A_39 : vector<1024xf32> to vector<1024x1xf32>
    %div3A = arith.constant 1.280000e+02 : f32
    %div3A_40 = vector.broadcast %div3A : f32 to vector<1024x1xf32>
    %div3A_41 = arith.divf %broadcast_in_dim3A, %div3A_40 : vector<1024x1xf32>
    %sub3A = vector.broadcast %div3A_41 : vector<1024x1xf32> to vector<1024x128xf32>
    %sub3A_42 = arith.subf %add3A_38, %sub3A : vector<1024x128xf32>
    %mul3A = arith.mulf %sub3A_42, %sub3A_42 : vector<1024x128xf32>
    %reduce_sum3A_43 = arith.constant dense<0.000000e+00> : vector<1024xf32>
    %reduce_sum3A_44 = vector.multi_reduction <add>, %mul3A, %reduce_sum3A_43 [1] : vector<1024x128xf32> to vector<1024xf32>
    %broadcast_in_dim3A_45 = vector.shape_cast %reduce_sum3A_44 : vector<1024xf32> to vector<1024x1xf32>
    %div3A_46 = arith.constant 1.280000e+02 : f32
    %div3A_47 = vector.broadcast %div3A_46 : f32 to vector<1024x1xf32>
    %div3A_48 = arith.divf %broadcast_in_dim3A_45, %div3A_47 : vector<1024x1xf32>
    %add3A_49 = arith.constant 9.99999974E-6 : f32
    %add3A_50 = vector.broadcast %add3A_49 : f32 to vector<1024x1xf32>
    %add3A_51 = arith.addf %div3A_48, %add3A_50 : vector<1024x1xf32>
    %rsqrt3A = math.rsqrt %add3A_51 : vector<1024x1xf32>
    %mul3A_52 = vector.broadcast %rsqrt3A : vector<1024x1xf32> to vector<1024x128xf32>
    %mul3A_53 = arith.mulf %sub3A_42, %mul3A_52 : vector<1024x128xf32>
    %get3A_54 = arith.constant 0 : index
    %get3A_55 = arith.constant 0 : index
    %get3A_56 = vector.load %arg8[%get3A_54, %get3A_55] : memref<1x128xf32, #tpu.memory_space<vmem>>, vector<1x128xf32>
    %mul3A_57 = vector.broadcast %get3A_56 : vector<1x128xf32> to vector<1024x128xf32>
    %mul3A_58 = arith.mulf %mul3A_53, %mul3A_57 : vector<1024x128xf32>
    %add3A_59 = arith.addf %get3A_1, %mul3A_58 : vector<1024x128xf32>
    %get3A_60 = arith.constant 0 : index
    %get3A_61 = arith.constant 0 : index
    %get3A_62 = vector.load %arg9[%get3A_60, %get3A_61] : memref<1x128xf32, #tpu.memory_space<vmem>>, vector<1x128xf32>
    %add3A_63 = vector.broadcast %get3A_62 : vector<1x128xf32> to vector<1024x128xf32>
    %add3A_64 = arith.addf %add3A_59, %add3A_63 : vector<1024x128xf32>
    %swap3A = arith.constant 0 : index
    %swap3A_65 = arith.constant 0 : index
    %swap3A_66 = vector.load %arg10[%swap3A, %swap3A_65] : memref<1024x128xf32, #tpu.memory_space<vmem>>, vector<1024x128xf32>
    tpu.vector_store %arg10[%swap3A, %swap3A_65], %add3A_64 {strides = array<i32>} : memref<1024x128xf32, #tpu.memory_space<vmem>>, vector<1024x128xf32>,
    return
  }
  func.func @transform_0(%arg0: i32) -> (i32, i32) {
    %c0_i32 = arith.constant 0 : i32
    %c0_i32_0 = arith.constant 0 : i32
    return %arg0, %c0_i32 : i32, i32
  }
  func.func @transform_1(%arg0: i32) -> (i32, i32, i32) {
    %c0_i32 = arith.constant 0 : i32
    %c0_i32_0 = arith.constant 0 : i32
    %c0_i32_1 = arith.constant 0 : i32
    return %c0_i32, %arg0, %c0_i32_0 : i32, i32, i32
  }
  func.func @transform_2(%arg0: i32) -> (i32, i32) {
    %c0_i32 = arith.constant 0 : i32
    %c0_i32_0 = arith.constant 0 : i32
    %c0_i32_1 = arith.constant 0 : i32
    return %c0_i32, %c0_i32_0 : i32, i32
  }
  func.func @transform_3(%arg0: i32) -> (i32, i32) {
    %c0_i32 = arith.constant 0 : i32
    %c0_i32_0 = arith.constant 0 : i32
    %c0_i32_1 = arith.constant 0 : i32
    return %c0_i32, %c0_i32_0 : i32, i32
  }
  func.func @transform_4(%arg0: i32) -> (i32, i32) {
    %c0_i32 = arith.constant 0 : i32
    %c0_i32_0 = arith.constant 0 : i32
    %c0_i32_1 = arith.constant 0 : i32
    return %c0_i32, %c0_i32_0 : i32, i32
  }
  func.func @transform_5(%arg0: i32) -> (i32, i32) {
    %c0_i32 = arith.constant 0 : i32
    %c0_i32_0 = arith.constant 0 : i32
    %c0_i32_1 = arith.constant 0 : i32
    return %c0_i32, %c0_i32_0 : i32, i32
  }
  func.func @transform_6(%arg0: i32) -> (i32, i32) {
    %c0_i32 = arith.constant 0 : i32
    %c0_i32_0 = arith.constant 0 : i32
    %c0_i32_1 = arith.constant 0 : i32
    return %c0_i32, %c0_i32_0 : i32, i32
  }
  func.func @transform_7(%arg0: i32) -> (i32, i32) {
    %c0_i32 = arith.constant 0 : i32
    %c0_i32_0 = arith.constant 0 : i32
    %c0_i32_1 = arith.constant 0 : i32
    return %c0_i32, %c0_i32_0 : i32, i32
  }
  func.func @transform_8(%arg0: i32) -> (i32, i32) {
    %c0_i32 = arith.constant 0 : i32
    %c0_i32_0 = arith.constant 0 : i32
    %c0_i32_1 = arith.constant 0 : i32
    return %c0_i32, %c0_i32_0 : i32, i32
  }
  func.func @transform_9(%arg0: i32) -> (i32, i32) {
    %c0_i32 = arith.constant 0 : i32
    %c0_i32_0 = arith.constant 0 : i32
    return %arg0, %c0_i32 : i32, i32
  }
}

</mosaic_0001>

<sc_bundles>
// kernel: kernel.4.cloned.1.call-start
scs
__scs_entry_jumppad:
0x0: {  	(pc) =	sbr.rel $0x88, $3  }
0x1: {  	(tag) =	ssettag $0x0;
	lr =	simm.s32 $0x1  }
0x2: {  	[smem:$0x3F98] =	sst lr;
	_ =	strace $0xD0000000  }
0x3: {  	_ = 	snop  }
0x4: {  	_ = 	snop  }
0x5: {  	_ = 	snop  }
0x6: {  	_ = 	snop  }
0x7: {  	_ = 	snop  }
__scs_overlays_trampoline_lowered:
0x8: {  	[smem:$0x3FA7] =	sst s0  }
0x9: {  	[smem:$0x3FA8] =	sst s1  }
0xa: {  	[smem:$0x3FA9] =	sst s2  }
0xb: {  	[smem:$0x3FAA] =	sst s3  }
0xc: {  	[smem:$0x3FAB] =	sst s4  }
0xd: {  	[smem:$0x3FAC] =	sst s5  }
0xe: {  	[smem:$0x3FAD] =	sst s6  }
0xf: {  	[smem:$0x3FAE] =	sst s7  }
0x10: {  	[smem:$0x3FAF] =	sst s8  }
0x11: {  	[smem:$0x3FB0] =	sst s9;
	s0 =	simm.s32 @!p0 $0x0  }
0x12: {  	s1 =	sld [smem:$0x3F96];
	s0 =	simm.s32 @p0 $0x1  }
0x13: {  	[smem:$0x3FB1] =	sst s0;
	s0 =	simm.s32 @!p1 $0x0  }
0x14: {  	s2 =	sld [smem:$0x3F95];
	s0 =	simm.s32 @p1 $0x1  }
0x15: {  	[smem:$0x3FB2] =	sst s0;
	s0 =	simm.s32 @!p2 $0x0  }
0x16: {  	s3 =	sld [smem:$0x3FDB];
	s0 =	simm.s32 @p2 $0x1  }
0x17: {  	s4 =	simm.s32 $0x1BF5;
	[smem:$0x3FB4] =	sst s0  }
0x18: {  	s0 =	sld [smem:$0x3F97];
	_ =	swait.ge [sflag:s4], $0x0  }
0x19: {  	s7 =	sld [smem:$0x3F98]  }
0x1a: {  	s8 =	sadd.s32 $0xFFFFE003, lr  }
0x1b: {  	s9 =	sadd.s32 $0xFFFFFEF7, lr;
	s5 =	simm.s32 $0xFFFFFFFF;
	p2 =	slt.u32 s8, $0xFFFFF086  }
0x1c: {  	p1 =	slt.u32 s9, $0xF7A;
	s5 =	simm.s32 @!p2 $0x0  }
0x1d: {  	s5 =	simm.s32 @p1 $0x1;
	p0 =	seq.s32 s7, s2  }
0x1e: {  	s7 =	smul.u32 @!p0 $0xF7A, s2;
	p2 =	seq.s32 @!p0 s5, $0x0  }
0x1f: {  	s9 =	smul.u32 $0xF7A, s1;
	s8 =	simm.s32 @!p0 $0x1BF5;
	p2 =	por !p2, p0  }
0x20: {  	[sflag:s8] =	ssyncset.s32 @!p0 $0xFFFFF086;
	s6 =	sadd.s32 @!p0 s3, s7;
	s7 =	simm.s32 @!p0 $0x108  }
0x21: {  	s3 =	sadd.s32 s3, s9;
	s6 =	sadd.s32 @!p0 $0x88, s6;
	s7 =	simm.s32 @p2 $0x1082  }
0x22: {  	[simem:s7], [sflag:s8] =	dma.local @!p0 [hbm:s6], $0xF7A  }
0x23: {  	s9 =	sor.u32 $0xD0000000, s2;
	s6 =	simm.s32 $0x108;
	_ =	swait.ge @!p0 [sflag:s8], $0x0  }
0x24: {  	s3 =	sadd.s32 $0x88, s3;
	s6 =	simm.s32 @!p1 $0x1082;
	[sflag:s4] =	ssyncset.s32 $0xFFFFF086  }
0x25: {  	[simem:s6], [sflag:s4] =	dma.local [hbm:s3], $0xF7A  }
0x26: {  	[smem:$0x3F98] =	sst s1;
	(tag) =	ssettag s2;
	_ =	strace s9  }
0x27: {  	s1 =	sld [smem:$0x3FA8]  }
0x28: {  	s2 =	sld [smem:$0x3FA9]  }
0x29: {  	s4 =	sld [smem:$0x3FAB]  }
0x2a: {  	p0 =	seq.s32 s5, $0x0;
	s5 =	sld [smem:$0x3FAC]  }
0x2b: {  	s6 =	sld [smem:$0x3FAD]  }
0x2c: {  	s7 =	sld [smem:$0x3FAE]  }
0x2d: {  	s3 =	simm.s32 $0x108;
	s8 =	sld [smem:$0x3FAF]  }
0x2e: {  	s3 =	simm.s32 @!p0 $0x1082;
	s9 =	sld [smem:$0x3FB0]  }
0x2f: {  	lr =	sadd.s32 s0, s3;
	s0 =	sld [smem:$0x3FA7]  }
0x30: {  	s3 =	sld [smem:$0x3FAA]  }
0x31: {  	[smem:$0x3FB3] =	sst s10  }
0x32: {  	s10 =	sld [smem:$0x3FB1];
	_ =	sdelay $0x3  }
0x33: {  	p0 =	seq.s32 s10, $0x1;
	s10 =	sld [smem:$0x3FB3];
	_ =	sdelay $0x3  }
0x34: {  	[smem:$0x3FB3] =	sst s10  }
0x35: {  	s10 =	sld [smem:$0x3FB2];
	_ =	sdelay $0x3  }
0x36: {  	p1 =	seq.s32 s10, $0x1;
	s10 =	sld [smem:$0x3FB3];
	_ =	sdelay $0x3  }
0x37: {  	[smem:$0x3FB3] =	sst s10  }
0x38: {  	s10 =	sld [smem:$0x3FB4]  }
0x39: {  	_ = 	snop;
	(pc) =	sbr.ind lr, $3  }
0x3a: {  	_ = 	snop  }
0x3b: {  	_ = 	snop  }
0x3c: {  	p2 =	seq.s32 s10, $0x1;
	s10 =	sld [smem:$0x3FB3]  }
0x3d: {  	_ =	shalt  }
0x3e: {  	_ =	shalt  }
0x3f: {  	_ =	shalt  }
0x40: {  	_ =	shalt  }
0x41: {  	_ =	shalt  }
0x42: {  	_ =	shalt  }
0x43: {  	_ =	shalt  }
0x44: {  	_ =	shalt  }
0x45: {  	_ =	shalt  }
0x46: {  	_ =	shalt  }
0x47: {  	_ =	shalt  }
0x48: {  	_ =	shalt  }
0x49: {  	_ =	shalt  }
0x4a: {  	_ =	shalt  }
0x4b: {  	_ =	shalt  }
0x4c: {  	_ =	shalt  }
0x4d: {  	_ =	shalt  }
0x4e: {  	_ =	shalt  }
0x4f: {  	_ =	shalt  }
0x50: {  	_ =	shalt  }
0x51: {  	_ =	shalt  }
0x52: {  	_ =	shalt  }
0x53: {  	_ =	shalt  }
0x54: {  	_ =	shalt  }
0x55: {  	_ =	shalt  }
0x56: {  	_ =	shalt  }
0x57: {  	_ =	shalt  }
0x58: {  	_ =	shalt  }
0x59: {  	_ =	shalt  }
0x5a: {  	_ =	shalt  }
0x5b: {  	_ =	shalt  }
0x5c: {  	_ =	shalt  }
0x5d: {  	_ =	shalt  }
0x5e: {  	_ =	shalt  }
0x5f: {  	_ =	shalt  }
0x60: {  	_ =	shalt  }
0x61: {  	_ =	shalt  }
0x62: {  	_ =	shalt  }
0x63: {  	_ =	shalt  }
0x64: {  	_ =	shalt  }
0x65: {  	_ =	shalt  }
0x66: {  	_ =	shalt  }
0x67: {  	_ =	shalt  }
0x68: {  	_ =	shalt  }
0x69: {  	_ =	shalt  }
0x6a: {  	_ =	shalt  }
0x6b: {  	_ =	shalt  }
0x6c: {  	_ =	shalt  }
0x6d: {  	_ =	shalt  }
0x6e: {  	_ =	shalt  }
0x6f: {  	_ =	shalt  }
0x70: {  	_ =	shalt  }
0x71: {  	_ =	shalt  }
0x72: {  	_ =	shalt  }
0x73: {  	_ =	shalt  }
0x74: {  	_ =	shalt  }
0x75: {  	_ =	shalt  }
0x76: {  	_ =	shalt  }
0x77: {  	_ =	shalt  }
0x78: {  	_ =	shalt  }
0x79: {  	_ =	shalt  }
0x7a: {  	_ =	shalt  }
0x7b: {  	_ =	shalt  }
0x7c: {  	_ =	shalt  }
0x7d: {  	_ =	shalt  }
0x7e: {  	_ =	shalt  }
0x7f: {  	_ =	shalt  }
0x80: {  	_ =	shalt  }
0x81: {  	_ =	shalt  }
0x82: {  	_ =	shalt  }
0x83: {  	_ =	shalt  }
0x84: {  	_ =	shalt  }
0x85: {  	_ =	shalt  }
0x86: {  	_ =	shalt  }
0x87: {  	_ =	shalt  }
.Lfunc_end0:
.L_simem_size_0:
called_computation_lowered:
.L_overlay_start_0:
0x88: {  	s2 =	sld [smem:$0x3FD9]  }
0x89: {  	s3 =	sld [smem:$0x3FFE];
	_ =	sdelay $0x1  }
0x8a: {  	s1 =	srdreg.scid  }
0x8b: {  	s0 =	sand.u32 $0x1, s1  }
0x8c: {  	s17 =	sshll.u32 s0, $0xA;
	s2 =	sadd.s32 s3, s2  }
0x8d: {  	s2 =	sadd.s32 s2, s17  }
0x8e: {  	[smem:$0x3FBF] =	sst s2  }
0x8f: {  	_ = 	snop  }
0x90: {  	s2 =	sld [smem:$0x3FD0];
	(tm) =	ssettm $0x1  }
0x91: {  	s18 =	sld [smem:$0x3FFB];
	_ =	sdelay $0x3  }
0x92: {  	_ =	strace s18  }
0x93: {  	s3 =	sld [smem:$0x3FFC];
	_ =	sdelay $0x3  }
0x94: {  	_ =	strace s3  }
0x95: {  	s3 =	sld [smem:$0x3FFD];
	_ =	sdelay $0x3  }
0x96: {  	_ =	strace s3  }
0x97: {  	_ =	strace $0x8FFFFFFF  }
0x98: {  	s19 =	sld [smem:$0x3FDB];
	_ =	sdelay $0x1  }
0x99: {  	s4 =	simm.s32 $_scs_section_size  }
0x9a: {  	s5 =	simm.s32 $_size__tile_overlayer_lowered;
	s6 =	simm.s32 $_tile_overlayer_lowered  }
0x9b: {  	s22 =	simm.s32 $0x1BFF;
	s21 =	sshll.u32 s6, $0x1;
	s3 =	sadd.s32 s4, s19  }
0x9c: {  	s7 =	simm.s32 $0x0;
	s20 =	sshll.u32 s5, $0x1;
	s5 =	sadd.s32 s21, s3  }
0x9d: {  	[timem:s7], [sflag:s22] =	dma.local [hbm:s5], s20  }
0x9e: {  	_ =	swait.ge [sflag:s22], s20  }
0x9f: {  	s4 =	ssub.s32 $0x0, s20;
	[sflag:s22] =	ssyncset.done $0x0  }
0xa0: {  	[sflag:s22] =	ssyncadd.s32 s4;
	_ =	sdelay $0x1  }
0xa1: {  	s23 =	simm.s32 $0x1B8B  }
0xa2: {  	_ =	swait.ge [sflag:s23], $0x1  }
0xa3: {  	[sflag:s23] =	ssyncset.done $0x0  }
0xa4: {  	s25 =	simm.s32 $0x1B8E;
	s24 =	sld [smem:$0x3FFE];
	[sflag:s23] =	ssyncadd.s32 $0xFFFFFFFF  }
0xa5: {  	s26 =	simm.s32 $execute0_lowered;
	[smem:$0x3FD2] =	sst s25  }
0xa6: {  	s5 =	sshll.u32 s26, $0x1;
	_ =	strace $0x80000046;
	[dreg:$0x1] =	wrdreg $0xFFFFFFFF  }
0xa7: {  	s28 =	simm.s32 $_size_execute0_lowered;
	s3 =	sadd.s32 s3, s5;
	[dreg:$0x0] =	wrdreg $0x0  }
0xa8: {  	s5 =	sshll.u32 s28, $0x1;
	[dreg:$0x2] =	wrdreg s3  }
0xa9: {  	[dreg:$0x3] =	wrdreg s5  }
0xaa: {  	[dreg:$0x4] =	wrdreg $0xC0  }
0xab: {  	_ =	task [dreg:s7], $0x5FFFF  }
0xac: {  	[dreg:$0x1] =	wrdreg $0xFFFFFFFF  }
0xad: {  	[dreg:$0x0] =	wrdreg $0x60  }
0xae: {  	[dreg:$0x2] =	wrdreg s24  }
0xaf: {  	[dreg:$0x3] =	wrdreg s2  }
0xb0: {  	[dreg:$0x4] =	wrdreg $0x19E100  }
0xb1: {  	[dreg:$0x5] =	wrdreg $0x9  }
0xb2: {  	_ =	task.clear_ibuf [dreg:s7], $0x6FFFF;
	_ =	strace $0x90000046  }
0xb3: {  	s29 =	simm.s32 $0x9;
	_ =	strace $0x80000048  }
0xb4: {  	_ =	swait.ge [sflag:s29], $0x1  }
0xb5: {  	[sflag:s29] =	ssyncadd.s32 $0xFFFFFFFF  }
0xb6: {  	_ =	strace $0x90000048  }
0xb7: {  	_ =	sfence  }
0xb8: {  	s30 =	sld [smem:$0x0];
	_ =	sdelay $0x2  }
0xb9: {  	s31 =	sshll.u32 s1, $0xD;
	s1 =	sshrl.u32 s1, $0x2  }
0xba: {  	s3 =	sand.u32 $0x4000, s31;
	s1 =	sadd.s32 s1, s30  }
0xbb: {  	s0 =	sor.u32 s3, s0;
	s1 =	sshll.u32 s1, $0x11  }
0xbc: {  	s0 =	sor.u32 s1, s0  }
0xbd: {  	s0 =	sadd.s32 $0x8F2B, s0  }
0xbe: {  	[sflag:s0] =	ssyncadd.remote.s32 $0x1  }
0xbf: {  	_ =	sfence.sel $0xFFFF  }
0xc0: {  	[dreg:$0x0] =	wrdreg $0xFFFFFFFF;
	(pc) =	sbr.abs _section_cstart, $3  }
0xc1: {  	[dreg:$0x1] =	wrdreg $0xFFFFFFFF  }
0xc2: {  	_ =	task.clear_ibuf [dreg:s7], $0x2FFFF;
	_ =	strace $0x9FFFFFFF  }
0xc3: {  	(tm) =	ssettm $0x7FFFFFFF  }
tec
execute0_lowered:
.L_overlay_start_1:
0x0: {  	(tag) =	ssettag $0x1  }
0x1: {  	v0 =	vimm.s32 $0xF;
	vm14 =	vcmask $0x300;
	vm13 =	vcmask $0x704  }
0x2: {  	vm12 =	vcmask $0xB08;
	vm11 =	vcmask $0xF0C;
	vm9 =	vcmask $0x1310  }
0x3: {  	vm10 =	vcmask $0x1714;
	vm8 =	vcmask $0x1B18;
	vm6 =	vcmask $0x1F1C  }
0x4: {  	vm7 =	vcmask $0x2320;
	vm5 =	vcmask $0x2724;
	vm4 =	vcmask $0x2B28  }
0x5: {  	v1 =	vimm.s32 $0x100;
	vm1 =	vcmask $0x2F2C;
	vm0 =	vcmask $0x3330  }
0x6: {  	v2 =	vimm.s32 $0xFEDCBA9;
	v3 =	vimm.s32 $0x87654321;
	vm2 =	vcmask $0x3734  }
0x7: {  	vm3 =	vcmask $0x3B38;
	v6 =	vimm.s32 $0x7DF;
	v7 =	vimm.s32 $0x101  }
0x8: {  	v8 =	vimm.s32 $0x10FEDCBA;
	v9 =	vimm.s32 $0x98765432;
	v12 =	vimm.s32 $0xFAF  }
0x9: {  	v13 =	vimm.s32 $0x102;
	v14 =	vimm.s32 $0x210FEDCB;
	v15 =	vimm.s32 $0xA9876543  }
0xa: {  	v16 =	vimm.s32 $0x302;
	v19 =	vimm.s32 $0xBA987654;
	v25 =	vimm.s32 $0x205  }
0xb: {  	v28 =	vimm.s32 $0xFEDCBA98;
	v29 =	vimm.s32 $0x206;
	v33 =	vimm.s32 $0x306  }
0xc: {  	v34 =	vimm.s32 $0x36BF;
	v62 =	vimm.s32 $0x107;
	v35 =	vimm.s32 $0x207  }
0xd: {  	v36 =	vimm.s32 $0x307;
	v37 =	vimm.s32 $0x3E8F;
	v38 =	vimm.s32 $0x108  }
0xe: {  	v39 =	vimm.s32 $0x308;
	v40 =	vimm.s32 $0x465F;
	v42 =	vimm.s32 $0x309  }
0xf: {  	v43 =	vimm.s32 $0x4E2F;
	v44 =	vimm.s32 $0x10A;
	v45 =	vimm.s32 $0x20A  }
0x10: {  	v46 =	vimm.s32 $0x30A;
	v47 =	vimm.s32 $0x55FF;
	v48 =	vimm.s32 $0x10B  }
0x11: {  	v49 =	vimm.s32 $0x20B;
	v50 =	vimm.s32 $0x30B;
	v51 =	vimm.s32 $0x5DCF  }
0x12: {  	v52 =	vimm.s32 $0x10C;
	v53 =	vimm.s32 $0x20C;
	v54 =	vimm.s32 $0x30C  }
0x13: {  	v55 =	vimm.s32 $0x659F;
	v56 =	vimm.s32 $0x10D;
	v57 =	vimm.s32 $0x20D  }
0x14: {  	v58 =	vimm.s32 $0x30D;
	v59 =	vimm.s32 $0x6D6F;
	v60 =	vimm.s32 $0x10E  }
0x15: {  	v61 =	vimm.s32 $0x20E;
	v0 =	vsel vm14, $0x7D0, v0;
	v1 =	vsel vm14, $0x101, v1  }
0x16: {  	v2 =	vunpack.c.l.s4.s8 v2;
	v3 =	vunpack.c.l.s4.s8 v3;
	v6 =	vsel vm14, $0xFA0, v6  }
0x17: {  	v7 =	vsel vm14, $0x102, v7;
	v8 =	vunpack.c.l.s4.s8 v8;
	v9 =	vunpack.c.l.s4.s8 v9  }
0x18: {  	v12 =	vsel vm14, $0x1770, v12;
	v13 =	vsel vm14, $0x103, v13;
	v14 =	vunpack.c.l.s4.s8 v14  }
0x19: {  	v15 =	vunpack.c.l.s4.s8 v15;
	v19 =	vunpack.c.l.s4.s8 v19;
	v25 =	vsel vm14, $0x206, v25  }
0x1a: {  	v32 =	vunpack.c.l.s4.s8 v28;
	v28 =	vimm.s32 $0x106;
	v29 =	vsel vm14, $0x207, v29  }
0x1b: {  	v33 =	vsel vm14, $0x307, v33;
	v34 =	vsel vm14, $0x3E80, v34;
	v35 =	vsel vm14, $0x208, v35  }
0x1c: {  	v36 =	vsel vm14, $0x308, v36;
	v37 =	vsel vm14, $0x4650, v37;
	v38 =	vsel vm14, $0x109, v38  }
0x1d: {  	v39 =	vsel vm14, $0x309, v39;
	v40 =	vsel vm14, $0x4E20, v40;
	v42 =	vsel vm14, $0x30A, v42  }
0x1e: {  	v43 =	vsel vm14, $0x55F0, v43;
	v44 =	vsel vm14, $0x10B, v44;
	v45 =	vsel vm14, $0x20B, v45  }
0x1f: {  	v46 =	vsel vm14, $0x30B, v46;
	v47 =	vsel vm14, $0x5DC0, v47;
	v48 =	vsel vm14, $0x10C, v48  }
0x20: {  	v49 =	vsel vm14, $0x20C, v49;
	v50 =	vsel vm14, $0x30C, v50;
	v51 =	vsel vm14, $0x6590, v51  }
0x21: {  	v52 =	vsel vm14, $0x10D, v52;
	v53 =	vsel vm14, $0x20D, v53;
	v54 =	vsel vm14, $0x30D, v54  }
0x22: {  	v55 =	vsel vm14, $0x6D60, v55;
	v56 =	vsel vm14, $0x10E, v56;
	v57 =	vsel vm14, $0x20E, v57  }
0x23: {  	v58 =	vsel vm14, $0x30E, v58;
	v59 =	vsel vm14, $0x7530, v59;
	v60 =	vsel vm14, $0x10F, v60  }
0x24: {  	v61 =	vsel vm14, $0x20F, v61;
	v0 =	vsel vm13, $0xFA1, v0;
	v1 =	vsel vm13, $0x102, v1  }
0x25: {  	v6 =	vsel vm13, $0x1771, v6;
	v7 =	vsel vm13, $0x103, v7;
	v12 =	vsel vm13, $0x1F41, v12  }
0x26: {  	v13 =	vsel vm13, $0x104, v13;
	v28 =	vsel vm14, $0x107, v28;
	v25 =	vsel vm13, $0x207, v25  }
0x27: {  	v29 =	vsel vm13, $0x208, v29;
	v33 =	vsel vm13, $0x308, v33;
	v34 =	vsel vm13, $0x4651, v34  }
0x28: {  	v35 =	vsel vm13, $0x209, v35;
	v36 =	vsel vm13, $0x309, v36;
	v37 =	vsel vm13, $0x4E21, v37  }
0x29: {  	v38 =	vsel vm13, $0x10A, v38;
	v39 =	vsel vm13, $0x30A, v39;
	v40 =	vsel vm13, $0x55F1, v40  }
0x2a: {  	v42 =	vsel vm13, $0x30B, v42;
	v43 =	vsel vm13, $0x5DC1, v43;
	v44 =	vsel vm13, $0x10C, v44  }
0x2b: {  	v45 =	vsel vm13, $0x20C, v45;
	v46 =	vsel vm13, $0x30C, v46;
	v47 =	vsel vm13, $0x6591, v47  }
0x2c: {  	v48 =	vsel vm13, $0x10D, v48;
	v49 =	vsel vm13, $0x20D, v49;
	v50 =	vsel vm13, $0x30D, v50  }
0x2d: {  	v51 =	vsel vm13, $0x6D61, v51;
	v52 =	vsel vm13, $0x10E, v52;
	v53 =	vsel vm13, $0x20E, v53  }
0x2e: {  	v54 =	vsel vm13, $0x30E, v54;
	v55 =	vsel vm13, $0x7531, v55;
	v56 =	vsel vm13, $0x10F, v56  }
0x2f: {  	v57 =	vsel vm13, $0x20F, v57;
	v58 =	vsel vm13, $0x30F, v58;
	v59 =	vsel vm13, $0x1, v59  }
0x30: {  	v60 =	vsel vm13, $0x100, v60;
	v61 =	vsel vm13, $0x200, v61;
	v0 =	vsel vm12, $0x1772, v0  }
0x31: {  	v1 =	vsel vm12, $0x103, v1;
	v5 =	vunpack.c.0.s8.s32 v3;
	v6 =	vsel vm12, $0x1F42, v6  }
0x32: {  	v7 =	vsel vm12, $0x104, v7;
	v10 =	vunpack.c.0.s8.s32 v8;
	v11 =	vunpack.c.0.s8.s32 v9  }
0x33: {  	v8 =	vimm.s32 $0x201;
	v12 =	vsel vm12, $0x2712, v12;
	v13 =	vsel vm12, $0x105, v13  }
0x34: {  	v15 =	vunpack.c.0.s8.s32 v15;
	v63 =	vunpack.c.0.s8.s32 v19;
	v19 =	vimm.s32 $0x105  }
0x35: {  	v32 =	vunpack.c.0.s8.s32 v32;
	v28 =	vsel vm13, $0x108, v28;
	v25 =	vsel vm12, $0x208, v25  }
0x36: {  	v29 =	vsel vm12, $0x209, v29;
	v33 =	vsel vm12, $0x309, v33;
	v34 =	vsel vm12, $0x4E22, v34  }
0x37: {  	v35 =	vsel vm12, $0x20A, v35;
	v36 =	vsel vm12, $0x30A, v36;
	v37 =	vsel vm12, $0x55F2, v37  }
0x38: {  	v38 =	vsel vm12, $0x10B, v38;
	v39 =	vsel vm12, $0x30B, v39;
	v40 =	vsel vm12, $0x5DC2, v40  }
0x39: {  	v42 =	vsel vm12, $0x30C, v42;
	v43 =	vsel vm12, $0x6592, v43;
	v44 =	vsel vm12, $0x10D, v44  }
0x3a: {  	v45 =	vsel vm12, $0x20D, v45;
	v46 =	vsel vm12, $0x30D, v46;
	v47 =	vsel vm12, $0x6D62, v47  }
0x3b: {  	v48 =	vsel vm12, $0x10E, v48;
	v49 =	vsel vm12, $0x20E, v49;
	v50 =	vsel vm12, $0x30E, v50  }
0x3c: {  	v51 =	vsel vm12, $0x7532, v51;
	v52 =	vsel vm12, $0x10F, v52;
	v53 =	vsel vm12, $0x20F, v53  }
0x3d: {  	v54 =	vsel vm12, $0x30F, v54;
	v55 =	vsel vm12, $0x2, v55;
	v56 =	vsel vm12, $0x100, v56  }
0x3e: {  	v57 =	vsel vm12, $0x200, v57;
	v58 =	vsel vm12, $0x300, v58;
	v59 =	vsel vm12, $0x7D2, v59  }
0x3f: {  	v60 =	vsel vm12, $0x101, v60;
	v61 =	vsel vm12, $0x201, v61;
	v0 =	vsel vm11, $0x1F43, v0  }
0x40: {  	v1 =	vsel vm11, $0x104, v1;
	v6 =	vsel vm11, $0x2713, v6;
	v7 =	vsel vm11, $0x105, v7  }
0x41: {  	v8 =	vsel vm14, $0x202, v8;
	v12 =	vsel vm11, $0x2EE3, v12;
	v13 =	vsel vm11, $0x106, v13  }
0x42: {  	v20 =	vsel vm14, $0x106, v19;
	v19 =	vimm.s32 $0x305;
	v28 =	vsel vm12, $0x109, v28  }
0x43: {  	v25 =	vsel vm11, $0x209, v25;
	v33 =	vsel vm11, $0x30A, v33;
	v34 =	vsel vm11, $0x55F3, v34  }
0x44: {  	v35 =	vsel vm11, $0x20B, v35;
	v36 =	vsel vm11, $0x30B, v36;
	v37 =	vsel vm11, $0x5DC3, v37  }
0x45: {  	v38 =	vsel vm11, $0x10C, v38;
	v39 =	vsel vm11, $0x30C, v39;
	v40 =	vsel vm11, $0x6593, v40  }
0x46: {  	v42 =	vsel vm11, $0x30D, v42;
	v43 =	vsel vm11, $0x6D63, v43;
	v44 =	vsel vm11, $0x10E, v44  }
0x47: {  	v45 =	vsel vm11, $0x20E, v45;
	v46 =	vsel vm11, $0x30E, v46;
	v47 =	vsel vm11, $0x7533, v47  }
0x48: {  	v48 =	vsel vm11, $0x10F, v48;
	v49 =	vsel vm11, $0x20F, v49;
	v50 =	vsel vm11, $0x30F, v50  }
0x49: {  	v51 =	vsel vm11, $0x3, v51;
	v52 =	vsel vm11, $0x100, v52;
	v53 =	vsel vm11, $0x200, v53  }
0x4a: {  	v54 =	vsel vm11, $0x300, v54;
	v55 =	vsel vm11, $0x7D3, v55;
	v56 =	vsel vm11, $0x101, v56  }
0x4b: {  	v57 =	vsel vm11, $0x201, v57;
	v58 =	vsel vm11, $0x301, v58;
	v59 =	vsel vm11, $0xFA3, v59  }
0x4c: {  	v60 =	vsel vm11, $0x102, v60;
	v61 =	vsel vm11, $0x202, v61;
	v0 =	vsel vm9, $0x2714, v0  }
0x4d: {  	v1 =	vsel vm9, $0x105, v1;
	v6 =	vsel vm9, $0x2EE4, v6;
	v7 =	vsel vm9, $0x106, v7  }
0x4e: {  	v9 =	vcombine.low v11, v10;
	v12 =	vsel vm9, $0x36B4, v12;
	v13 =	vsel vm9, $0x107, v13  }
0x4f: {  	v26 =	vsel vm14, $0x306, v19;
	v19 =	vimm.s32 $0x2EEF;
	v32 =	vand.u32 $0xF, v32  }
0x50: {  	v20 =	vsel vm13, $0x107, v20;
	v36 =	vsel vm9, $0x30C, v36;
	v39 =	vsel vm9, $0x30D, v39  }
0x51: {  	v40 =	vsel vm9, $0x6D64, v40;
	v0 =	vsel vm10, $0x2EE5, v0;
	v1 =	vsel vm10, $0x106, v1  }
0x52: {  	v6 =	vsel vm10, $0x36B5, v6;
	v12 =	vsel vm10, $0x3E85, v12;
	v13 =	vsel vm10, $0x108, v13  }
0x53: {  	v27 =	vsel vm14, $0x36B0, v19;
	v19 =	vimm.s32 $0x76543210;
	v26 =	vsel vm13, $0x307, v26  }
0x54: {  	v20 =	vsel vm12, $0x108, v20;
	v39 =	vsel vm10, $0x30E, v39;
	v40 =	vsel vm10, $0x7535, v40  }
0x55: {  	v0 =	vsel vm8, $0x36B6, v0;
	v1 =	vsel vm8, $0x107, v1;
	v6 =	vsel vm8, $0x3E86, v6  }
0x56: {  	v12 =	vsel vm8, $0x4656, v12;
	v13 =	vsel vm8, $0x109, v13;
	v19 =	vunpack.c.l.s4.s8 v19  }
0x57: {  	v27 =	vsel vm13, $0x3E81, v27;
	v26 =	vsel vm12, $0x308, v26;
	v20 =	vsel vm11, $0x109, v20  }
0x58: {  	v39 =	vsel vm8, $0x30F, v39;
	v40 =	vsel vm8, $0x6, v40;
	v0 =	vsel vm6, $0x3E87, v0  }
0x59: {  	v1 =	vsel vm6, $0x108, v1;
	v6 =	vsel vm6, $0x4657, v6;
	v12 =	vsel vm6, $0x4E27, v12  }
0x5a: {  	v13 =	vsel vm6, $0x10A, v13;
	v27 =	vsel vm12, $0x4652, v27;
	v26 =	vsel vm11, $0x309, v26  }
0x5b: {  	v40 =	vsel vm6, $0x7D7, v40;
	v0 =	vsel vm7, $0x4658, v0;
	v6 =	vsel vm7, $0x4E28, v6  }
0x5c: {  	v12 =	vsel vm7, $0x55F8, v12;
	v13 =	vsel vm7, $0x10B, v13;
	v19 =	vunpack.c.0.s8.s32 v19  }
0x5d: {  	v27 =	vsel vm11, $0x4E23, v27;
	v40 =	vsel vm7, $0xFA8, v40;
	v0 =	vsel vm5, $0x4E29, v0  }
0x5e: {  	v6 =	vsel vm5, $0x55F9, v6;
	v12 =	vsel vm5, $0x5DC9, v12;
	v13 =	vsel vm5, $0x10C, v13  }
0x5f: {  	v0 =	vsel vm4, $0x55FA, v0;
	v6 =	vsel vm4, $0x5DCA, v6;
	v12 =	vsel vm4, $0x659A, v12  }
0x60: {  	v13 =	vsel vm4, $0x10D, v13;
	v19 =	vcombine.low v32, v19;
	v32 =	vsel vm14, $0x108, v62  }
0x61: {  	v62 =	vimm.s32 $0x30E;
	v0 =	vsel vm1, $0x5DCB, v0;
	v6 =	vsel vm1, $0x659B, v6  }
0x62: {  	v12 =	vsel vm1, $0x6D6B, v12;
	v62 =	vsel vm14, $0x30F, v62;
	v32 =	vsel vm13, $0x109, v32  }
0x63: {  	v4 =	vsel vm0, $0x659C, v0;
	v0 =	vunpack.c.0.s8.s32 v2;
	v6 =	vsel vm0, $0x6D6C, v6  }
0x64: {  	v12 =	vsel vm0, $0x753C, v12;
	v62 =	vsel vm13, $0x300, v62;
	v32 =	vsel vm12, $0x10A, v32  }
0x65: {  	v2 =	vsel vm2, $0x6D6D, v4;
	v4 =	vimm.s32 $0x200;
	v6 =	vsel vm2, $0x753D, v6  }
0x66: {  	v12 =	vsel vm2, $0xD, v12;
	v62 =	vsel vm12, $0x301, v62;
	v32 =	vsel vm11, $0x10B, v32  }
0x67: {  	v3 =	vcombine.low v5, v0;
	v2 =	vsel vm3, $0x753E, v2;
	v0 =	vcombine.low v0, v5  }
0x68: {  	v62 =	vsel vm11, $0x302, v62;
	v32 =	vsel vm9, $0x10C, v32;
	[tilespmem:$0x1FCE0] =	vst v2;
	v2 =	vsel vm7, $0x109, v1  }
0x69: {  	v32 =	vsel vm10, $0x10D, v32;
	v1 =	vand.u32 $0xF, v3;
	v2 =	vsel vm5, $0x10A, v2  }
0x6a: {  	v3 =	vsel vm14, $0x201, v4;
	v4 =	vimm.s32 $0x300;
	[tilespmem:$0x1FE50] =	vst v0;
	v0 =	vimm.s32 $0x208  }
0x6b: {  	v32 =	vsel vm8, $0x10E, v32;
	v2 =	vsel vm4, $0x10B, v2;
	v3 =	vsel vm13, $0x202, v3  }
0x6c: {  	v4 =	vsel vm14, $0x301, v4;
	v41 =	vsel vm14, $0x209, v0;
	v0 =	vcombine.low v10, v11  }
0x6d: {  	v10 =	vimm.s32 $0x109;
	v11 =	vimm.s32 $0x209;
	v2 =	vsel vm1, $0x10C, v2  }
0x6e: {  	v3 =	vsel vm12, $0x203, v3;
	v4 =	vsel vm13, $0x302, v4;
	v10 =	vsel vm14, $0x10A, v10  }
0x6f: {  	v11 =	vsel vm14, $0x20A, v11;
	v41 =	vsel vm13, $0x20A, v41;
	v2 =	vsel vm0, $0x10D, v2  }
0x70: {  	v3 =	vsel vm11, $0x204, v3;
	v4 =	vsel vm12, $0x303, v4;
	v10 =	vsel vm13, $0x10B, v10  }
0x71: {  	v11 =	vsel vm13, $0x20B, v11;
	v41 =	vsel vm12, $0x20B, v41;
	v4 =	vsel vm11, $0x304, v4  }
0x72: {  	v2 =	vsel vm2, $0x10E, v2;
	v3 =	vsel vm9, $0x205, v3;
	v4 =	vsel vm9, $0x305, v4  }
0x73: {  	v10 =	vsel vm12, $0x10C, v10;
	v3 =	vsel vm10, $0x206, v3;
	v4 =	vsel vm10, $0x306, v4  }
0x74: {  	v11 =	vsel vm12, $0x20C, v11;
	v3 =	vsel vm8, $0x207, v3;
	v4 =	vsel vm8, $0x307, v4  }
0x75: {  	v41 =	vsel vm11, $0x20C, v41;
	v3 =	vsel vm6, $0x208, v3;
	v4 =	vsel vm6, $0x308, v4  }
0x76: {  	[tilespmem:$0x1FCF0] =	vst v1;
	v1 =	vsel vm3, $0x10F, v2;
	v3 =	vsel vm7, $0x209, v3;
	v4 =	vsel vm7, $0x309, v4  }
0x77: {  	v10 =	vsel vm11, $0x10D, v10;
	v3 =	vsel vm5, $0x20A, v3;
	v4 =	vsel vm5, $0x30A, v4  }
0x78: {  	v11 =	vsel vm11, $0x20D, v11;
	v3 =	vsel vm4, $0x20B, v3;
	v4 =	vsel vm4, $0x30B, v4  }
0x79: {  	v10 =	vsel vm9, $0x10E, v10;
	v3 =	vsel vm1, $0x20C, v3;
	v4 =	vsel vm1, $0x30C, v4  }
0x7a: {  	v11 =	vsel vm9, $0x20E, v11;
	v3 =	vsel vm0, $0x20D, v3;
	v4 =	vsel vm0, $0x30D, v4  }
0x7b: {  	v10 =	vsel vm10, $0x10F, v10;
	v3 =	vsel vm2, $0x20E, v3;
	v4 =	vsel vm2, $0x30E, v4  }
0x7c: {  	v11 =	vsel vm10, $0x20F, v11;
	v2 =	vsel vm3, $0x20F, v3;
	v3 =	vsel vm3, $0x30F, v4  }
0x7d: {  	v4 =	vsel vm3, $0xE, v6;
	v6 =	vunpack.c.0.s8.s32 v14;
	v14 =	vimm.s32 $0x202  }
0x7e: {  	v10 =	vsel vm8, $0x100, v10;
	v11 =	vsel vm8, $0x200, v11;
	v14 =	vsel vm14, $0x203, v14  }
0x7f: {  	[tilespmem:$0x1FD20] =	vst v15;
	v10 =	vsel vm6, $0x101, v10;
	v15 =	vcombine.low v15, v6;
	v14 =	vsel vm13, $0x204, v14  }
0x80: {  	[tilespmem:$0x1FD10] =	vst v6;
	v6 =	vsel vm3, $0x7DE, v12;
	v12 =	vsel vm1, $0x10E, v13;
	v14 =	vsel vm12, $0x205, v14  }
0x81: {  	v11 =	vsel vm6, $0x201, v11;
	v12 =	vsel vm0, $0x10F, v12;
	v14 =	vsel vm11, $0x206, v14  }
0x82: {  	v13 =	vand.u32 $0xF, v15;
	v12 =	vsel vm2, $0x100, v12;
	v15 =	vsel vm9, $0x207, v14  }
0x83: {  	v14 =	vsel vm3, $0x101, v12;
	v12 =	vsel vm10, $0x208, v15;
	v15 =	vsel vm14, $0x303, v16  }
0x84: {  	v16 =	vimm.s32 $0x177F;
	v12 =	vsel vm8, $0x209, v12;
	v15 =	vsel vm13, $0x304, v15  }
0x85: {  	v16 =	vsel vm14, $0x1F40, v16;
	v12 =	vsel vm6, $0x20A, v12;
	v15 =	vsel vm12, $0x305, v15  }
0x86: {  	v16 =	vsel vm13, $0x2711, v16;
	v12 =	vsel vm7, $0x20B, v12;
	v15 =	vsel vm11, $0x306, v15  }
0x87: {  	v16 =	vsel vm12, $0x2EE2, v16;
	v12 =	vsel vm5, $0x20C, v12;
	v15 =	vsel vm9, $0x307, v15  }
0x88: {  	v16 =	vsel vm11, $0x36B3, v16;
	v12 =	vsel vm4, $0x20D, v12;
	v15 =	vsel vm10, $0x308, v15  }
0x89: {  	v16 =	vsel vm9, $0x3E84, v16;
	v12 =	vsel vm1, $0x20E, v12;
	v15 =	vsel vm8, $0x309, v15  }
0x8a: {  	v16 =	vsel vm10, $0x4655, v16;
	v12 =	vsel vm0, $0x20F, v12;
	v15 =	vsel vm6, $0x30A, v15  }
0x8b: {  	v16 =	vsel vm8, $0x4E26, v16;
	v12 =	vsel vm2, $0x200, v12;
	v17 =	vsel vm7, $0x30B, v15  }
0x8c: {  	v16 =	vsel vm6, $0x55F7, v16;
	v15 =	vsel vm3, $0x201, v12;
	v12 =	vsel vm5, $0x30C, v17  }
0x8d: {  	v16 =	vsel vm7, $0x5DC8, v16;
	v17 =	vimm.s32 $0x103;
	v12 =	vsel vm4, $0x30D, v12  }
0x8e: {  	v16 =	vsel vm5, $0x6599, v16;
	v17 =	vsel vm14, $0x104, v17;
	v12 =	vsel vm1, $0x30E, v12  }
0x8f: {  	v16 =	vsel vm4, $0x6D6A, v16;
	v17 =	vsel vm13, $0x105, v17;
	v12 =	vsel vm0, $0x30F, v12  }
0x90: {  	v18 =	vsel vm1, $0x753B, v16;
	v17 =	vsel vm12, $0x106, v17;
	v12 =	vsel vm2, $0x300, v12  }
0x91: {  	v17 =	vsel vm11, $0x107, v17;
	v16 =	vsel vm3, $0x301, v12;
	v12 =	vsel vm0, $0xC, v18  }
0x92: {  	v17 =	vsel vm9, $0x108, v17;
	v18 =	vimm.s32 $0x203;
	v21 =	vsel vm2, $0x7DD, v12  }
0x93: {  	v12 =	vimm.s32 $0x3210FEDC;
	v17 =	vsel vm10, $0x109, v17;
	v18 =	vsel vm14, $0x204, v18  }
0x94: {  	[tilespmem:$0x1FE70] =	vst v0;
	v12 =	vunpack.c.l.s4.s8 v12;
	v17 =	vsel vm8, $0x10A, v17;
	v0 =	vsel vm3, $0xFAE, v21  }
0x95: {  	v18 =	vsel vm13, $0x205, v18;
	v17 =	vsel vm6, $0x10B, v17;
	[tilespmem:$0x1FD60] =	vst v0;
	v0 =	vimm.s32 $0xCBA98765  }
0x96: {  	[tilespmem:$0x1FD30] =	vst v6;
	v6 =	vunpack.c.0.s8.s32 v12;
	v12 =	vsel vm7, $0x10C, v17;
	v17 =	vsel vm12, $0x206, v18  }
0x97: {  	v18 =	vimm.s32 $0x271F;
	v0 =	vunpack.c.l.s4.s8 v0;
	v22 =	vsel vm5, $0x10D, v12  }
0x98: {  	v12 =	vsel vm11, $0x207, v17;
	v17 =	vimm.s32 $0x1F4F;
	v18 =	vsel vm14, $0x2EE0, v18  }
0x99: {  	v23 =	vsel vm9, $0x208, v12;
	v12 =	vimm.s32 $0x303;
	v30 =	vsel vm14, $0x2710, v17  }
0x9a: {  	[tilespmem:$0x1FD50] =	vst v63;
	v17 =	vimm.s32 $0x304;
	v63 =	vcombine.low v63, v6;
	v18 =	vsel vm13, $0x36B1, v18  }
0x9b: {  	[tilespmem:$0x1FD40] =	vst v6;
	v6 =	vunpack.c.0.s8.s32 v0;
	v24 =	vsel vm14, $0x304, v12;
	v12 =	vimm.s32 $0x104  }
0x9c: {  	v17 =	vsel vm14, $0x305, v17;
	v30 =	vsel vm13, $0x2EE1, v30;
	v18 =	vsel vm12, $0x3E82, v18  }
0x9d: {  	v31 =	vsel vm14, $0x105, v12;
	v12 =	vimm.s32 $0x204;
	v21 =	vand.u32 $0xF, v63  }
0x9e: {  	v30 =	vsel vm12, $0x36B2, v30;
	v17 =	vsel vm13, $0x306, v17;
	v63 =	vimm.s32 $0x43210FED  }
0x9f: {  	v18 =	vsel vm11, $0x4653, v18;
	v12 =	vsel vm14, $0x205, v12;
	v31 =	vsel vm13, $0x106, v31  }
0xa0: {  	v30 =	vsel vm11, $0x3E83, v30;
	v63 =	vunpack.c.l.s4.s8 v63;
	v31 =	vsel vm12, $0x107, v31  }
0xa1: {  	v17 =	vsel vm12, $0x307, v17;
	v30 =	vsel vm9, $0x4654, v30;
	v31 =	vsel vm11, $0x108, v31  }
0xa2: {  	v12 =	vsel vm13, $0x206, v12;
	v30 =	vsel vm10, $0x4E25, v30;
	v31 =	vsel vm9, $0x109, v31  }
0xa3: {  	v17 =	vsel vm11, $0x308, v17;
	v30 =	vsel vm8, $0x55F6, v30;
	v31 =	vsel vm10, $0x10A, v31  }
0xa4: {  	v12 =	vsel vm12, $0x207, v12;
	v30 =	vsel vm6, $0x5DC7, v30;
	v31 =	vsel vm8, $0x10B, v31  }
0xa5: {  	v5 =	vunpack.c.0.s8.s32 v63;
	v30 =	vsel vm7, $0x6598, v30;
	v31 =	vsel vm6, $0x10C, v31  }
0xa6: {  	v63 =	vsel vm11, $0x20A, v29;
	v30 =	vsel vm5, $0x6D69, v30;
	v31 =	vsel vm7, $0x10D, v31  }
0xa7: {  	v12 =	vsel vm11, $0x208, v12;
	v30 =	vsel vm4, $0x753A, v30;
	v31 =	vsel vm5, $0x10E, v31  }
0xa8: {  	v12 =	vsel vm9, $0x209, v12;
	v30 =	vsel vm1, $0xB, v30;
	v31 =	vsel vm4, $0x10F, v31  }
0xa9: {  	v12 =	vsel vm10, $0x20A, v12;
	v30 =	vsel vm0, $0x7DC, v30;
	v0 =	vsel vm1, $0x100, v31  }
0xaa: {  	v12 =	vsel vm8, $0x20B, v12;
	v30 =	vsel vm2, $0xFAD, v30;
	v0 =	vsel vm0, $0x101, v0  }
0xab: {  	v31 =	vsel vm11, $0x10A, v28;
	v28 =	vcombine.low v6, v5;
	v0 =	vsel vm2, $0x102, v0  }
0xac: {  	[tilespmem:$0x1FD70] =	vst v5;
	v5 =	vsel vm3, $0x177E, v30;
	v29 =	vsel vm3, $0x103, v0;
	v0 =	vsel vm6, $0x20C, v12  }
0xad: {  	v12 =	vsel vm9, $0x309, v17;
	v17 =	vsel vm9, $0x4E24, v18;
	v18 =	vsel vm9, $0x20A, v25  }
0xae: {  	v25 =	vsel vm9, $0x55F4, v27;
	v27 =	vsel vm9, $0x20B, v63;
	v63 =	vsel vm9, $0x5DC4, v34  }
0xaf: {  	v0 =	vsel vm7, $0x20D, v0;
	v12 =	vsel vm10, $0x30A, v12;
	v17 =	vsel vm10, $0x55F5, v17  }
0xb0: {  	v18 =	vsel vm10, $0x20B, v18;
	v25 =	vsel vm10, $0x5DC5, v25;
	v27 =	vsel vm10, $0x20C, v27  }
0xb1: {  	[tilespmem:$0x1FD90] =	vst v5;
	v5 =	vsel vm10, $0x6595, v63;
	v63 =	vsel vm9, $0x20C, v35;
	v35 =	vsel vm10, $0x30D, v36  }
0xb2: {  	v0 =	vsel vm5, $0x20E, v0;
	v12 =	vsel vm8, $0x30B, v12;
	v17 =	vsel vm8, $0x5DC6, v17  }
0xb3: {  	v34 =	vsel vm10, $0x20D, v63;
	v63 =	vsel vm9, $0x6594, v37;
	v18 =	vsel vm8, $0x20C, v18  }
0xb4: {  	v25 =	vsel vm8, $0x6596, v25;
	v27 =	vsel vm8, $0x20D, v27;
	v0 =	vsel vm4, $0x20F, v0  }
0xb5: {  	v12 =	vsel vm6, $0x30C, v12;
	v17 =	vsel vm6, $0x6597, v17;
	v36 =	vsel vm10, $0x6D65, v63  }
0xb6: {  	v63 =	vsel vm9, $0x20D, v41;
	v0 =	vsel vm1, $0x200, v0;
	v12 =	vsel vm7, $0x30D, v12  }
0xb7: {  	v34 =	vsel vm8, $0x20E, v34;
	v0 =	vsel vm0, $0x201, v0;
	v12 =	vsel vm5, $0x30E, v12  }
0xb8: {  	v17 =	vsel vm7, $0x6D68, v17;
	v0 =	vsel vm2, $0x202, v0;
	v12 =	vsel vm4, $0x30F, v12  }
0xb9: {  	v17 =	vsel vm5, $0x7539, v17;
	v30 =	vsel vm3, $0x203, v0;
	v0 =	vsel vm1, $0x300, v12  }
0xba: {  	v12 =	vsel vm4, $0xA, v17;
	v17 =	vsel vm9, $0x10A, v20;
	v20 =	vsel vm9, $0x30A, v26  }
0xbb: {  	v26 =	vsel vm9, $0x10B, v31;
	v31 =	vsel vm9, $0x30B, v33;
	v33 =	vsel vm9, $0x10D, v38  }
0xbc: {  	v38 =	vsel vm10, $0x20E, v63;
	v63 =	vsel vm9, $0x7534, v43;
	v0 =	vsel vm0, $0x301, v0  }
0xbd: {  	v12 =	vsel vm1, $0x7DB, v12;
	v17 =	vsel vm10, $0x10B, v17;
	v20 =	vsel vm10, $0x30B, v20  }
0xbe: {  	v26 =	vsel vm10, $0x10C, v26;
	v31 =	vsel vm10, $0x30C, v31;
	v37 =	vsel vm10, $0x10E, v33  }
0xbf: {  	v33 =	vsel vm9, $0x30E, v42;
	v42 =	vsel vm10, $0x5, v63;
	v63 =	vsel vm9, $0x20F, v45  }
0xc0: {  	v38 =	vsel vm8, $0x20F, v38;
	v12 =	vsel vm0, $0xFAC, v12;
	v17 =	vsel vm8, $0x10C, v17  }
0xc1: {  	v41 =	vsel vm10, $0x30F, v33;
	v33 =	vsel vm9, $0x10F, v44;
	v44 =	vsel vm10, $0x200, v63  }
0xc2: {  	v63 =	vsel vm9, $0x4, v47;
	v0 =	vsel vm2, $0x302, v0;
	v20 =	vsel vm8, $0x30C, v20  }
0xc3: {  	v26 =	vsel vm8, $0x10D, v26;
	v31 =	vsel vm8, $0x30D, v31;
	v37 =	vsel vm8, $0x10F, v37  }
0xc4: {  	v42 =	vsel vm8, $0x7D6, v42;
	v43 =	vsel vm10, $0x100, v33;
	v33 =	vsel vm9, $0x30F, v46  }
0xc5: {  	v46 =	vsel vm10, $0x7D5, v63;
	v63 =	vsel vm9, $0x200, v49;
	v17 =	vsel vm6, $0x10D, v17  }
0xc6: {  	v12 =	vsel vm2, $0x177D, v12;
	v41 =	vsel vm8, $0x300, v41;
	v44 =	vsel vm8, $0x201, v44  }
0xc7: {  	v45 =	vsel vm10, $0x300, v33;
	v33 =	vsel vm9, $0x100, v48;
	v48 =	vsel vm10, $0x201, v63  }
0xc8: {  	v63 =	vsel vm9, $0x7D4, v51;
	v17 =	vsel vm7, $0x10E, v17;
	v43 =	vsel vm8, $0x101, v43  }
0xc9: {  	v41 =	vsel vm6, $0x301, v41;
	v44 =	vsel vm6, $0x202, v44;
	v47 =	vsel vm10, $0x101, v33  }
0xca: {  	v33 =	vsel vm9, $0x300, v50;
	v50 =	vsel vm10, $0xFA5, v63;
	v63 =	vsel vm9, $0x201, v53  }
0xcb: {  	v17 =	vsel vm5, $0x10F, v17;
	v45 =	vsel vm8, $0x301, v45;
	v48 =	vsel vm8, $0x202, v48  }
0xcc: {  	v41 =	vsel vm7, $0x302, v41;
	v43 =	vsel vm6, $0x102, v43;
	v44 =	vsel vm7, $0x203, v44  }
0xcd: {  	v49 =	vsel vm10, $0x301, v33;
	v33 =	vsel vm9, $0x101, v52;
	v52 =	vsel vm10, $0x202, v63  }
0xce: {  	v63 =	vsel vm9, $0xFA4, v55;
	v47 =	vsel vm8, $0x102, v47;
	v43 =	vsel vm7, $0x103, v43  }
0xcf: {  	v48 =	vsel vm6, $0x203, v48;
	v51 =	vsel vm10, $0x102, v33;
	v33 =	vsel vm9, $0x301, v54  }
0xd0: {  	v54 =	vsel vm10, $0x1775, v63;
	v63 =	vsel vm9, $0x202, v57;
	v49 =	vsel vm8, $0x302, v49  }
0xd1: {  	v52 =	vsel vm8, $0x203, v52;
	v47 =	vsel vm6, $0x103, v47;
	v48 =	vsel vm7, $0x204, v48  }
0xd2: {  	v53 =	vsel vm10, $0x302, v33;
	v33 =	vsel vm9, $0x102, v56;
	v56 =	vsel vm10, $0x203, v63  }
0xd3: {  	v63 =	vsel vm9, $0x1774, v59;
	v59 =	vsel vm9, $0x103, v60;
	v51 =	vsel vm8, $0x103, v51  }
0xd4: {  	v54 =	vsel vm8, $0x1F46, v54;
	v47 =	vsel vm7, $0x104, v47;
	v49 =	vsel vm6, $0x303, v49  }
0xd5: {  	v52 =	vsel vm6, $0x204, v52;
	v55 =	vsel vm10, $0x103, v33;
	v33 =	vsel vm9, $0x302, v58  }
0xd6: {  	v58 =	vsel vm10, $0x1F45, v63;
	v59 =	vsel vm10, $0x104, v59;
	v53 =	vsel vm8, $0x303, v53  }
0xd7: {  	v56 =	vsel vm8, $0x204, v56;
	v49 =	vsel vm7, $0x304, v49;
	v52 =	vsel vm7, $0x205, v52  }
0xd8: {  	v57 =	vsel vm10, $0x303, v33;
	v33 =	vsel vm9, $0x203, v61;
	v58 =	vsel vm8, $0x2716, v58  }
0xd9: {  	v59 =	vsel vm8, $0x105, v59;
	v53 =	vsel vm6, $0x304, v53;
	v56 =	vsel vm6, $0x205, v56  }
0xda: {  	v60 =	vsel vm10, $0x204, v33;
	v33 =	vsel vm9, $0x303, v62;
	v62 =	vimm.s32 $0x543210FE  }
0xdb: {  	v57 =	vsel vm8, $0x304, v57;
	v53 =	vsel vm7, $0x305, v53;
	v56 =	vsel vm7, $0x206, v56  }
0xdc: {  	v58 =	vsel vm6, $0x2EE7, v58;
	v59 =	vsel vm6, $0x106, v59;
	v61 =	vsel vm10, $0x304, v33  }
0xdd: {  	v33 =	vimm.s32 $0xDCBA9876;
	v62 =	vunpack.c.l.s4.s8 v62;
	v58 =	vsel vm7, $0x36B8, v58  }
0xde: {  	v59 =	vsel vm7, $0x107, v59;
	v63 =	vunpack.c.l.s4.s8 v33;
	v61 =	vsel vm8, $0x305, v61  }
0xdf: {  	[tilespmem:$0x1FD80] =	vst v6;
	v6 =	vunpack.c.0.s8.s32 v62;
	v62 =	vsel vm8, $0x6D66, v5;
	v5 =	vsel vm8, $0x7536, v36  }
0xe0: {  	v61 =	vsel vm6, $0x306, v61;
	v33 =	vunpack.c.0.s8.s32 v63;
	v63 =	vsel vm8, $0x30E, v35  }
0xe1: {  	v5 =	vsel vm6, $0x7, v5;
	v61 =	vsel vm7, $0x307, v61;
	v63 =	vsel vm6, $0x30F, v63  }
0xe2: {  	[tilespmem:$0x1FDB0] =	vst v33;
	v36 =	vcombine.low v33, v6;
	v33 =	vsel vm3, $0x303, v0;
	v0 =	vsel vm3, $0x1F4E, v12  }
0xe3: {  	v12 =	vsel vm6, $0x20D, v18;
	v18 =	vsel vm6, $0x10E, v26;
	v26 =	vsel vm6, $0x7537, v62  }
0xe4: {  	v62 =	vsel vm6, $0x100, v37;
	[tilespmem:$0x1FDC0] =	vst v0;
	v0 =	vsel vm4, $0x100, v17;
	v12 =	vsel vm7, $0x20E, v12  }
0xe5: {  	v17 =	vsel vm6, $0x30D, v20;
	v20 =	vsel vm6, $0x20E, v27;
	v27 =	vsel vm6, $0x10F, v32  }
0xe6: {  	v32 =	vsel vm7, $0x300, v63;
	v63 =	vsel vm6, $0x200, v38;
	v0 =	vsel vm1, $0x101, v0  }
0xe7: {  	v38 =	vimm.s32 $0xEDCBA987;
	v35 =	vand.u32 $0xF, v36;
	v0 =	vsel vm0, $0x102, v0  }
0xe8: {  	v12 =	vsel vm5, $0x20F, v12;
	v17 =	vsel vm7, $0x30E, v17;
	v0 =	vsel vm2, $0x103, v0  }
0xe9: {  	v20 =	vsel vm7, $0x20F, v20;
	v27 =	vsel vm7, $0x100, v27;
	v36 =	vsel vm3, $0x104, v0  }
0xea: {  	v0 =	vsel vm4, $0x200, v12;
	v12 =	vsel vm5, $0x30F, v17;
	v17 =	vsel vm6, $0x6D67, v25  }
0xeb: {  	v25 =	vsel vm6, $0x30E, v31;
	v31 =	vsel vm6, $0x20F, v34;
	v34 =	vsel vm6, $0x300, v39  }
0xec: {  	v0 =	vsel vm1, $0x201, v0;
	v12 =	vsel vm4, $0x300, v12;
	v17 =	vsel vm7, $0x7538, v17  }
0xed: {  	v25 =	vsel vm7, $0x30F, v25;
	v39 =	vsel vm7, $0x301, v34;
	v34 =	vsel vm7, $0x202, v11  }
0xee: {  	v11 =	vsel vm5, $0x301, v32;
	v32 =	vsel vm5, $0x1779, v40;
	v40 =	vsel vm5, $0x104, v43  }
0xef: {  	v0 =	vsel vm0, $0x202, v0;
	v12 =	vsel vm1, $0x301, v12;
	v17 =	vsel vm5, $0x9, v17  }
0xf0: {  	[tilespmem:$0x1FDA0] =	vst v6;
	v6 =	vsel vm2, $0x203, v0;
	v12 =	vsel vm0, $0x302, v12;
	v17 =	vsel vm4, $0x7DA, v17  }
0xf1: {  	v0 =	vsel vm7, $0x10F, v18;
	v18 =	vsel vm7, $0x101, v62;
	v62 =	vsel vm7, $0x201, v63  }
0xf2: {  	v63 =	vsel vm6, $0xFA7, v42;
	v12 =	vsel vm2, $0x303, v12;
	v17 =	vsel vm1, $0xFAB, v17  }
0xf3: {  	[tilespmem:$0x1FDD0] =	vst v0;
	v0 =	vsel vm7, $0x8, v26;
	v26 =	vsel vm7, $0x102, v10;
	v42 =	vsel vm7, $0x1778, v63  }
0xf4: {  	v63 =	vsel vm6, $0x302, v45;
	v37 =	vsel vm3, $0x204, v6;
	[tilespmem:$0x1FDE0] =	vst v0;
	v0 =	vsel vm7, $0x200, v31  }
0xf5: {  	v31 =	vsel vm7, $0x7D8, v5;
	v45 =	vsel vm7, $0x303, v63;
	v63 =	vsel vm6, $0x104, v51  }
0xf6: {  	v17 =	vsel vm0, $0x177C, v17;
	v51 =	vsel vm7, $0x105, v63;
	v63 =	vsel vm6, $0x2717, v54  }
0xf7: {  	[tilespmem:$0x1FDF0] =	vst v0;
	v0 =	vunpack.c.l.s4.s8 v38;
	v38 =	vsel vm3, $0x304, v12;
	v12 =	vsel vm2, $0x1F4D, v17  }
0xf8: {  	v17 =	vsel vm5, $0xFA9, v31;
	v31 =	vsel vm5, $0x302, v39;
	v39 =	vsel vm5, $0x303, v41  }
0xf9: {  	v41 =	vsel vm5, $0x1F49, v42;
	v42 =	vsel vm5, $0x204, v44;
	v45 =	vsel vm5, $0x304, v45  }
0xfa: {  	v54 =	vsel vm7, $0x2EE8, v63;
	v63 =	vsel vm6, $0x305, v57;
	[tilespmem:$0x1FEA0] =	vst v45;
	v45 =	vsel vm5, $0x105, v47  }
0xfb: {  	v47 =	vsel vm5, $0x205, v48;
	v48 =	vsel vm5, $0x305, v49;
	v5 =	vunpack.c.0.s8.s32 v0;
	v0 =	vld [tilespmem:$0x1FDD0]  }
0xfc: {  	v49 =	vsel vm5, $0x106, v51;
	v57 =	vsel vm7, $0x306, v63;
	v63 =	vimm.s32 $0x6543210F  }
0xfd: {  	v51 =	vsel vm5, $0x206, v52;
	v52 =	vsel vm5, $0x306, v53;
	v63 =	vunpack.c.l.s4.s8 v63  }
0xfe: {  	v10 =	vld [tilespmem:$0x1FDE0];
	v53 =	vsel vm5, $0x36B9, v54;
	v54 =	vsel vm5, $0x207, v56;
	v56 =	vsel vm5, $0x307, v57  }
0xff: {  	v57 =	vsel vm5, $0x3E89, v58;
	v58 =	vsel vm5, $0x108, v59;
	v6 =	vunpack.c.0.s8.s32 v63  }
0x100: {  	v59 =	vsel vm5, $0x308, v61;
	v63 =	vsel vm5, $0x200, v20;
	v0 =	vsel vm5, $0x100, v0  }
0x101: {  	v20 =	vsel vm5, $0x300, v25;
	v61 =	vcombine.low v5, v6;
	v0 =	vsel vm4, $0x101, v0  }
0x102: {  	[tilespmem:$0x1FE10] =	vst v5;
	v5 =	vsel vm3, $0x271E, v12;
	v12 =	vsel vm4, $0x201, v63;
	v0 =	vsel vm1, $0x102, v0  }
0x103: {  	v25 =	vsel vm5, $0x7D9, v10;
	v12 =	vsel vm1, $0x202, v12;
	v0 =	vsel vm0, $0x103, v0  }
0x104: {  	v10 =	vld [tilespmem:$0x1FDF0];
	v20 =	vsel vm4, $0x301, v20;
	v12 =	vsel vm0, $0x203, v12;
	v0 =	vsel vm2, $0x104, v0  }
0x105: {  	v43 =	vsel vm3, $0x105, v0;
	v0 =	vsel vm2, $0x204, v12;
	v12 =	vsel vm1, $0x302, v20  }
0x106: {  	v44 =	vsel vm3, $0x205, v0;
	v0 =	vsel vm0, $0x303, v12;
	v12 =	vsel vm4, $0xFAA, v25  }
0x107: {  	v27 =	vsel vm5, $0x101, v27;
	v0 =	vsel vm2, $0x304, v0;
	v12 =	vsel vm1, $0x177B, v12  }
0x108: {  	[tilespmem:$0x1FEB0] =	vst v45;
	v20 =	vsel vm4, $0x102, v27;
	v45 =	vsel vm3, $0x305, v0;
	v0 =	vsel vm0, $0x1F4C, v12  }
0x109: {  	v10 =	vsel vm5, $0x201, v10;
	v12 =	vsel vm1, $0x103, v20;
	v0 =	vsel vm2, $0x271D, v0  }
0x10a: {  	[tilespmem:$0x1FE20] =	vst v5;
	v5 =	vsel vm4, $0x202, v10;
	v12 =	vsel vm0, $0x104, v12;
	v0 =	vsel vm3, $0x2EEE, v0  }
0x10b: {  	v8 =	vsel vm13, $0x203, v8;
	v5 =	vsel vm1, $0x203, v5;
	[tilespmem:$0x1FE30] =	vst v0;
	v0 =	vsel vm2, $0x105, v12  }
0x10c: {  	[tilespmem:$0x1FED0] =	vst v47;
	v47 =	vsel vm3, $0x106, v0;
	v0 =	vsel vm0, $0x204, v5;
	v5 =	vsel vm4, $0x302, v11  }
0x10d: {  	v10 =	vsel vm4, $0x177A, v17;
	v0 =	vsel vm2, $0x205, v0;
	v5 =	vsel vm1, $0x303, v5  }
0x10e: {  	[tilespmem:$0x1FEE0] =	vst v48;
	v48 =	vsel vm3, $0x206, v0;
	v0 =	vsel vm0, $0x304, v5;
	v5 =	vsel vm1, $0x1F4B, v10  }
0x10f: {  	v7 =	vsel vm10, $0x107, v7;
	v0 =	vsel vm2, $0x305, v0;
	v5 =	vsel vm0, $0x271C, v5  }
0x110: {  	v8 =	vsel vm12, $0x204, v8;
	[tilespmem:$0x1FEF0] =	vst v49;
	v49 =	vsel vm3, $0x306, v0;
	v0 =	vsel vm2, $0x2EED, v5  }
0x111: {  	v7 =	vsel vm8, $0x108, v7;
	v8 =	vsel vm11, $0x205, v8;
	v0 =	vsel vm3, $0x36BE, v0  }
0x112: {  	v7 =	vsel vm6, $0x109, v7;
	v8 =	vsel vm9, $0x206, v8;
	[tilespmem:$0x1FE40] =	vst v0;
	v0 =	vld [tilespmem:$0x1FE50]  }
0x113: {  	v7 =	vsel vm7, $0x10A, v7;
	v8 =	vsel vm10, $0x207, v8  }
0x114: {  	v7 =	vsel vm5, $0x10B, v7;
	v8 =	vsel vm8, $0x208, v8;
	v18 =	vsel vm5, $0x102, v18  }
0x115: {  	v7 =	vsel vm4, $0x10C, v7;
	v8 =	vsel vm6, $0x209, v8;
	v10 =	vsel vm4, $0x103, v18  }
0x116: {  	v7 =	vsel vm1, $0x10D, v7;
	v8 =	vsel vm7, $0x20A, v8;
	v5 =	vsel vm1, $0x104, v10  }
0x117: {  	v62 =	vsel vm5, $0x202, v62;
	[tilespmem:$0x1FF00] =	vst v51;
	v51 =	vand.u32 $0xF, v0;
	v0 =	vsel vm0, $0x105, v5  }
0x118: {  	v34 =	vsel vm5, $0x203, v34;
	v5 =	vsel vm4, $0x203, v62;
	v0 =	vsel vm2, $0x106, v0  }
0x119: {  	[tilespmem:$0x1FF20] =	vst v52;
	v10 =	vsel vm4, $0x303, v31;
	v52 =	vsel vm3, $0x107, v0;
	v0 =	vsel vm1, $0x204, v5  }
0x11a: {  	v5 =	vsel vm1, $0x304, v10;
	v10 =	vsel vm4, $0x1F4A, v32;
	v0 =	vsel vm0, $0x205, v0  }
0x11b: {  	[tilespmem:$0x1FE00] =	vst v6;
	v6 =	vld [tilespmem:$0x1FE70];
	v5 =	vsel vm0, $0x305, v5;
	v10 =	vsel vm1, $0x271B, v10;
	v0 =	vsel vm2, $0x206, v0  }
0x11c: {  	[tilespmem:$0x1FF30] =	vst v53;
	v5 =	vsel vm2, $0x306, v5;
	v53 =	vsel vm3, $0x207, v0;
	v0 =	vsel vm0, $0x2EEC, v10  }
0x11d: {  	v26 =	vsel vm5, $0x103, v26;
	[tilespmem:$0x1FF40] =	vst v54;
	v54 =	vsel vm3, $0x307, v5;
	v0 =	vsel vm2, $0x36BD, v0  }
0x11e: {  	v5 =	vsel vm4, $0x104, v26;
	v10 =	vsel vm4, $0x204, v34;
	v0 =	vsel vm3, $0x3E8E, v0  }
0x11f: {  	v8 =	vsel vm5, $0x20B, v8;
	[tilespmem:$0x1FE60] =	vst v0;
	v0 =	vsel vm1, $0x105, v5;
	v5 =	vsel vm1, $0x205, v10  }
0x120: {  	[tilespmem:$0x1FF60] =	vst v56;
	v56 =	vand.u32 $0xF, v6;
	v0 =	vsel vm0, $0x106, v0;
	v5 =	vsel vm0, $0x206, v5  }
0x121: {  	[tilespmem:$0x1FF70] =	vst v57;
	v10 =	vsel vm4, $0x304, v39;
	v0 =	vsel vm2, $0x107, v0;
	v5 =	vsel vm2, $0x207, v5  }
0x122: {  	[tilespmem:$0x1FF80] =	vst v58;
	v57 =	vsel vm3, $0x108, v0;
	v58 =	vsel vm3, $0x208, v5;
	v0 =	vsel vm1, $0x305, v10  }
0x123: {  	v5 =	vsel vm4, $0x271A, v41;
	v10 =	vsel vm4, $0x105, v40;
	v0 =	vsel vm0, $0x306, v0  }
0x124: {  	[tilespmem:$0x1FE80] =	vst v42;
	v5 =	vsel vm1, $0x2EEB, v5;
	v10 =	vsel vm1, $0x106, v10;
	v0 =	vsel vm2, $0x307, v0  }
0x125: {  	[tilespmem:$0x1FFA0] =	vst v59;
	v6 =	vld [tilespmem:$0x1FE80];
	v59 =	vsel vm3, $0x308, v0;
	v0 =	vsel vm0, $0x36BC, v5;
	v5 =	vsel vm0, $0x107, v10  }
0x126: {  	[tilespmem:$0x1FD00] =	vst v4;
	v4 =	vand.u32 $0xF, v9;
	v9 =	vimm.s32 $0x301;
	v5 =	vsel vm2, $0x108, v5  }
0x127: {  	v9 =	vsel vm14, $0x302, v9;
	v42 =	vand.u32 $0xF, v61;
	v61 =	vsel vm3, $0x109, v5;
	v5 =	vld [tilespmem:$0x1FEA0]  }
0x128: {  	v8 =	vsel vm4, $0x20C, v8;
	v9 =	vsel vm13, $0x303, v9;
	v46 =	vsel vm8, $0xFA6, v46  }
0x129: {  	v9 =	vsel vm12, $0x304, v9;
	v46 =	vsel vm6, $0x1777, v46;
	v0 =	vsel vm2, $0x3E8D, v0  }
0x12a: {  	v46 =	vsel vm7, $0x1F48, v46;
	v10 =	vsel vm4, $0x205, v6;
	v6 =	vld [tilespmem:$0x1FEB0];
	v0 =	vsel vm3, $0x465E, v0  }
0x12b: {  	v9 =	vsel vm11, $0x305, v9;
	v46 =	vsel vm5, $0x2719, v46;
	[tilespmem:$0x1FE90] =	vst v0;
	v0 =	vsel vm1, $0x206, v10  }
0x12c: {  	v10 =	vsel vm4, $0x2EEA, v46;
	v0 =	vsel vm0, $0x207, v0;
	v5 =	vsel vm4, $0x305, v5  }
0x12d: {  	v10 =	vsel vm1, $0x36BB, v10;
	v0 =	vsel vm2, $0x208, v0;
	v5 =	vsel vm1, $0x306, v5  }
0x12e: {  	v62 =	vsel vm3, $0x209, v0;
	v0 =	vsel vm0, $0x307, v5;
	v5 =	vsel vm0, $0x3E8C, v10  }
0x12f: {  	v10 =	vsel vm4, $0x106, v6;
	v6 =	vld [tilespmem:$0x1FEE0];
	v0 =	vsel vm2, $0x308, v0;
	v5 =	vsel vm2, $0x465D, v5  }
0x130: {  	v9 =	vsel vm9, $0x306, v9;
	v63 =	vsel vm3, $0x309, v0;
	v0 =	vsel vm3, $0x4E2E, v5;
	v5 =	vld [tilespmem:$0x1FED0]  }
0x131: {  	v7 =	vsel vm0, $0x10E, v7;
	v8 =	vsel vm1, $0x20D, v8;
	v9 =	vsel vm10, $0x307, v9  }
0x132: {  	v7 =	vsel vm2, $0x10F, v7;
	v8 =	vsel vm0, $0x20E, v8;
	v9 =	vsel vm8, $0x308, v9  }
0x133: {  	v7 =	vsel vm3, $0x100, v7;
	v8 =	vsel vm2, $0x20F, v8;
	v9 =	vsel vm6, $0x309, v9  }
0x134: {  	s2 =	rddreg [dreg:$0x0];
	v9 =	vsel vm7, $0x30A, v9;
	v50 =	vsel vm8, $0x1776, v50;
	[tilespmem:$0x1FEC0] =	vst v0;
	v0 =	vsel vm1, $0x107, v10  }
0x135: {  	s19 =	rddreg [dreg:$0x1];
	s3 =	simm.s32 $0x0;
	v0 =	vsel vm0, $0x108, v0;
	v10 =	vsel vm4, $0x306, v6;
	v5 =	vsel vm4, $0x206, v5  }
0x136: {  	[smem:$0x7FF] =	sst s3;
	v0 =	vsel vm2, $0x109, v0;
	v10 =	vsel vm1, $0x307, v10;
	v5 =	vsel vm1, $0x207, v5  }
0x137: {  	s24 =	rddreg [dreg:$0x2];
	_ =	strace $0x80000047;
	v11 =	vsel vm3, $0x10A, v0;
	v0 =	vsel vm0, $0x208, v5;
	v5 =	vsel vm0, $0x308, v10  }
0x138: {  	v9 =	vsel vm5, $0x30B, v9;
	v50 =	vsel vm6, $0x1F47, v50;
	v6 =	vld [tilespmem:$0x1FF00];
	v5 =	vsel vm2, $0x309, v5  }
0x139: {  	v9 =	vsel vm4, $0x30C, v9;
	v50 =	vsel vm7, $0x2718, v50;
	v18 =	vsel vm3, $0x30A, v5;
	v5 =	vld [tilespmem:$0x1FEF0]  }
0x13a: {  	v8 =	vsel vm3, $0x200, v8;
	v9 =	vsel vm1, $0x30D, v9;
	v50 =	vsel vm5, $0x2EE9, v50  }
0x13b: {  	v9 =	vsel vm0, $0x30E, v9;
	v10 =	vsel vm4, $0x36BA, v50;
	v0 =	vsel vm2, $0x209, v0  }
0x13c: {  	v9 =	vsel vm2, $0x30F, v9;
	v17 =	vsel vm3, $0x20A, v0;
	v0 =	vsel vm1, $0x3E8B, v10  }
0x13d: {  	v9 =	vsel vm3, $0x300, v9;
	v22 =	vsel vm4, $0x10E, v22;
	v0 =	vsel vm0, $0x465C, v0  }
0x13e: {  	v10 =	vsel vm4, $0x207, v6;
	v0 =	vsel vm2, $0x4E2D, v0;
	v5 =	vsel vm4, $0x107, v5  }
0x13f: {  	v6 =	vld [tilespmem:$0x1FF20];
	v10 =	vsel vm1, $0x208, v10;
	v0 =	vsel vm3, $0x55FE, v0;
	v5 =	vsel vm1, $0x108, v5  }
0x140: {  	v23 =	vsel vm10, $0x209, v23;
	[tilespmem:$0x1FF10] =	vst v0;
	v0 =	vsel vm0, $0x109, v5;
	v5 =	vsel vm0, $0x209, v10  }
0x141: {  	v22 =	vsel vm1, $0x10F, v22;
	v24 =	vsel vm13, $0x305, v24;
	v5 =	vsel vm2, $0x20A, v5  }
0x142: {  	s0 =	srdreg.scid;
	s23 =	stileid.u32;
	s31 =	simm.s32 $0x2710;
	v23 =	vsel vm8, $0x20A, v23;
	v24 =	vsel vm12, $0x306, v24;
	v31 =	vsel vm3, $0x20B, v5;
	v5 =	vld [tilespmem:$0x1FF30]  }
0x143: {  	s14 =	sand.u32 $0x1, s0;
	s4 =	sadd.s32 $0x1C00, s2;
	s8 =	sadd.s32 $0xA7E00, s2;
	v23 =	vsel vm6, $0x20B, v23;
	v24 =	vsel vm11, $0x307, v24;
	v55 =	vsel vm8, $0x104, v55  }
0x144: {  	s22 =	sshll.u32 s23, $0x1;
	s9 =	sadd.s32 $0x28D00, s2;
	s10 =	sadd.s32 $0x32940, s2;
	v55 =	vsel vm6, $0x105, v55;
	v10 =	vsel vm4, $0x307, v6;
	v6 =	vld [tilespmem:$0x1FF40];
	v0 =	vsel vm2, $0x10A, v0  }
0x145: {  	s11 =	sadd.s32 $0x3C580, s2;
	s0 =	sor.u32 s14, s22;
	s22 =	smul.u32 $0x2800, s23;
	v55 =	vsel vm7, $0x106, v55;
	v26 =	vsel vm3, $0x10B, v0;
	v0 =	vsel vm1, $0x308, v10  }
0x146: {  	s12 =	sadd.s32 $0x461C0, s2;
	s6 =	ssub.s32 $0x2, s14;
	s20 =	smul.u32 $0x5000, s14;
	v24 =	vsel vm9, $0x308, v24;
	v55 =	vsel vm5, $0x107, v55;
	v0 =	vsel vm0, $0x309, v0  }
0x147: {  	s13 =	sadd.s32 $0x4FE00, s2;
	s0 =	smul.u32 $0x2710, s0;
	s7 =	sshrl.u32 s6, $0x1;
	v10 =	vsel vm4, $0x108, v55;
	v0 =	vsel vm2, $0x30A, v0;
	v5 =	vsel vm4, $0x3E8A, v5  }
0x148: {  	s18 =	ssub.s32 s6, s7;
	s19 =	sadd.s32 s19, s20;
	s25 =	sshrl.u32 s22, $0x3;
	v10 =	vsel vm1, $0x109, v10;
	v32 =	vsel vm3, $0x30B, v0;
	v5 =	vsel vm1, $0x465B, v5  }
0x149: {  	s5 =	sshrl.u32 s0, $0x3;
	s19 =	sadd.s32 s25, s19;
	[dreg:$0x4] =	wrdreg s8;
	v0 =	vsel vm0, $0x4E2C, v5;
	v5 =	vsel vm0, $0x10A, v10;
	v10 =	vsel vm4, $0x208, v6;
	v6 =	vld [tilespmem:$0x1FF70]  }
0x14a: {  	s6 =	sadd.s32 $0xB840, s2;
	s26 =	sadd.s32 s4, s5;
	v22 =	vsel vm0, $0x100, v22;
	v23 =	vsel vm7, $0x20C, v23;
	v24 =	vsel vm10, $0x309, v24;
	[dreg:$0x5] =	wrdreg s19  }
0x14b: {  	s7 =	sadd.s32 $0x15480, s2;
	s28 =	sadd.s32 s5, s6;
	v22 =	vsel vm2, $0x101, v22;
	v23 =	vsel vm5, $0x20D, v23;
	v24 =	vsel vm8, $0x30A, v24;
	[dreg:$0x6] =	wrdreg s26  }
0x14c: {  	s1 =	sadd.s32 s5, s2;
	s30 =	sadd.s32 s5, s7;
	v23 =	vsel vm4, $0x20E, v23;
	v24 =	vsel vm6, $0x30B, v24;
	[dreg:$0x7] =	wrdreg s28;
	v0 =	vsel vm2, $0x55FD, v0  }
0x14d: {  	s15 =	sadd.s32 $0x63680, s2;
	s1 =	sadd.s32 $0x9E000, s1;
	v23 =	vsel vm1, $0x20F, v23;
	v24 =	vsel vm7, $0x30C, v24;
	[dreg:$0x8] =	wrdreg s30;
	v0 =	vsel vm3, $0x5DCE, v0  }
0x14e: {  	s16 =	sadd.s32 $0x6D2C0, s2;
	v24 =	vsel vm5, $0x30D, v24;
	s26 =	sadd.s32 s5, s9;
	[dreg:$0x18] =	wrdreg s1;
	[tilespmem:$0x1FF50] =	vst v0;
	v0 =	vsel vm1, $0x209, v10;
	v10 =	vsel vm4, $0x465A, v6;
	v6 =	vld [tilespmem:$0x1FF80]  }
0x14f: {  	s17 =	sadd.s32 $0x76F00, s2;
	v22 =	vsel vm3, $0x102, v22;
	v23 =	vsel vm0, $0x200, v23;
	v24 =	vsel vm4, $0x30E, v24;
	s28 =	sadd.s32 s5, s10;
	[dreg:$0xa] =	wrdreg s26  }
0x150: {  	v24 =	vsel vm1, $0x30F, v24;
	s8 =	sadd.s32 $0x1F0C0, s2;
	s30 =	sadd.s32 s5, s11;
	[dreg:$0xb] =	wrdreg s28;
	v5 =	vsel vm2, $0x10B, v5;
	v10 =	vsel vm1, $0x4E2B, v10  }
0x151: {  	s21 =	sadd.s32 $0x943C0, s2;
	v24 =	vsel vm0, $0x300, v24;
	s25 =	sadd.s32 s5, s8;
	[dreg:$0xc] =	wrdreg s30;
	v40 =	vsel vm3, $0x10C, v5;
	v5 =	vld [tilespmem:$0x1FF60];
	v10 =	vsel vm0, $0x55FC, v10  }
0x152: {  	s14 =	sadd.s32 $0x59A40, s2;
	v23 =	vsel vm2, $0x201, v23;
	v24 =	vsel vm2, $0x301, v24;
	s26 =	sadd.s32 s5, s13;
	[dreg:$0x9] =	wrdreg s25;
	v10 =	vsel vm2, $0x5DCD, v10  }
0x153: {  	s20 =	sadd.s32 $0x8A780, s2;
	v60 =	vsel vm8, $0x205, v60;
	s28 =	sadd.s32 s5, s14;
	[dreg:$0xe] =	wrdreg s26;
	v12 =	vsel vm4, $0x109, v6;
	v6 =	vsel vm3, $0x659E, v10  }
0x154: {  	s29 =	sadd.s32 $0x7D0, s0;
	v23 =	vsel vm3, $0x202, v23;
	v24 =	vsel vm3, $0x302, v24;
	v60 =	vsel vm6, $0x206, v60;
	s30 =	sadd.s32 s5, s15;
	[dreg:$0xf] =	wrdreg s28;
	[tilespmem:$0x1FF90] =	vst v6;
	v6 =	vld [tilespmem:$0x1FFA0]  }
0x155: {  	s0 =	simm.s32 $0x9470;
	v28 =	vand.u32 $0xF, v28;
	v60 =	vsel vm7, $0x207, v60;
	s25 =	sadd.s32 s5, s12;
	[dreg:$0x10] =	wrdreg s30;
	v0 =	vsel vm0, $0x20A, v0  }
0x156: {  	v60 =	vsel vm5, $0x208, v60;
	s19 =	sadd.s32 $0x80B40, s2;
	s26 =	sadd.s32 s5, s17;
	[dreg:$0xd] =	wrdreg s25;
	v0 =	vsel vm2, $0x20B, v0;
	v5 =	vsel vm4, $0x308, v5  }
0x157: {  	s1 =	simm.s32 $0x8CA0;
	s28 =	sadd.s32 s5, s19;
	[dreg:$0x12] =	wrdreg s26;
	v0 =	vsel vm3, $0x20C, v0;
	v5 =	vsel vm1, $0x309, v5;
	v10 =	vsel vm1, $0x10A, v12  }
0x158: {  	s2 =	simm.s32 $0x0;
	s30 =	sadd.s32 s5, s20;
	[dreg:$0x13] =	wrdreg s28;
	v5 =	vsel vm0, $0x30A, v5;
	v12 =	vsel vm4, $0x209, v60;
	v10 =	vsel vm0, $0x10B, v10  }
0x159: {  	s25 =	sadd.s32 s5, s16;
	[dreg:$0x14] =	wrdreg s30;
	s26 =	sshll.u32 s23, $0x6;
	v12 =	vsel vm1, $0x20A, v12;
	v10 =	vsel vm2, $0x10C, v10;
	v20 =	vsel vm4, $0x309, v6  }
.Ltmp0:
0x15a: {  	[tilespmem:$0x1FFC0] =	vst v1;
	s28 =	sadd.s32 s22, s24;
	[dreg:$0x11] =	wrdreg s25;
	v25 =	vsel vm1, $0x30A, v20;
	v20 =	vsel vm3, $0x10D, v10;
	v10 =	vsel vm0, $0x20B, v12;
	(pc) =	sbr.rel .LBB2_1-.Ltmp0, $4  }
0x15b: {  	[tilespmem:$0x1FFD0] =	vst v2;
	s30 =	smax.u32 s18, $0x1;
	s18 =	simm.s32 $0x1;
	[dreg:$0x16] =	wrdreg s28;
	v5 =	vsel vm2, $0x30B, v5;
	v6 =	vlaneseq.u32;
	v10 =	vsel vm2, $0x20C, v10  }
0x15c: {  	[tilespmem:$0x1FFE0] =	vst v3;
	s22 =	simm.s32 $0xA410;
	s25 =	sadd.s32 s5, s21;
	[dreg:$0x19] =	wrdreg s30;
	v12 =	vsel vm0, $0x30B, v25;
	v34 =	vsel vm3, $0x20D, v10;
	v10 =	vmul.u32 $0x7D1, v6  }
0x15d: {  	[tilespmem:$0x1FFF0] =	vst v4;
	s23 =	simm.s32 $0x7D0;
	[dreg:$0x15] =	wrdreg s25;
	s25 =	sor.u32 $0x1C03, s26;
	v5 =	vsel vm3, $0x30C, v5;
	v50 =	vor.u32 $0x100, v6;
	v12 =	vsel vm2, $0x30C, v12  }
0x15e: {  	s5 =	simm.s32 $0x9C40;
	s26 =	simm.s32 $0x3;
	[dreg:$0x17] =	wrdreg s25;
	v55 =	vor.u32 $0x200, v6;
	v60 =	vor.u32 $0x300, v6;
	v41 =	vsel vm3, $0x30D, v12;
	[tilespmem:$0x1FFB0] =	vst v10  }
.LBB2_36:
0x15f: {  	s24 =	sadd.s32 $0xA410, s28;
	s26 =	rddreg [dreg:$0x2];
	s2 =	simm.s32 $0x2  }
0x160: {  	[spmem:s26] =	stream.indirect.scatter.add.f32 [tilespmem:s24], [sflag:$0x2], $0x10, s25, s23, $0xb8;
	[tilespmem:$0x1C610] =	vst v63  }
0x161: {  	_ =	swait.ge [sflag:s2], $0x7D00  }
0x162: {  	[sflag:s2] =	ssyncset.done $0x0  }
0x163: {  	[sflag:s2] =	ssyncadd.s32 $0xFFFF8300  }
0x164: {  	_ =	swait.ge [sflag:s2], $0x7D00  }
0x165: {  	[sflag:s2] =	ssyncset.done $0x0  }
0x166: {  	[sflag:s2] =	ssyncadd.s32 $0xFFFF8300  }
0x167: {  	[bflag:$0x0] =	sbarrier.arrive $0xFFFF  }
0x168: {  	s2 =	rddreg [dreg:$0x5]  }
0x169: {  	s25 =	rddreg [dreg:$0x17]  }
0x16a: {  	s26 =	rddreg [dreg:$0x1b]  }
0x16b: {  	[hbm:s2], [sflag:s25] =	dma.local [spmem:s26], $0x500  }
0x16c: {  	s26 =	simm.s32 $0x3  }
0x16d: {  	_ =	swait.ge [sflag:s26], $0x500  }
0x16e: {  	s28 =	rddreg [dreg:$0x1a]  }
0x16f: {  	s30 =	rddreg [dreg:$0x19];
	s2 =	sadd.s32 $0x1, s28  }
0x170: {  	p0 =	sne.s32 s2, s30  }
.Ltmp1:
0x171: {  	_ = 	snop;
	(pc) =	sbr.rel @!p0 .LBB2_37-.Ltmp1, $3  }
0x172: {  	_ =	sdelay $0x1  }
0x173: {  	[sflag:s26] =	ssyncset.done $0x0  }
0x174: {  	[sflag:s26] =	ssyncadd.s32 $0xFFFFFB00  }
.LBB2_1:
0x175: {  	[dreg:$0x1a] =	wrdreg s2  }
0x176: {  	s24 =	rddreg [dreg:$0x6]  }
0x177: {  	s28 =	rddreg [dreg:$0x7]  }
0x178: {  	[tilespmem:s31], [sflag:$0x1] =	stream.linear.gather [hbm4b:s24+s3], $0x7D0, $0x38;
	[tilespmem:$0x1C610] =	vst v63  }
0x179: {  	s30 =	simm.s32 $0x2EE0;
	s2 =	rddreg [dreg:$0x13]  }
0x17a: {  	[tilespmem:s30], [sflag:$0x1] =	stream.linear.gather [hbm4b:s28+s3], $0x7D0, $0x38;
	[tilespmem:$0x1C610] =	vst v63  }
0x17b: {  	s28 =	rddreg [dreg:$0x8];
	s30 =	simm.s32 $0x36B0  }
0x17c: {  	[tilespmem:s30], [sflag:$0x1] =	stream.linear.gather [hbm4b:s28+s3], $0x7D0, $0x38;
	[tilespmem:$0x1C610] =	vst v63  }
0x17d: {  	s28 =	rddreg [dreg:$0x9];
	s30 =	simm.s32 $0x3E80  }
0x17e: {  	[tilespmem:s30], [sflag:$0x1] =	stream.linear.gather [hbm4b:s28+s3], $0x7D0, $0x38;
	[tilespmem:$0x1C610] =	vst v63  }
0x17f: {  	s28 =	rddreg [dreg:$0xa];
	s30 =	simm.s32 $0x4650  }
0x180: {  	[tilespmem:s30], [sflag:$0x1] =	stream.linear.gather [hbm4b:s28+s3], $0x7D0, $0x38;
	[tilespmem:$0x1C610] =	vst v63  }
0x181: {  	s28 =	rddreg [dreg:$0xb];
	s30 =	simm.s32 $0x4E20  }
0x182: {  	[tilespmem:s30], [sflag:$0x1] =	stream.linear.gather [hbm4b:s28+s3], $0x7D0, $0x38;
	[tilespmem:$0x1C610] =	vst v63  }
0x183: {  	s28 =	rddreg [dreg:$0xc];
	s30 =	simm.s32 $0x55F0  }
0x184: {  	[tilespmem:s30], [sflag:$0x1] =	stream.linear.gather [hbm4b:s28+s3], $0x7D0, $0x38;
	[tilespmem:$0x1C610] =	vst v63  }
0x185: {  	s28 =	rddreg [dreg:$0xd];
	s30 =	simm.s32 $0x5DC0  }
0x186: {  	[tilespmem:s30], [sflag:$0x1] =	stream.linear.gather [hbm4b:s28+s3], $0x7D0, $0x38;
	[tilespmem:$0x1C610] =	vst v63  }
0x187: {  	s28 =	rddreg [dreg:$0xe];
	s30 =	simm.s32 $0x6590  }
0x188: {  	[tilespmem:s30], [sflag:$0x1] =	stream.linear.gather [hbm4b:s28+s3], $0x7D0, $0x38;
	[tilespmem:$0x1C610] =	vst v63  }
0x189: {  	s28 =	rddreg [dreg:$0xf];
	s30 =	simm.s32 $0x6D60  }
0x18a: {  	[tilespmem:s30], [sflag:$0x1] =	stream.linear.gather [hbm4b:s28+s3], $0x7D0, $0x38;
	[tilespmem:$0x1C610] =	vst v63  }
0x18b: {  	s28 =	rddreg [dreg:$0x10];
	s30 =	simm.s32 $0x7530  }
0x18c: {  	[tilespmem:s30], [sflag:$0x1] =	stream.linear.gather [hbm4b:s28+s3], $0x7D0, $0x38;
	[tilespmem:$0x1C610] =	vst v63  }
0x18d: {  	s28 =	rddreg [dreg:$0x11];
	s30 =	simm.s32 $0x7D00  }
0x18e: {  	[tilespmem:s30], [sflag:$0x1] =	stream.linear.gather [hbm4b:s28+s3], $0x7D0, $0x38;
	[tilespmem:$0x1C610] =	vst v63  }
0x18f: {  	s28 =	rddreg [dreg:$0x12];
	s30 =	simm.s32 $0x84D0  }
0x190: {  	[tilespmem:s30], [sflag:$0x1] =	stream.linear.gather [hbm4b:s28+s3], $0x7D0, $0x38;
	[tilespmem:$0x1C610] =	vst v63  }
0x191: {  	s28 =	rddreg [dreg:$0x14]  }
0x192: {  	s30 =	rddreg [dreg:$0x15]  }
0x193: {  	[tilespmem:s1], [sflag:$0x1] =	stream.linear.gather [hbm4b:s2+s3], $0x7D0, $0x38;
	[tilespmem:$0x1C610] =	vst v63  }
0x194: {  	s2 =	rddreg [dreg:$0x16]  }
0x195: {  	[tilespmem:s0], [sflag:$0x1] =	stream.linear.gather [hbm4b:s28+s3], $0x7D0, $0x38;
	[tilespmem:$0x1C610] =	vst v63  }
0x196: {  	s24 =	sshrl.u32 s2, $0x3;
	s28 =	rddreg [dreg:$0x4]  }
0x197: {  	[dreg:$0x1b] =	wrdreg s24  }
0x198: {  	[tilespmem:s5], [sflag:$0x1] =	stream.linear.gather [hbm4b:s30+s3], $0x7D0, $0x38;
	[tilespmem:$0x1C610] =	vst v63  }
0x199: {  	[spmem:s24], [sflag:s25] =	dma.local [hbm:s28], $0x500  }
0x19a: {  	_ =	swait.ge [sflag:s26], $0x500  }
0x19b: {  	[sflag:s26] =	ssyncset.done $0x0  }
0x19c: {  	s30 =	rddreg [dreg:$0x18];
	[sflag:s26] =	ssyncadd.s32 $0xFFFFFB00  }
0x19d: {  	[tilespmem:s3], [sflag:$0x3] =	stream.linear.gather [hbm4b:s30+s3], $0x2710, $0x38;
	[tilespmem:$0x1C610] =	vst v63  }
0x19e: {  	_ =	swait.ge [sflag:s26], $0x2710  }
0x19f: {  	[sflag:s26] =	ssyncset.done $0x0  }
0x1a0: {  	[sflag:s26] =	ssyncadd.s32 $0xFFFFD8F0  }
0x1a1: {  	s24 =	simm.s32 $0x0;
	[bflag:$0x0] =	sbarrier.arrive $0xFFFF  }
.LBB2_2:
0x1a2: {  	p0 =	slt.u32 s24, $0x2  }
0x1a3: {  	s28 =	simm.s32 @!p0 $0x2  }
0x1a4: {  	_ =	swait.ge @!p0 [sflag:s28], $0x7D00  }
0x1a5: {  	[sflag:s28] =	ssyncset.done @!p0 $0x0  }
0x1a6: {  	[sflag:s28] =	ssyncadd.s32 @!p0 $0xFFFF8300  }
0x1a7: {  	_ =	swait.ge [sflag:s18], $0x7D00  }
0x1a8: {  	v1 =	vld [tilespmem:$0x1FFB0];
	_ =	sdelay $0x2  }
0x1a9: {  	s25 =	sand.u32 $0x1, s24  }
0x1aa: {  	s28 =	smul.u32 $0x7D0, s25;
	_ =	sdelay $0x1  }
0x1ab: {  	[sflag:s18] =	ssyncset.done $0x0;
	v46 =	vor.u32 s28, v6  }
0x1ac: {  	[sflag:s18] =	ssyncadd.s32 $0xFFFF8300;
	v2 =	vshll.u32 v46, $0x4  }
0x1ad: {  	v12 =	vor.u32 v6, v2;
	v10 =	vld.idx.msk [tilespmem:v1+s31+$0x0], $0xffff  }
0x1ae: {  	v25 =	vadd.s32 $0x10, v1;
	_ =	sdelay $0x3  }
0x1af: {  	[tilespmem:v12+s22+$0x0] =	vst.idx.msk $0xffff, v10  }
0x1b0: {  	v12 =	vadd.s32 v50, v2;
	v10 =	vld.idx.msk [tilespmem:v25+s31+$0x0], $0xffff  }
0x1b1: {  	v25 =	vadd.s32 $0x20, v1;
	_ =	sdelay $0x3  }
0x1b2: {  	[tilespmem:v12+s22+$0x0] =	vst.idx.msk $0xffff, v10  }
0x1b3: {  	v12 =	vadd.s32 v55, v2;
	v10 =	vld.idx.msk [tilespmem:v25+s31+$0x0], $0xffff  }
0x1b4: {  	v25 =	vadd.s32 $0x30, v1;
	_ =	sdelay $0x3  }
0x1b5: {  	[tilespmem:v12+s22+$0x0] =	vst.idx.msk $0xffff, v10  }
0x1b6: {  	v27 =	vadd.s32 v60, v2;
	v25 =	vld.idx.msk [tilespmem:v25+s31+$0x0], $0xffff  }
0x1b7: {  	s28 =	simm.s32 $0x0;
	[tilespmem:$0x1FCD0] =	vst v2;
	v12 =	vadd.s32 $0x40, v1;
	v10 =	vmov v46  }
.LBB2_3:
0x1b8: {  	_ =	sdelay $0x2  }
0x1b9: {  	s28 =	sadd.s32 $0x4, s28;
	v10 =	vadd.s32 $0x40, v10;
	[tilespmem:v27+s22+$0x0] =	vst.idx.msk $0xffff, v25  }
0x1ba: {  	p0 =	slt.u32 s28, $0x78;
	v27 =	vshll.u32 v10, $0x4;
	v25 =	vld.idx.msk [tilespmem:v12+s31+$0x0], $0xffff  }
0x1bb: {  	v39 =	vor.u32 v6, v27  }
0x1bc: {  	v1 =	vadd.s32 $0x10, v12;
	_ =	sdelay $0x3  }
0x1bd: {  	[tilespmem:v39+s22+$0x0] =	vst.idx.msk $0xffff, v25  }
0x1be: {  	v1 =	vld.idx.msk [tilespmem:v1+s31+$0x0], $0xffff  }
0x1bf: {  	v25 =	vadd.s32 v50, v27  }
0x1c0: {  	v39 =	vadd.s32 $0x20, v12;
	_ =	sdelay $0x3  }
0x1c1: {  	[tilespmem:v25+s22+$0x0] =	vst.idx.msk $0xffff, v1  }
0x1c2: {  	v1 =	vld.idx.msk [tilespmem:v39+s31+$0x0], $0xffff  }
0x1c3: {  	v25 =	vadd.s32 v55, v27  }
0x1c4: {  	v39 =	vadd.s32 $0x30, v12;
	_ =	sdelay $0x2  }
.Ltmp2:
0x1c5: {  	(pc) =	sbr.rel @p0 .LBB2_3-.Ltmp2, $4  }
0x1c6: {  	[tilespmem:v25+s22+$0x0] =	vst.idx.msk $0xffff, v1  }
0x1c7: {  	v25 =	vld.idx.msk [tilespmem:v39+s31+$0x0], $0xffff  }
0x1c8: {  	v27 =	vadd.s32 v60, v27  }
0x1c9: {  	v12 =	vadd.s32 $0x40, v12  }
0x1ca: {  	_ =	sdelay $0x2  }
0x1cb: {  	v1 =	vadd.s32 $0x40, v10;
	v2 =	vld [tilespmem:$0x1FCE0]  }
0x1cc: {  	v39 =	vld [tilespmem:$0x1FCF0];
	v1 =	vshll.u32 v1, $0x4;
	[tilespmem:v27+s22+$0x0] =	vst.idx.msk $0xffff, v25  }
0x1cd: {  	v1 =	vor.u32 v6, v1;
	v10 =	vld.idx.msk [tilespmem:v12+s31+$0x0], $0xffff  }
0x1ce: {  	v27 =	vld [tilespmem:$0x1FCD0];
	_ =	sdelay $0x3  }
0x1cf: {  	[tilespmem:v1+s22+$0x0] =	vst.idx.msk $0xffff, v10  }
0x1d0: {  	v10 =	vor.u32 v39, v27;
	v1 =	vld.idx.msk [tilespmem:v2+s31+$0x0], $0xffff  }
0x1d1: {  	v3 =	vld [tilespmem:$0x1FFC0];
	v12 =	vadd.s32 $0x10, v2;
	_ =	sdelay $0x3  }
0x1d2: {  	[tilespmem:v10+s22+$0x0] =	vst.idx.msk $0xffff, v1  }
0x1d3: {  	v10 =	vadd.s32 v3, v27;
	v1 =	vld.idx.msk [tilespmem:v12+s31+$0x0], $0xffff  }
0x1d4: {  	v4 =	vld [tilespmem:$0x1FFD0];
	v12 =	vadd.s32 $0x20, v2;
	_ =	sdelay $0x3  }
0x1d5: {  	[tilespmem:v10+s22+$0x0] =	vst.idx.msk $0xffff, v1  }
0x1d6: {  	v10 =	vadd.s32 v4, v27;
	v1 =	vld.idx.msk [tilespmem:v12+s31+$0x0], $0xffff  }
0x1d7: {  	v6 =	vld [tilespmem:$0x1FFE0];
	v12 =	vadd.s32 $0x30, v2;
	_ =	sdelay $0x3  }
0x1d8: {  	[tilespmem:v10+s22+$0x0] =	vst.idx.msk $0xffff, v1  }
0x1d9: {  	v27 =	vadd.s32 v6, v27;
	v25 =	vld.idx.msk [tilespmem:v12+s31+$0x0], $0xffff  }
0x1da: {  	s28 =	simm.s32 $0x0;
	v10 =	vmov v46;
	v12 =	vadd.s32 $0x40, v2;
	v2 =	vmov v39  }
.LBB2_5:
0x1db: {  	_ =	sdelay $0x2  }
0x1dc: {  	s28 =	sadd.s32 $0x4, s28;
	v10 =	vadd.s32 $0x40, v10;
	[tilespmem:v27+s22+$0x0] =	vst.idx.msk $0xffff, v25  }
0x1dd: {  	p0 =	slt.u32 s28, $0x78;
	v27 =	vshll.u32 v10, $0x4;
	v1 =	vld.idx.msk [tilespmem:v12+s31+$0x0], $0xffff  }
0x1de: {  	v25 =	vor.u32 v2, v27  }
0x1df: {  	v39 =	vadd.s32 $0x10, v12;
	_ =	sdelay $0x3  }
0x1e0: {  	[tilespmem:v25+s22+$0x0] =	vst.idx.msk $0xffff, v1  }
0x1e1: {  	v1 =	vld.idx.msk [tilespmem:v39+s31+$0x0], $0xffff  }
0x1e2: {  	v25 =	vadd.s32 v3, v27  }
0x1e3: {  	v39 =	vadd.s32 $0x20, v12;
	_ =	sdelay $0x3  }
0x1e4: {  	[tilespmem:v25+s22+$0x0] =	vst.idx.msk $0xffff, v1  }
0x1e5: {  	v1 =	vld.idx.msk [tilespmem:v39+s31+$0x0], $0xffff  }
0x1e6: {  	v25 =	vadd.s32 v4, v27  }
0x1e7: {  	v39 =	vadd.s32 $0x30, v12;
	_ =	sdelay $0x2  }
.Ltmp3:
0x1e8: {  	(pc) =	sbr.rel @p0 .LBB2_5-.Ltmp3, $4  }
0x1e9: {  	[tilespmem:v25+s22+$0x0] =	vst.idx.msk $0xffff, v1  }
0x1ea: {  	v25 =	vld.idx.msk [tilespmem:v39+s31+$0x0], $0xffff  }
0x1eb: {  	v27 =	vadd.s32 v6, v27  }
0x1ec: {  	v12 =	vadd.s32 $0x40, v12  }
0x1ed: {  	_ = 	snop  }
0x1ee: {  	v1 =	vadd.s32 $0x40, v10  }
0x1ef: {  	v1 =	vshll.u32 v1, $0x4  }
0x1f0: {  	v1 =	vor.u32 v2, v1;
	v2 =	vld [tilespmem:$0x1FD00]  }
0x1f1: {  	v4 =	vld [tilespmem:$0x1FFF0];
	[tilespmem:v27+s22+$0x0] =	vst.idx.msk $0xffff, v25  }
0x1f2: {  	v10 =	vld.idx.msk [tilespmem:v12+s31+$0x0], $0xffff  }
0x1f3: {  	v6 =	vld [tilespmem:$0x1FCD0];
	_ =	sdelay $0x3  }
0x1f4: {  	[tilespmem:v1+s22+$0x0] =	vst.idx.msk $0xffff, v10  }
0x1f5: {  	v10 =	vor.u32 v4, v6;
	v1 =	vld.idx.msk [tilespmem:v2+s31+$0x0], $0xffff  }
0x1f6: {  	v12 =	vadd.s32 $0x10, v2;
	_ =	sdelay $0x3  }
0x1f7: {  	[tilespmem:v10+s22+$0x0] =	vst.idx.msk $0xffff, v1  }
0x1f8: {  	v10 =	vadd.s32 v7, v6;
	v1 =	vld.idx.msk [tilespmem:v12+s31+$0x0], $0xffff  }
0x1f9: {  	v12 =	vadd.s32 $0x20, v2;
	_ =	sdelay $0x3  }
0x1fa: {  	[tilespmem:v10+s22+$0x0] =	vst.idx.msk $0xffff, v1  }
0x1fb: {  	v10 =	vadd.s32 v8, v6;
	v1 =	vld.idx.msk [tilespmem:v12+s31+$0x0], $0xffff  }
0x1fc: {  	v12 =	vadd.s32 $0x30, v2;
	_ =	sdelay $0x3  }
0x1fd: {  	[tilespmem:v10+s22+$0x0] =	vst.idx.msk $0xffff, v1  }
0x1fe: {  	v27 =	vadd.s32 v9, v6;
	v25 =	vld.idx.msk [tilespmem:v12+s31+$0x0], $0xffff  }
0x1ff: {  	s28 =	simm.s32 $0x0;
	v10 =	vmov v46;
	v12 =	vadd.s32 $0x40, v2  }
.LBB2_7:
0x200: {  	_ =	sdelay $0x2  }
0x201: {  	s28 =	sadd.s32 $0x4, s28;
	v10 =	vadd.s32 $0x40, v10;
	[tilespmem:v27+s22+$0x0] =	vst.idx.msk $0xffff, v25  }
0x202: {  	p0 =	slt.u32 s28, $0x78;
	v27 =	vshll.u32 v10, $0x4;
	v1 =	vld.idx.msk [tilespmem:v12+s31+$0x0], $0xffff  }
0x203: {  	v25 =	vor.u32 v4, v27  }
0x204: {  	v39 =	vadd.s32 $0x10, v12;
	_ =	sdelay $0x3  }
0x205: {  	[tilespmem:v25+s22+$0x0] =	vst.idx.msk $0xffff, v1  }
0x206: {  	v1 =	vld.idx.msk [tilespmem:v39+s31+$0x0], $0xffff  }
0x207: {  	v25 =	vadd.s32 v7, v27  }
0x208: {  	v39 =	vadd.s32 $0x20, v12;
	_ =	sdelay $0x3  }
0x209: {  	[tilespmem:v25+s22+$0x0] =	vst.idx.msk $0xffff, v1  }
0x20a: {  	v1 =	vld.idx.msk [tilespmem:v39+s31+$0x0], $0xffff  }
0x20b: {  	v25 =	vadd.s32 v8, v27  }
0x20c: {  	v39 =	vadd.s32 $0x30, v12;
	_ =	sdelay $0x2  }
.Ltmp4:
0x20d: {  	(pc) =	sbr.rel @p0 .LBB2_7-.Ltmp4, $4  }
0x20e: {  	[tilespmem:v25+s22+$0x0] =	vst.idx.msk $0xffff, v1  }
0x20f: {  	v25 =	vld.idx.msk [tilespmem:v39+s31+$0x0], $0xffff  }
0x210: {  	v27 =	vadd.s32 v9, v27  }
0x211: {  	v12 =	vadd.s32 $0x40, v12  }
0x212: {  	_ =	sdelay $0x2  }
0x213: {  	v1 =	vadd.s32 $0x40, v10;
	v2 =	vld [tilespmem:$0x1FD30]  }
0x214: {  	v1 =	vshll.u32 v1, $0x4;
	[tilespmem:v27+s22+$0x0] =	vst.idx.msk $0xffff, v25  }
0x215: {  	v1 =	vor.u32 v4, v1;
	v10 =	vld.idx.msk [tilespmem:v12+s31+$0x0], $0xffff;
	_ =	sdelay $0x4  }
0x216: {  	[tilespmem:v1+s22+$0x0] =	vst.idx.msk $0xffff, v10  }
0x217: {  	v10 =	vor.u32 v13, v6;
	v1 =	vld.idx.msk [tilespmem:v2+s31+$0x0], $0xffff  }
0x218: {  	v12 =	vadd.s32 $0x10, v2;
	_ =	sdelay $0x3  }
0x219: {  	[tilespmem:v10+s22+$0x0] =	vst.idx.msk $0xffff, v1  }
0x21a: {  	v10 =	vadd.s32 v14, v6;
	v1 =	vld.idx.msk [tilespmem:v12+s31+$0x0], $0xffff  }
0x21b: {  	v12 =	vadd.s32 $0x20, v2;
	_ =	sdelay $0x3  }
0x21c: {  	[tilespmem:v10+s22+$0x0] =	vst.idx.msk $0xffff, v1  }
0x21d: {  	v10 =	vadd.s32 v15, v6;
	v1 =	vld.idx.msk [tilespmem:v12+s31+$0x0], $0xffff  }
0x21e: {  	v12 =	vadd.s32 $0x30, v2;
	_ =	sdelay $0x3  }
0x21f: {  	[tilespmem:v10+s22+$0x0] =	vst.idx.msk $0xffff, v1  }
0x220: {  	v27 =	vadd.s32 v16, v6;
	v25 =	vld.idx.msk [tilespmem:v12+s31+$0x0], $0xffff  }
0x221: {  	s28 =	simm.s32 $0x0;
	v10 =	vmov v46;
	v12 =	vadd.s32 $0x40, v2  }
.LBB2_9:
0x222: {  	_ =	sdelay $0x2  }
0x223: {  	s28 =	sadd.s32 $0x4, s28;
	v10 =	vadd.s32 $0x40, v10;
	[tilespmem:v27+s22+$0x0] =	vst.idx.msk $0xffff, v25  }
0x224: {  	p0 =	slt.u32 s28, $0x78;
	v27 =	vshll.u32 v10, $0x4;
	v1 =	vld.idx.msk [tilespmem:v12+s31+$0x0], $0xffff  }
0x225: {  	v25 =	vor.u32 v13, v27  }
0x226: {  	v39 =	vadd.s32 $0x10, v12;
	_ =	sdelay $0x3  }
0x227: {  	[tilespmem:v25+s22+$0x0] =	vst.idx.msk $0xffff, v1  }
0x228: {  	v1 =	vld.idx.msk [tilespmem:v39+s31+$0x0], $0xffff  }
0x229: {  	v25 =	vadd.s32 v14, v27  }
0x22a: {  	v39 =	vadd.s32 $0x20, v12;
	_ =	sdelay $0x3  }
0x22b: {  	[tilespmem:v25+s22+$0x0] =	vst.idx.msk $0xffff, v1  }
0x22c: {  	v1 =	vld.idx.msk [tilespmem:v39+s31+$0x0], $0xffff  }
0x22d: {  	v25 =	vadd.s32 v15, v27  }
0x22e: {  	v39 =	vadd.s32 $0x30, v12;
	_ =	sdelay $0x2  }
.Ltmp5:
0x22f: {  	(pc) =	sbr.rel @p0 .LBB2_9-.Ltmp5, $4  }
0x230: {  	[tilespmem:v25+s22+$0x0] =	vst.idx.msk $0xffff, v1  }
0x231: {  	v25 =	vld.idx.msk [tilespmem:v39+s31+$0x0], $0xffff  }
0x232: {  	v27 =	vadd.s32 v16, v27  }
0x233: {  	v12 =	vadd.s32 $0x40, v12  }
0x234: {  	_ =	sdelay $0x2  }
0x235: {  	v1 =	vadd.s32 $0x40, v10;
	v2 =	vld [tilespmem:$0x1FD60]  }
0x236: {  	v1 =	vshll.u32 v1, $0x4;
	[tilespmem:v27+s22+$0x0] =	vst.idx.msk $0xffff, v25  }
0x237: {  	v1 =	vor.u32 v13, v1;
	v10 =	vld.idx.msk [tilespmem:v12+s31+$0x0], $0xffff;
	_ =	sdelay $0x4  }
0x238: {  	[tilespmem:v1+s22+$0x0] =	vst.idx.msk $0xffff, v10  }
0x239: {  	v10 =	vor.u32 v21, v6;
	v1 =	vld.idx.msk [tilespmem:v2+s31+$0x0], $0xffff  }
0x23a: {  	v12 =	vadd.s32 $0x10, v2;
	_ =	sdelay $0x3  }
0x23b: {  	[tilespmem:v10+s22+$0x0] =	vst.idx.msk $0xffff, v1  }
0x23c: {  	v10 =	vadd.s32 v22, v6;
	v1 =	vld.idx.msk [tilespmem:v12+s31+$0x0], $0xffff  }
0x23d: {  	v12 =	vadd.s32 $0x20, v2;
	_ =	sdelay $0x3  }
0x23e: {  	[tilespmem:v10+s22+$0x0] =	vst.idx.msk $0xffff, v1  }
0x23f: {  	v10 =	vadd.s32 v23, v6;
	v1 =	vld.idx.msk [tilespmem:v12+s31+$0x0], $0xffff  }
0x240: {  	v12 =	vadd.s32 $0x30, v2;
	_ =	sdelay $0x3  }
0x241: {  	[tilespmem:v10+s22+$0x0] =	vst.idx.msk $0xffff, v1  }
0x242: {  	v27 =	vadd.s32 v24, v6;
	v25 =	vld.idx.msk [tilespmem:v12+s31+$0x0], $0xffff  }
0x243: {  	s28 =	simm.s32 $0x0;
	v10 =	vmov v46;
	v12 =	vadd.s32 $0x40, v2  }
.LBB2_11:
0x244: {  	_ =	sdelay $0x2  }
0x245: {  	s28 =	sadd.s32 $0x4, s28;
	v10 =	vadd.s32 $0x40, v10;
	[tilespmem:v27+s22+$0x0] =	vst.idx.msk $0xffff, v25  }
0x246: {  	p0 =	slt.u32 s28, $0x78;
	v27 =	vshll.u32 v10, $0x4;
	v1 =	vld.idx.msk [tilespmem:v12+s31+$0x0], $0xffff  }
0x247: {  	v25 =	vor.u32 v21, v27  }
0x248: {  	v39 =	vadd.s32 $0x10, v12;
	_ =	sdelay $0x3  }
0x249: {  	[tilespmem:v25+s22+$0x0] =	vst.idx.msk $0xffff, v1  }
0x24a: {  	v1 =	vld.idx.msk [tilespmem:v39+s31+$0x0], $0xffff  }
0x24b: {  	v25 =	vadd.s32 v22, v27  }
0x24c: {  	v39 =	vadd.s32 $0x20, v12;
	_ =	sdelay $0x3  }
0x24d: {  	[tilespmem:v25+s22+$0x0] =	vst.idx.msk $0xffff, v1  }
0x24e: {  	v1 =	vld.idx.msk [tilespmem:v39+s31+$0x0], $0xffff  }
0x24f: {  	v25 =	vadd.s32 v23, v27  }
0x250: {  	v39 =	vadd.s32 $0x30, v12;
	_ =	sdelay $0x2  }
.Ltmp6:
0x251: {  	(pc) =	sbr.rel @p0 .LBB2_11-.Ltmp6, $4  }
0x252: {  	[tilespmem:v25+s22+$0x0] =	vst.idx.msk $0xffff, v1  }
0x253: {  	v25 =	vld.idx.msk [tilespmem:v39+s31+$0x0], $0xffff  }
0x254: {  	v27 =	vadd.s32 v24, v27  }
0x255: {  	v12 =	vadd.s32 $0x40, v12  }
0x256: {  	_ =	sdelay $0x2  }
0x257: {  	v1 =	vadd.s32 $0x40, v10;
	v2 =	vld [tilespmem:$0x1FD90]  }
0x258: {  	v1 =	vshll.u32 v1, $0x4;
	[tilespmem:v27+s22+$0x0] =	vst.idx.msk $0xffff, v25  }
0x259: {  	v1 =	vor.u32 v21, v1;
	v10 =	vld.idx.msk [tilespmem:v12+s31+$0x0], $0xffff;
	_ =	sdelay $0x4  }
0x25a: {  	[tilespmem:v1+s22+$0x0] =	vst.idx.msk $0xffff, v10  }
0x25b: {  	v10 =	vor.u32 v28, v6;
	v1 =	vld.idx.msk [tilespmem:v2+s31+$0x0], $0xffff  }
0x25c: {  	v12 =	vadd.s32 $0x10, v2;
	_ =	sdelay $0x3  }
0x25d: {  	[tilespmem:v10+s22+$0x0] =	vst.idx.msk $0xffff, v1  }
0x25e: {  	v10 =	vadd.s32 v29, v6;
	v1 =	vld.idx.msk [tilespmem:v12+s31+$0x0], $0xffff  }
0x25f: {  	v12 =	vadd.s32 $0x20, v2;
	_ =	sdelay $0x3  }
0x260: {  	[tilespmem:v10+s22+$0x0] =	vst.idx.msk $0xffff, v1  }
0x261: {  	v10 =	vadd.s32 v30, v6;
	v1 =	vld.idx.msk [tilespmem:v12+s31+$0x0], $0xffff  }
0x262: {  	v12 =	vadd.s32 $0x30, v2;
	_ =	sdelay $0x3  }
0x263: {  	[tilespmem:v10+s22+$0x0] =	vst.idx.msk $0xffff, v1  }
0x264: {  	v27 =	vadd.s32 v33, v6;
	v25 =	vld.idx.msk [tilespmem:v12+s31+$0x0], $0xffff  }
0x265: {  	s28 =	simm.s32 $0x0;
	v10 =	vmov v46;
	v12 =	vadd.s32 $0x40, v2  }
.LBB2_13:
0x266: {  	_ =	sdelay $0x2  }
0x267: {  	s28 =	sadd.s32 $0x4, s28;
	v10 =	vadd.s32 $0x40, v10;
	[tilespmem:v27+s22+$0x0] =	vst.idx.msk $0xffff, v25  }
0x268: {  	p0 =	slt.u32 s28, $0x78;
	v27 =	vshll.u32 v10, $0x4;
	v1 =	vld.idx.msk [tilespmem:v12+s31+$0x0], $0xffff  }
0x269: {  	v25 =	vor.u32 v28, v27  }
0x26a: {  	v39 =	vadd.s32 $0x10, v12;
	_ =	sdelay $0x3  }
0x26b: {  	[tilespmem:v25+s22+$0x0] =	vst.idx.msk $0xffff, v1  }
0x26c: {  	v1 =	vld.idx.msk [tilespmem:v39+s31+$0x0], $0xffff  }
0x26d: {  	v25 =	vadd.s32 v29, v27  }
0x26e: {  	v39 =	vadd.s32 $0x20, v12;
	_ =	sdelay $0x3  }
0x26f: {  	[tilespmem:v25+s22+$0x0] =	vst.idx.msk $0xffff, v1  }
0x270: {  	v1 =	vld.idx.msk [tilespmem:v39+s31+$0x0], $0xffff  }
0x271: {  	v25 =	vadd.s32 v30, v27  }
0x272: {  	v39 =	vadd.s32 $0x30, v12;
	_ =	sdelay $0x2  }
.Ltmp7:
0x273: {  	(pc) =	sbr.rel @p0 .LBB2_13-.Ltmp7, $4  }
0x274: {  	[tilespmem:v25+s22+$0x0] =	vst.idx.msk $0xffff, v1  }
0x275: {  	v25 =	vld.idx.msk [tilespmem:v39+s31+$0x0], $0xffff  }
0x276: {  	v27 =	vadd.s32 v33, v27  }
0x277: {  	v12 =	vadd.s32 $0x40, v12  }
0x278: {  	_ =	sdelay $0x2  }
0x279: {  	v1 =	vadd.s32 $0x40, v10;
	v2 =	vld [tilespmem:$0x1FDC0]  }
0x27a: {  	v1 =	vshll.u32 v1, $0x4;
	[tilespmem:v27+s22+$0x0] =	vst.idx.msk $0xffff, v25  }
0x27b: {  	v1 =	vor.u32 v28, v1;
	v10 =	vld.idx.msk [tilespmem:v12+s31+$0x0], $0xffff;
	_ =	sdelay $0x4  }
0x27c: {  	[tilespmem:v1+s22+$0x0] =	vst.idx.msk $0xffff, v10  }
0x27d: {  	v10 =	vor.u32 v35, v6;
	v1 =	vld.idx.msk [tilespmem:v2+s31+$0x0], $0xffff  }
0x27e: {  	v12 =	vadd.s32 $0x10, v2;
	_ =	sdelay $0x3  }
0x27f: {  	[tilespmem:v10+s22+$0x0] =	vst.idx.msk $0xffff, v1  }
0x280: {  	v10 =	vadd.s32 v36, v6;
	v1 =	vld.idx.msk [tilespmem:v12+s31+$0x0], $0xffff  }
0x281: {  	v12 =	vadd.s32 $0x20, v2;
	_ =	sdelay $0x3  }
0x282: {  	[tilespmem:v10+s22+$0x0] =	vst.idx.msk $0xffff, v1  }
0x283: {  	v10 =	vadd.s32 v37, v6;
	v1 =	vld.idx.msk [tilespmem:v12+s31+$0x0], $0xffff  }
0x284: {  	v12 =	vadd.s32 $0x30, v2;
	_ =	sdelay $0x3  }
0x285: {  	[tilespmem:v10+s22+$0x0] =	vst.idx.msk $0xffff, v1  }
0x286: {  	v27 =	vadd.s32 v38, v6;
	v25 =	vld.idx.msk [tilespmem:v12+s31+$0x0], $0xffff  }
0x287: {  	s28 =	simm.s32 $0x0;
	v10 =	vmov v46;
	v12 =	vadd.s32 $0x40, v2  }
.LBB2_15:
0x288: {  	_ =	sdelay $0x2  }
0x289: {  	s28 =	sadd.s32 $0x4, s28;
	v10 =	vadd.s32 $0x40, v10;
	[tilespmem:v27+s22+$0x0] =	vst.idx.msk $0xffff, v25  }
0x28a: {  	p0 =	slt.u32 s28, $0x78;
	v27 =	vshll.u32 v10, $0x4;
	v1 =	vld.idx.msk [tilespmem:v12+s31+$0x0], $0xffff  }
0x28b: {  	v25 =	vor.u32 v35, v27  }
0x28c: {  	v39 =	vadd.s32 $0x10, v12;
	_ =	sdelay $0x3  }
0x28d: {  	[tilespmem:v25+s22+$0x0] =	vst.idx.msk $0xffff, v1  }
0x28e: {  	v1 =	vld.idx.msk [tilespmem:v39+s31+$0x0], $0xffff  }
0x28f: {  	v25 =	vadd.s32 v36, v27  }
0x290: {  	v39 =	vadd.s32 $0x20, v12;
	_ =	sdelay $0x3  }
0x291: {  	[tilespmem:v25+s22+$0x0] =	vst.idx.msk $0xffff, v1  }
0x292: {  	v1 =	vld.idx.msk [tilespmem:v39+s31+$0x0], $0xffff  }
0x293: {  	v25 =	vadd.s32 v37, v27  }
0x294: {  	v39 =	vadd.s32 $0x30, v12;
	_ =	sdelay $0x2  }
.Ltmp8:
0x295: {  	(pc) =	sbr.rel @p0 .LBB2_15-.Ltmp8, $4  }
0x296: {  	[tilespmem:v25+s22+$0x0] =	vst.idx.msk $0xffff, v1  }
0x297: {  	v25 =	vld.idx.msk [tilespmem:v39+s31+$0x0], $0xffff  }
0x298: {  	v27 =	vadd.s32 v38, v27  }
0x299: {  	v12 =	vadd.s32 $0x40, v12  }
0x29a: {  	_ =	sdelay $0x2  }
0x29b: {  	v1 =	vadd.s32 $0x40, v10;
	v2 =	vld [tilespmem:$0x1FE20]  }
0x29c: {  	v1 =	vshll.u32 v1, $0x4;
	[tilespmem:v27+s22+$0x0] =	vst.idx.msk $0xffff, v25  }
0x29d: {  	v1 =	vor.u32 v35, v1;
	v10 =	vld.idx.msk [tilespmem:v12+s31+$0x0], $0xffff;
	_ =	sdelay $0x4  }
0x29e: {  	[tilespmem:v1+s22+$0x0] =	vst.idx.msk $0xffff, v10  }
0x29f: {  	v10 =	vor.u32 v42, v6;
	v1 =	vld.idx.msk [tilespmem:v2+s31+$0x0], $0xffff  }
0x2a0: {  	v12 =	vadd.s32 $0x10, v2;
	_ =	sdelay $0x3  }
0x2a1: {  	[tilespmem:v10+s22+$0x0] =	vst.idx.msk $0xffff, v1  }
0x2a2: {  	v10 =	vadd.s32 v43, v6;
	v1 =	vld.idx.msk [tilespmem:v12+s31+$0x0], $0xffff  }
0x2a3: {  	v12 =	vadd.s32 $0x20, v2;
	_ =	sdelay $0x3  }
0x2a4: {  	[tilespmem:v10+s22+$0x0] =	vst.idx.msk $0xffff, v1  }
0x2a5: {  	v10 =	vadd.s32 v44, v6;
	v1 =	vld.idx.msk [tilespmem:v12+s31+$0x0], $0xffff  }
0x2a6: {  	v12 =	vadd.s32 $0x30, v2;
	_ =	sdelay $0x3  }
0x2a7: {  	[tilespmem:v10+s22+$0x0] =	vst.idx.msk $0xffff, v1  }
0x2a8: {  	v27 =	vadd.s32 v45, v6;
	v25 =	vld.idx.msk [tilespmem:v12+s31+$0x0], $0xffff  }
0x2a9: {  	s28 =	simm.s32 $0x0;
	v10 =	vmov v46;
	v12 =	vadd.s32 $0x40, v2  }
.LBB2_17:
0x2aa: {  	_ =	sdelay $0x2  }
0x2ab: {  	s28 =	sadd.s32 $0x4, s28;
	v10 =	vadd.s32 $0x40, v10;
	[tilespmem:v27+s22+$0x0] =	vst.idx.msk $0xffff, v25  }
0x2ac: {  	p0 =	slt.u32 s28, $0x78;
	v27 =	vshll.u32 v10, $0x4;
	v1 =	vld.idx.msk [tilespmem:v12+s31+$0x0], $0xffff  }
0x2ad: {  	v25 =	vor.u32 v42, v27  }
0x2ae: {  	v39 =	vadd.s32 $0x10, v12;
	_ =	sdelay $0x3  }
0x2af: {  	[tilespmem:v25+s22+$0x0] =	vst.idx.msk $0xffff, v1  }
0x2b0: {  	v1 =	vld.idx.msk [tilespmem:v39+s31+$0x0], $0xffff  }
0x2b1: {  	v25 =	vadd.s32 v43, v27  }
0x2b2: {  	v39 =	vadd.s32 $0x20, v12;
	_ =	sdelay $0x3  }
0x2b3: {  	[tilespmem:v25+s22+$0x0] =	vst.idx.msk $0xffff, v1  }
0x2b4: {  	v1 =	vld.idx.msk [tilespmem:v39+s31+$0x0], $0xffff  }
0x2b5: {  	v25 =	vadd.s32 v44, v27  }
0x2b6: {  	v39 =	vadd.s32 $0x30, v12;
	_ =	sdelay $0x2  }
.Ltmp9:
0x2b7: {  	(pc) =	sbr.rel @p0 .LBB2_17-.Ltmp9, $4  }
0x2b8: {  	[tilespmem:v25+s22+$0x0] =	vst.idx.msk $0xffff, v1  }
0x2b9: {  	v25 =	vld.idx.msk [tilespmem:v39+s31+$0x0], $0xffff  }
0x2ba: {  	v27 =	vadd.s32 v45, v27  }
0x2bb: {  	v12 =	vadd.s32 $0x40, v12  }
0x2bc: {  	_ =	sdelay $0x2  }
0x2bd: {  	v1 =	vadd.s32 $0x40, v10;
	v2 =	vld [tilespmem:$0x1FE30]  }
0x2be: {  	v1 =	vshll.u32 v1, $0x4;
	[tilespmem:v27+s22+$0x0] =	vst.idx.msk $0xffff, v25  }
0x2bf: {  	v1 =	vor.u32 v42, v1;
	v10 =	vld.idx.msk [tilespmem:v12+s31+$0x0], $0xffff;
	_ =	sdelay $0x4  }
0x2c0: {  	[tilespmem:v1+s22+$0x0] =	vst.idx.msk $0xffff, v10  }
0x2c1: {  	v10 =	vor.u32 v19, v6;
	v1 =	vld.idx.msk [tilespmem:v2+s31+$0x0], $0xffff  }
0x2c2: {  	v12 =	vadd.s32 $0x10, v2;
	_ =	sdelay $0x3  }
0x2c3: {  	[tilespmem:v10+s22+$0x0] =	vst.idx.msk $0xffff, v1  }
0x2c4: {  	v10 =	vadd.s32 v47, v6;
	v1 =	vld.idx.msk [tilespmem:v12+s31+$0x0], $0xffff  }
0x2c5: {  	v12 =	vadd.s32 $0x20, v2;
	_ =	sdelay $0x3  }
0x2c6: {  	[tilespmem:v10+s22+$0x0] =	vst.idx.msk $0xffff, v1  }
0x2c7: {  	v10 =	vadd.s32 v48, v6;
	v1 =	vld.idx.msk [tilespmem:v12+s31+$0x0], $0xffff  }
0x2c8: {  	v12 =	vadd.s32 $0x30, v2;
	_ =	sdelay $0x3  }
0x2c9: {  	[tilespmem:v10+s22+$0x0] =	vst.idx.msk $0xffff, v1  }
0x2ca: {  	v27 =	vadd.s32 v49, v6;
	v25 =	vld.idx.msk [tilespmem:v12+s31+$0x0], $0xffff  }
0x2cb: {  	s28 =	simm.s32 $0x0;
	v10 =	vmov v46;
	v12 =	vadd.s32 $0x40, v2  }
.LBB2_19:
0x2cc: {  	_ =	sdelay $0x2  }
0x2cd: {  	s28 =	sadd.s32 $0x4, s28;
	v10 =	vadd.s32 $0x40, v10;
	[tilespmem:v27+s22+$0x0] =	vst.idx.msk $0xffff, v25  }
0x2ce: {  	p0 =	slt.u32 s28, $0x78;
	v27 =	vshll.u32 v10, $0x4;
	v1 =	vld.idx.msk [tilespmem:v12+s31+$0x0], $0xffff  }
0x2cf: {  	v25 =	vor.u32 v19, v27  }
0x2d0: {  	v39 =	vadd.s32 $0x10, v12;
	_ =	sdelay $0x3  }
0x2d1: {  	[tilespmem:v25+s22+$0x0] =	vst.idx.msk $0xffff, v1  }
0x2d2: {  	v1 =	vld.idx.msk [tilespmem:v39+s31+$0x0], $0xffff  }
0x2d3: {  	v25 =	vadd.s32 v47, v27  }
0x2d4: {  	v39 =	vadd.s32 $0x20, v12;
	_ =	sdelay $0x3  }
0x2d5: {  	[tilespmem:v25+s22+$0x0] =	vst.idx.msk $0xffff, v1  }
0x2d6: {  	v1 =	vld.idx.msk [tilespmem:v39+s31+$0x0], $0xffff  }
0x2d7: {  	v25 =	vadd.s32 v48, v27  }
0x2d8: {  	v39 =	vadd.s32 $0x30, v12;
	_ =	sdelay $0x2  }
.Ltmp10:
0x2d9: {  	(pc) =	sbr.rel @p0 .LBB2_19-.Ltmp10, $4  }
0x2da: {  	[tilespmem:v25+s22+$0x0] =	vst.idx.msk $0xffff, v1  }
0x2db: {  	v25 =	vld.idx.msk [tilespmem:v39+s31+$0x0], $0xffff  }
0x2dc: {  	v27 =	vadd.s32 v49, v27  }
0x2dd: {  	v12 =	vadd.s32 $0x40, v12  }
0x2de: {  	_ =	sdelay $0x2  }
0x2df: {  	v1 =	vadd.s32 $0x40, v10;
	v2 =	vld [tilespmem:$0x1FE40]  }
0x2e0: {  	v1 =	vshll.u32 v1, $0x4;
	[tilespmem:v27+s22+$0x0] =	vst.idx.msk $0xffff, v25  }
0x2e1: {  	v1 =	vor.u32 v19, v1;
	v10 =	vld.idx.msk [tilespmem:v12+s31+$0x0], $0xffff;
	_ =	sdelay $0x4  }
0x2e2: {  	[tilespmem:v1+s22+$0x0] =	vst.idx.msk $0xffff, v10  }
0x2e3: {  	v10 =	vor.u32 v51, v6;
	v1 =	vld.idx.msk [tilespmem:v2+s31+$0x0], $0xffff  }
0x2e4: {  	v12 =	vadd.s32 $0x10, v2;
	_ =	sdelay $0x3  }
0x2e5: {  	[tilespmem:v10+s22+$0x0] =	vst.idx.msk $0xffff, v1  }
0x2e6: {  	v10 =	vadd.s32 v52, v6;
	v1 =	vld.idx.msk [tilespmem:v12+s31+$0x0], $0xffff  }
0x2e7: {  	v12 =	vadd.s32 $0x20, v2;
	_ =	sdelay $0x3  }
0x2e8: {  	[tilespmem:v10+s22+$0x0] =	vst.idx.msk $0xffff, v1  }
0x2e9: {  	v10 =	vadd.s32 v53, v6;
	v1 =	vld.idx.msk [tilespmem:v12+s31+$0x0], $0xffff  }
0x2ea: {  	v12 =	vadd.s32 $0x30, v2;
	_ =	sdelay $0x3  }
0x2eb: {  	[tilespmem:v10+s22+$0x0] =	vst.idx.msk $0xffff, v1  }
0x2ec: {  	v27 =	vadd.s32 v54, v6;
	v25 =	vld.idx.msk [tilespmem:v12+s31+$0x0], $0xffff  }
0x2ed: {  	s28 =	simm.s32 $0x0;
	v10 =	vmov v46;
	v12 =	vadd.s32 $0x40, v2  }
.LBB2_21:
0x2ee: {  	_ =	sdelay $0x2  }
0x2ef: {  	s28 =	sadd.s32 $0x4, s28;
	v10 =	vadd.s32 $0x40, v10;
	[tilespmem:v27+s22+$0x0] =	vst.idx.msk $0xffff, v25  }
0x2f0: {  	p0 =	slt.u32 s28, $0x78;
	v27 =	vshll.u32 v10, $0x4;
	v1 =	vld.idx.msk [tilespmem:v12+s31+$0x0], $0xffff  }
0x2f1: {  	v25 =	vor.u32 v51, v27  }
0x2f2: {  	v39 =	vadd.s32 $0x10, v12;
	_ =	sdelay $0x3  }
0x2f3: {  	[tilespmem:v25+s22+$0x0] =	vst.idx.msk $0xffff, v1  }
0x2f4: {  	v1 =	vld.idx.msk [tilespmem:v39+s31+$0x0], $0xffff  }
0x2f5: {  	v25 =	vadd.s32 v52, v27  }
0x2f6: {  	v39 =	vadd.s32 $0x20, v12;
	_ =	sdelay $0x3  }
0x2f7: {  	[tilespmem:v25+s22+$0x0] =	vst.idx.msk $0xffff, v1  }
0x2f8: {  	v1 =	vld.idx.msk [tilespmem:v39+s31+$0x0], $0xffff  }
0x2f9: {  	v25 =	vadd.s32 v53, v27  }
0x2fa: {  	v39 =	vadd.s32 $0x30, v12;
	_ =	sdelay $0x2  }
.Ltmp11:
0x2fb: {  	(pc) =	sbr.rel @p0 .LBB2_21-.Ltmp11, $4  }
0x2fc: {  	[tilespmem:v25+s22+$0x0] =	vst.idx.msk $0xffff, v1  }
0x2fd: {  	v25 =	vld.idx.msk [tilespmem:v39+s31+$0x0], $0xffff  }
0x2fe: {  	v27 =	vadd.s32 v54, v27  }
0x2ff: {  	v12 =	vadd.s32 $0x40, v12  }
0x300: {  	_ =	sdelay $0x2  }
0x301: {  	v1 =	vadd.s32 $0x40, v10;
	v2 =	vld [tilespmem:$0x1FE60]  }
0x302: {  	v1 =	vshll.u32 v1, $0x4;
	[tilespmem:v27+s22+$0x0] =	vst.idx.msk $0xffff, v25  }
0x303: {  	v1 =	vor.u32 v51, v1;
	v10 =	vld.idx.msk [tilespmem:v12+s31+$0x0], $0xffff;
	_ =	sdelay $0x4  }
0x304: {  	[tilespmem:v1+s22+$0x0] =	vst.idx.msk $0xffff, v10  }
0x305: {  	v10 =	vor.u32 v56, v6;
	v1 =	vld.idx.msk [tilespmem:v2+s31+$0x0], $0xffff  }
0x306: {  	v12 =	vadd.s32 $0x10, v2;
	_ =	sdelay $0x3  }
0x307: {  	[tilespmem:v10+s22+$0x0] =	vst.idx.msk $0xffff, v1  }
0x308: {  	v10 =	vadd.s32 v57, v6;
	v1 =	vld.idx.msk [tilespmem:v12+s31+$0x0], $0xffff  }
0x309: {  	v12 =	vadd.s32 $0x20, v2;
	_ =	sdelay $0x3  }
0x30a: {  	[tilespmem:v10+s22+$0x0] =	vst.idx.msk $0xffff, v1  }
0x30b: {  	v10 =	vadd.s32 v58, v6;
	v1 =	vld.idx.msk [tilespmem:v12+s31+$0x0], $0xffff  }
0x30c: {  	v12 =	vadd.s32 $0x30, v2;
	_ =	sdelay $0x3  }
0x30d: {  	[tilespmem:v10+s22+$0x0] =	vst.idx.msk $0xffff, v1  }
0x30e: {  	v27 =	vadd.s32 v59, v6;
	v25 =	vld.idx.msk [tilespmem:v12+s31+$0x0], $0xffff  }
0x30f: {  	s28 =	simm.s32 $0x0;
	v10 =	vmov v46;
	v12 =	vadd.s32 $0x40, v2  }
.LBB2_23:
0x310: {  	_ =	sdelay $0x2  }
0x311: {  	s28 =	sadd.s32 $0x4, s28;
	v10 =	vadd.s32 $0x40, v10;
	[tilespmem:v27+s22+$0x0] =	vst.idx.msk $0xffff, v25  }
0x312: {  	p0 =	slt.u32 s28, $0x78;
	v27 =	vshll.u32 v10, $0x4;
	v1 =	vld.idx.msk [tilespmem:v12+s31+$0x0], $0xffff  }
0x313: {  	v25 =	vor.u32 v56, v27  }
0x314: {  	v39 =	vadd.s32 $0x10, v12;
	_ =	sdelay $0x3  }
0x315: {  	[tilespmem:v25+s22+$0x0] =	vst.idx.msk $0xffff, v1  }
0x316: {  	v1 =	vld.idx.msk [tilespmem:v39+s31+$0x0], $0xffff  }
0x317: {  	v25 =	vadd.s32 v57, v27  }
0x318: {  	v39 =	vadd.s32 $0x20, v12;
	_ =	sdelay $0x3  }
0x319: {  	[tilespmem:v25+s22+$0x0] =	vst.idx.msk $0xffff, v1  }
0x31a: {  	v1 =	vld.idx.msk [tilespmem:v39+s31+$0x0], $0xffff  }
0x31b: {  	v25 =	vadd.s32 v58, v27  }
0x31c: {  	v39 =	vadd.s32 $0x30, v12;
	_ =	sdelay $0x2  }
.Ltmp12:
0x31d: {  	(pc) =	sbr.rel @p0 .LBB2_23-.Ltmp12, $4  }
0x31e: {  	[tilespmem:v25+s22+$0x0] =	vst.idx.msk $0xffff, v1  }
0x31f: {  	v25 =	vld.idx.msk [tilespmem:v39+s31+$0x0], $0xffff  }
0x320: {  	v27 =	vadd.s32 v59, v27  }
0x321: {  	v12 =	vadd.s32 $0x40, v12  }
0x322: {  	v2 =	vld [tilespmem:$0x1FD10]  }
0x323: {  	v6 =	vld [tilespmem:$0x1FD20];
	_ =	sdelay $0x2  }
0x324: {  	[tilespmem:v27+s22+$0x0] =	vst.idx.msk $0xffff, v25  }
0x325: {  	v1 =	vadd.s32 $0x40, v10;
	v10 =	vld.idx.msk [tilespmem:v12+s31+$0x0], $0xffff  }
0x326: {  	v12 =	vcombine.low v2, v6;
	v2 =	vld [tilespmem:$0x1FE90]  }
0x327: {  	v1 =	vshll.u32 v1, $0x4  }
0x328: {  	v1 =	vor.u32 v56, v1  }
0x329: {  	v6 =	vld [tilespmem:$0x1FCD0];
	_ =	sdelay $0x3  }
0x32a: {  	v39 =	vand.u32 $0xF, v12;
	[tilespmem:v1+s22+$0x0] =	vst.idx.msk $0xffff, v10  }
0x32b: {  	v10 =	vor.u32 v39, v6;
	v1 =	vld.idx.msk [tilespmem:v2+s31+$0x0], $0xffff  }
0x32c: {  	v12 =	vadd.s32 $0x10, v2;
	_ =	sdelay $0x3  }
0x32d: {  	[tilespmem:v10+s22+$0x0] =	vst.idx.msk $0xffff, v1  }
0x32e: {  	v10 =	vadd.s32 v61, v6;
	v1 =	vld.idx.msk [tilespmem:v12+s31+$0x0], $0xffff  }
0x32f: {  	v12 =	vadd.s32 $0x20, v2;
	_ =	sdelay $0x3  }
0x330: {  	[tilespmem:v10+s22+$0x0] =	vst.idx.msk $0xffff, v1  }
0x331: {  	v10 =	vadd.s32 v62, v6;
	v1 =	vld.idx.msk [tilespmem:v12+s31+$0x0], $0xffff  }
0x332: {  	v12 =	vadd.s32 $0x30, v2;
	_ =	sdelay $0x3  }
0x333: {  	[tilespmem:v10+s22+$0x0] =	vst.idx.msk $0xffff, v1  }
0x334: {  	v27 =	vadd.s32 v63, v6;
	v25 =	vld.idx.msk [tilespmem:v12+s31+$0x0], $0xffff  }
0x335: {  	s28 =	simm.s32 $0x0;
	v10 =	vmov v46;
	v12 =	vadd.s32 $0x40, v2  }
.LBB2_25:
0x336: {  	_ =	sdelay $0x1  }
0x337: {  	s28 =	sadd.s32 $0x4, s28  }
0x338: {  	v10 =	vadd.s32 $0x40, v10;
	p0 =	slt.u32 s28, $0x78;
	[tilespmem:v27+s22+$0x0] =	vst.idx.msk $0xffff, v25  }
0x339: {  	v27 =	vshll.u32 v10, $0x4;
	v1 =	vld.idx.msk [tilespmem:v12+s31+$0x0], $0xffff  }
0x33a: {  	v25 =	vor.u32 v39, v27  }
0x33b: {  	v2 =	vadd.s32 $0x10, v12;
	_ =	sdelay $0x3  }
0x33c: {  	[tilespmem:v25+s22+$0x0] =	vst.idx.msk $0xffff, v1  }
0x33d: {  	v1 =	vld.idx.msk [tilespmem:v2+s31+$0x0], $0xffff  }
0x33e: {  	v2 =	vadd.s32 v61, v27  }
0x33f: {  	v25 =	vadd.s32 $0x20, v12;
	_ =	sdelay $0x3  }
0x340: {  	[tilespmem:v2+s22+$0x0] =	vst.idx.msk $0xffff, v1  }
0x341: {  	v1 =	vld.idx.msk [tilespmem:v25+s31+$0x0], $0xffff  }
0x342: {  	v2 =	vadd.s32 v62, v27  }
0x343: {  	v25 =	vadd.s32 $0x30, v12;
	_ =	sdelay $0x2  }
.Ltmp13:
0x344: {  	(pc) =	sbr.rel @p0 .LBB2_25-.Ltmp13, $4  }
0x345: {  	[tilespmem:v2+s22+$0x0] =	vst.idx.msk $0xffff, v1  }
0x346: {  	v25 =	vld.idx.msk [tilespmem:v25+s31+$0x0], $0xffff  }
0x347: {  	v27 =	vadd.s32 v63, v27  }
0x348: {  	v12 =	vadd.s32 $0x40, v12  }
0x349: {  	v6 =	vld [tilespmem:$0x1FD40]  }
0x34a: {  	v1 =	vadd.s32 $0x40, v10;
	v10 =	vld [tilespmem:$0x1FD50];
	_ =	sdelay $0x4  }
0x34b: {  	v10 =	vcombine.low v6, v10;
	v6 =	vld [tilespmem:$0x1FEC0]  }
0x34c: {  	v1 =	vshll.u32 v1, $0x4;
	[tilespmem:v27+s22+$0x0] =	vst.idx.msk $0xffff, v25  }
0x34d: {  	v1 =	vor.u32 v39, v1;
	v2 =	vld.idx.msk [tilespmem:v12+s31+$0x0], $0xffff  }
0x34e: {  	v12 =	vld [tilespmem:$0x1FCD0];
	_ =	sdelay $0x3  }
0x34f: {  	v39 =	vand.u32 $0xF, v10;
	[tilespmem:v1+s22+$0x0] =	vst.idx.msk $0xffff, v2  }
0x350: {  	v2 =	vor.u32 v39, v12;
	v1 =	vld.idx.msk [tilespmem:v6+s31+$0x0], $0xffff  }
0x351: {  	v10 =	vadd.s32 $0x10, v6;
	_ =	sdelay $0x3  }
0x352: {  	[tilespmem:v2+s22+$0x0] =	vst.idx.msk $0xffff, v1  }
0x353: {  	v2 =	vadd.s32 v11, v12;
	v1 =	vld.idx.msk [tilespmem:v10+s31+$0x0], $0xffff  }
0x354: {  	v10 =	vadd.s32 $0x20, v6;
	_ =	sdelay $0x3  }
0x355: {  	[tilespmem:v2+s22+$0x0] =	vst.idx.msk $0xffff, v1  }
0x356: {  	v2 =	vadd.s32 v17, v12;
	v1 =	vld.idx.msk [tilespmem:v10+s31+$0x0], $0xffff  }
0x357: {  	v10 =	vadd.s32 $0x30, v6;
	_ =	sdelay $0x3  }
0x358: {  	[tilespmem:v2+s22+$0x0] =	vst.idx.msk $0xffff, v1  }
0x359: {  	v27 =	vadd.s32 v18, v12;
	v25 =	vld.idx.msk [tilespmem:v10+s31+$0x0], $0xffff  }
0x35a: {  	s28 =	simm.s32 $0x0;
	v12 =	vadd.s32 $0x40, v6;
	v10 =	vmov v46  }
.LBB2_27:
0x35b: {  	_ =	sdelay $0x1  }
0x35c: {  	s28 =	sadd.s32 $0x4, s28  }
0x35d: {  	v10 =	vadd.s32 $0x40, v10;
	p0 =	slt.u32 s28, $0x78;
	[tilespmem:v27+s22+$0x0] =	vst.idx.msk $0xffff, v25  }
0x35e: {  	v2 =	vshll.u32 v10, $0x4;
	v1 =	vld.idx.msk [tilespmem:v12+s31+$0x0], $0xffff  }
0x35f: {  	v25 =	vor.u32 v39, v2  }
0x360: {  	v27 =	vadd.s32 $0x10, v12;
	_ =	sdelay $0x3  }
0x361: {  	[tilespmem:v25+s22+$0x0] =	vst.idx.msk $0xffff, v1  }
0x362: {  	v1 =	vld.idx.msk [tilespmem:v27+s31+$0x0], $0xffff  }
0x363: {  	v25 =	vadd.s32 v11, v2  }
0x364: {  	v27 =	vadd.s32 $0x20, v12;
	_ =	sdelay $0x3  }
0x365: {  	[tilespmem:v25+s22+$0x0] =	vst.idx.msk $0xffff, v1  }
0x366: {  	v1 =	vld.idx.msk [tilespmem:v27+s31+$0x0], $0xffff  }
0x367: {  	v25 =	vadd.s32 v17, v2  }
0x368: {  	v27 =	vadd.s32 $0x30, v12;
	_ =	sdelay $0x2  }
.Ltmp14:
0x369: {  	(pc) =	sbr.rel @p0 .LBB2_27-.Ltmp14, $4  }
0x36a: {  	[tilespmem:v25+s22+$0x0] =	vst.idx.msk $0xffff, v1  }
0x36b: {  	v25 =	vld.idx.msk [tilespmem:v27+s31+$0x0], $0xffff  }
0x36c: {  	v27 =	vadd.s32 v18, v2  }
0x36d: {  	v12 =	vadd.s32 $0x40, v12  }
0x36e: {  	v6 =	vld [tilespmem:$0x1FD70]  }
0x36f: {  	v1 =	vadd.s32 $0x40, v10;
	v10 =	vld [tilespmem:$0x1FD80];
	_ =	sdelay $0x4  }
0x370: {  	v10 =	vcombine.low v6, v10;
	v6 =	vld [tilespmem:$0x1FF10]  }
0x371: {  	v1 =	vshll.u32 v1, $0x4;
	[tilespmem:v27+s22+$0x0] =	vst.idx.msk $0xffff, v25  }
0x372: {  	v1 =	vor.u32 v39, v1;
	v2 =	vld.idx.msk [tilespmem:v12+s31+$0x0], $0xffff  }
0x373: {  	v12 =	vld [tilespmem:$0x1FCD0];
	_ =	sdelay $0x3  }
0x374: {  	v39 =	vand.u32 $0xF, v10;
	[tilespmem:v1+s22+$0x0] =	vst.idx.msk $0xffff, v2  }
0x375: {  	v2 =	vor.u32 v39, v12;
	v1 =	vld.idx.msk [tilespmem:v6+s31+$0x0], $0xffff  }
0x376: {  	v10 =	vadd.s32 $0x10, v6;
	_ =	sdelay $0x3  }
0x377: {  	[tilespmem:v2+s22+$0x0] =	vst.idx.msk $0xffff, v1  }
0x378: {  	v2 =	vadd.s32 v26, v12;
	v1 =	vld.idx.msk [tilespmem:v10+s31+$0x0], $0xffff  }
0x379: {  	v10 =	vadd.s32 $0x20, v6;
	_ =	sdelay $0x3  }
0x37a: {  	[tilespmem:v2+s22+$0x0] =	vst.idx.msk $0xffff, v1  }
0x37b: {  	v2 =	vadd.s32 v31, v12;
	v1 =	vld.idx.msk [tilespmem:v10+s31+$0x0], $0xffff  }
0x37c: {  	v10 =	vadd.s32 $0x30, v6;
	_ =	sdelay $0x3  }
0x37d: {  	[tilespmem:v2+s22+$0x0] =	vst.idx.msk $0xffff, v1  }
0x37e: {  	v27 =	vadd.s32 v32, v12;
	v25 =	vld.idx.msk [tilespmem:v10+s31+$0x0], $0xffff  }
0x37f: {  	s28 =	simm.s32 $0x0;
	v12 =	vadd.s32 $0x40, v6;
	v10 =	vmov v46  }
.LBB2_29:
0x380: {  	_ =	sdelay $0x1  }
0x381: {  	s28 =	sadd.s32 $0x4, s28  }
0x382: {  	v10 =	vadd.s32 $0x40, v10;
	p0 =	slt.u32 s28, $0x78;
	[tilespmem:v27+s22+$0x0] =	vst.idx.msk $0xffff, v25  }
0x383: {  	v2 =	vshll.u32 v10, $0x4;
	v1 =	vld.idx.msk [tilespmem:v12+s31+$0x0], $0xffff  }
0x384: {  	v25 =	vor.u32 v39, v2  }
0x385: {  	v27 =	vadd.s32 $0x10, v12;
	_ =	sdelay $0x3  }
0x386: {  	[tilespmem:v25+s22+$0x0] =	vst.idx.msk $0xffff, v1  }
0x387: {  	v1 =	vld.idx.msk [tilespmem:v27+s31+$0x0], $0xffff  }
0x388: {  	v25 =	vadd.s32 v26, v2  }
0x389: {  	v27 =	vadd.s32 $0x20, v12;
	_ =	sdelay $0x3  }
0x38a: {  	[tilespmem:v25+s22+$0x0] =	vst.idx.msk $0xffff, v1  }
0x38b: {  	v1 =	vld.idx.msk [tilespmem:v27+s31+$0x0], $0xffff  }
0x38c: {  	v25 =	vadd.s32 v31, v2  }
0x38d: {  	v27 =	vadd.s32 $0x30, v12;
	_ =	sdelay $0x2  }
.Ltmp15:
0x38e: {  	(pc) =	sbr.rel @p0 .LBB2_29-.Ltmp15, $4  }
0x38f: {  	[tilespmem:v25+s22+$0x0] =	vst.idx.msk $0xffff, v1  }
0x390: {  	v25 =	vld.idx.msk [tilespmem:v27+s31+$0x0], $0xffff  }
0x391: {  	v27 =	vadd.s32 v32, v2  }
0x392: {  	v12 =	vadd.s32 $0x40, v12  }
0x393: {  	v6 =	vld [tilespmem:$0x1FDA0]  }
0x394: {  	v1 =	vadd.s32 $0x40, v10;
	v10 =	vld [tilespmem:$0x1FDB0];
	_ =	sdelay $0x4  }
0x395: {  	v10 =	vcombine.low v6, v10;
	v6 =	vld [tilespmem:$0x1FF50]  }
0x396: {  	v1 =	vshll.u32 v1, $0x4;
	[tilespmem:v27+s22+$0x0] =	vst.idx.msk $0xffff, v25  }
0x397: {  	v1 =	vor.u32 v39, v1;
	v2 =	vld.idx.msk [tilespmem:v12+s31+$0x0], $0xffff  }
0x398: {  	v12 =	vld [tilespmem:$0x1FCD0];
	_ =	sdelay $0x3  }
0x399: {  	v39 =	vand.u32 $0xF, v10;
	[tilespmem:v1+s22+$0x0] =	vst.idx.msk $0xffff, v2  }
0x39a: {  	v2 =	vor.u32 v39, v12;
	v1 =	vld.idx.msk [tilespmem:v6+s31+$0x0], $0xffff  }
0x39b: {  	v10 =	vadd.s32 $0x10, v6;
	_ =	sdelay $0x3  }
0x39c: {  	[tilespmem:v2+s22+$0x0] =	vst.idx.msk $0xffff, v1  }
0x39d: {  	v2 =	vadd.s32 v40, v12;
	v1 =	vld.idx.msk [tilespmem:v10+s31+$0x0], $0xffff  }
0x39e: {  	v10 =	vadd.s32 $0x20, v6;
	_ =	sdelay $0x3  }
0x39f: {  	[tilespmem:v2+s22+$0x0] =	vst.idx.msk $0xffff, v1  }
0x3a0: {  	v2 =	vadd.s32 v0, v12;
	v1 =	vld.idx.msk [tilespmem:v10+s31+$0x0], $0xffff  }
0x3a1: {  	v10 =	vadd.s32 $0x30, v6;
	_ =	sdelay $0x3  }
0x3a2: {  	[tilespmem:v2+s22+$0x0] =	vst.idx.msk $0xffff, v1  }
0x3a3: {  	v27 =	vadd.s32 v5, v12;
	v25 =	vld.idx.msk [tilespmem:v10+s31+$0x0], $0xffff  }
0x3a4: {  	s28 =	simm.s32 $0x0;
	v12 =	vadd.s32 $0x40, v6;
	v10 =	vmov v46  }
.LBB2_31:
0x3a5: {  	_ =	sdelay $0x1  }
0x3a6: {  	s28 =	sadd.s32 $0x4, s28  }
0x3a7: {  	v10 =	vadd.s32 $0x40, v10;
	p0 =	slt.u32 s28, $0x78;
	[tilespmem:v27+s22+$0x0] =	vst.idx.msk $0xffff, v25  }
0x3a8: {  	v2 =	vshll.u32 v10, $0x4;
	v1 =	vld.idx.msk [tilespmem:v12+s31+$0x0], $0xffff  }
0x3a9: {  	v25 =	vor.u32 v39, v2  }
0x3aa: {  	v27 =	vadd.s32 $0x10, v12;
	_ =	sdelay $0x3  }
0x3ab: {  	[tilespmem:v25+s22+$0x0] =	vst.idx.msk $0xffff, v1  }
0x3ac: {  	v1 =	vld.idx.msk [tilespmem:v27+s31+$0x0], $0xffff  }
0x3ad: {  	v25 =	vadd.s32 v40, v2  }
0x3ae: {  	v27 =	vadd.s32 $0x20, v12;
	_ =	sdelay $0x3  }
0x3af: {  	[tilespmem:v25+s22+$0x0] =	vst.idx.msk $0xffff, v1  }
0x3b0: {  	v1 =	vld.idx.msk [tilespmem:v27+s31+$0x0], $0xffff  }
0x3b1: {  	v25 =	vadd.s32 v0, v2  }
0x3b2: {  	v27 =	vadd.s32 $0x30, v12;
	_ =	sdelay $0x2  }
.Ltmp16:
0x3b3: {  	(pc) =	sbr.rel @p0 .LBB2_31-.Ltmp16, $4  }
0x3b4: {  	[tilespmem:v25+s22+$0x0] =	vst.idx.msk $0xffff, v1  }
0x3b5: {  	v25 =	vld.idx.msk [tilespmem:v27+s31+$0x0], $0xffff  }
0x3b6: {  	v27 =	vadd.s32 v5, v2  }
0x3b7: {  	v12 =	vadd.s32 $0x40, v12  }
0x3b8: {  	v6 =	vld [tilespmem:$0x1FE00]  }
0x3b9: {  	v1 =	vadd.s32 $0x40, v10;
	v10 =	vld [tilespmem:$0x1FE10];
	_ =	sdelay $0x4  }
0x3ba: {  	v10 =	vcombine.low v6, v10;
	v6 =	vld [tilespmem:$0x1FF90]  }
0x3bb: {  	v1 =	vshll.u32 v1, $0x4;
	[tilespmem:v27+s22+$0x0] =	vst.idx.msk $0xffff, v25  }
0x3bc: {  	v1 =	vor.u32 v39, v1;
	v2 =	vld.idx.msk [tilespmem:v12+s31+$0x0], $0xffff  }
0x3bd: {  	v12 =	vld [tilespmem:$0x1FCD0];
	_ =	sdelay $0x3  }
0x3be: {  	v39 =	vand.u32 $0xF, v10;
	[tilespmem:v1+s22+$0x0] =	vst.idx.msk $0xffff, v2  }
0x3bf: {  	v2 =	vor.u32 v39, v12;
	v1 =	vld.idx.msk [tilespmem:v6+s31+$0x0], $0xffff  }
0x3c0: {  	v10 =	vadd.s32 $0x10, v6;
	_ =	sdelay $0x3  }
0x3c1: {  	[tilespmem:v2+s22+$0x0] =	vst.idx.msk $0xffff, v1  }
0x3c2: {  	v2 =	vadd.s32 v20, v12;
	v1 =	vld.idx.msk [tilespmem:v10+s31+$0x0], $0xffff  }
0x3c3: {  	v10 =	vadd.s32 $0x20, v6;
	_ =	sdelay $0x3  }
0x3c4: {  	[tilespmem:v2+s22+$0x0] =	vst.idx.msk $0xffff, v1  }
0x3c5: {  	v2 =	vadd.s32 v34, v12;
	v1 =	vld.idx.msk [tilespmem:v10+s31+$0x0], $0xffff  }
0x3c6: {  	v10 =	vadd.s32 $0x30, v6;
	_ =	sdelay $0x3  }
0x3c7: {  	[tilespmem:v2+s22+$0x0] =	vst.idx.msk $0xffff, v1  }
0x3c8: {  	v25 =	vadd.s32 v41, v12;
	v10 =	vld.idx.msk [tilespmem:v10+s31+$0x0], $0xffff  }
0x3c9: {  	s28 =	simm.s32 $0x0;
	v12 =	vadd.s32 $0x40, v6  }
.LBB2_33:
0x3ca: {  	_ =	sdelay $0x1  }
0x3cb: {  	s28 =	sadd.s32 $0x4, s28  }
0x3cc: {  	v46 =	vadd.s32 $0x40, v46;
	p0 =	slt.u32 s28, $0x78;
	[tilespmem:v25+s22+$0x0] =	vst.idx.msk $0xffff, v10  }
0x3cd: {  	v2 =	vshll.u32 v46, $0x4;
	v1 =	vld.idx.msk [tilespmem:v12+s31+$0x0], $0xffff  }
0x3ce: {  	v10 =	vor.u32 v39, v2  }
0x3cf: {  	v25 =	vadd.s32 $0x10, v12;
	_ =	sdelay $0x3  }
0x3d0: {  	[tilespmem:v10+s22+$0x0] =	vst.idx.msk $0xffff, v1  }
0x3d1: {  	v1 =	vld.idx.msk [tilespmem:v25+s31+$0x0], $0xffff  }
0x3d2: {  	v10 =	vadd.s32 v20, v2  }
0x3d3: {  	v25 =	vadd.s32 $0x20, v12;
	_ =	sdelay $0x3  }
0x3d4: {  	[tilespmem:v10+s22+$0x0] =	vst.idx.msk $0xffff, v1  }
0x3d5: {  	v1 =	vld.idx.msk [tilespmem:v25+s31+$0x0], $0xffff  }
0x3d6: {  	v10 =	vadd.s32 v34, v2  }
0x3d7: {  	v25 =	vadd.s32 $0x30, v12;
	_ =	sdelay $0x2  }
.Ltmp17:
0x3d8: {  	(pc) =	sbr.rel @p0 .LBB2_33-.Ltmp17, $4  }
0x3d9: {  	[tilespmem:v10+s22+$0x0] =	vst.idx.msk $0xffff, v1  }
0x3da: {  	v10 =	vld.idx.msk [tilespmem:v25+s31+$0x0], $0xffff  }
0x3db: {  	v25 =	vadd.s32 v41, v2  }
0x3dc: {  	v12 =	vadd.s32 $0x40, v12  }
0x3dd: {  	_ =	sdelay $0x2  }
0x3de: {  	v1 =	vadd.s32 $0x40, v46  }
0x3df: {  	v1 =	vshll.u32 v1, $0x4;
	[tilespmem:v25+s22+$0x0] =	vst.idx.msk $0xffff, v10  }
0x3e0: {  	p0 =	seq.s32 s24, $0x4;
	v1 =	vor.u32 v39, v1;
	v2 =	vld.idx.msk [tilespmem:v12+s31+$0x0], $0xffff  }
.Ltmp18:
0x3e1: {  	_ = 	snop;
	(pc) =	sbr.rel @p0 .LBB2_36-.Ltmp18, $3  }
0x3e2: {  	s25 =	smul.u32 $0x1F400, s25  }
0x3e3: {  	s30 =	smul.u32 $0x1F40, s24;
	_ =	sdelay $0x1  }
0x3e4: {  	v6 =	vlaneseq.u32;
	s28 =	sshrl.u32 s25, $0x2;
	s25 =	sshra.s32 s30, $0x2;
	[tilespmem:v1+s22+$0x0] =	vst.idx.msk $0xffff, v2  }
0x3e5: {  	s30 =	smul.u32 $0x7D0, s24;
	_ =	sdelay $0x1  }
0x3e6: {  	s30 =	sadd.s32 s30, s29  }
0x3e7: {  	s30 =	sshrl.u32 s30, $0x3  }
0x3e8: {  	s26 =	sadd.s32 s4, s30  }
0x3e9: {  	[tilespmem:s31], [sflag:$0x1] =	stream.linear.gather [hbm4b:s26+s3], $0x7D0, $0x38;
	[tilespmem:$0x1C610] =	vst v63  }
0x3ea: {  	s2 =	simm.s32 $0x2EE0;
	s26 =	sadd.s32 s6, s30  }
0x3eb: {  	[tilespmem:s2], [sflag:$0x1] =	stream.linear.gather [hbm4b:s26+s3], $0x7D0, $0x38;
	[tilespmem:$0x1C610] =	vst v63  }
0x3ec: {  	s26 =	sadd.s32 s7, s30;
	s2 =	simm.s32 $0x36B0  }
0x3ed: {  	[tilespmem:s2], [sflag:$0x1] =	stream.linear.gather [hbm4b:s26+s3], $0x7D0, $0x38;
	[tilespmem:$0x1C610] =	vst v63  }
0x3ee: {  	s26 =	sadd.s32 s8, s30;
	s2 =	simm.s32 $0x3E80  }
0x3ef: {  	[tilespmem:s2], [sflag:$0x1] =	stream.linear.gather [hbm4b:s26+s3], $0x7D0, $0x38;
	[tilespmem:$0x1C610] =	vst v63  }
0x3f0: {  	s26 =	sadd.s32 s9, s30;
	s2 =	simm.s32 $0x4650  }
0x3f1: {  	[tilespmem:s2], [sflag:$0x1] =	stream.linear.gather [hbm4b:s26+s3], $0x7D0, $0x38;
	[tilespmem:$0x1C610] =	vst v63  }
0x3f2: {  	s26 =	sadd.s32 s10, s30;
	s2 =	simm.s32 $0x4E20  }
0x3f3: {  	[tilespmem:s2], [sflag:$0x1] =	stream.linear.gather [hbm4b:s26+s3], $0x7D0, $0x38;
	[tilespmem:$0x1C610] =	vst v63  }
0x3f4: {  	s26 =	sadd.s32 s11, s30;
	s2 =	simm.s32 $0x55F0  }
0x3f5: {  	[tilespmem:s2], [sflag:$0x1] =	stream.linear.gather [hbm4b:s26+s3], $0x7D0, $0x38;
	[tilespmem:$0x1C610] =	vst v63  }
0x3f6: {  	s26 =	sadd.s32 s12, s30;
	s2 =	simm.s32 $0x5DC0  }
0x3f7: {  	[tilespmem:s2], [sflag:$0x1] =	stream.linear.gather [hbm4b:s26+s3], $0x7D0, $0x38;
	[tilespmem:$0x1C610] =	vst v63  }
0x3f8: {  	s26 =	sadd.s32 s13, s30;
	s2 =	simm.s32 $0x6590  }
0x3f9: {  	[tilespmem:s2], [sflag:$0x1] =	stream.linear.gather [hbm4b:s26+s3], $0x7D0, $0x38;
	[tilespmem:$0x1C610] =	vst v63  }
0x3fa: {  	s26 =	sadd.s32 s14, s30;
	s2 =	simm.s32 $0x6D60  }
0x3fb: {  	[tilespmem:s2], [sflag:$0x1] =	stream.linear.gather [hbm4b:s26+s3], $0x7D0, $0x38;
	[tilespmem:$0x1C610] =	vst v63  }
0x3fc: {  	s26 =	sadd.s32 s15, s30;
	s2 =	simm.s32 $0x7530  }
0x3fd: {  	[tilespmem:s2], [sflag:$0x1] =	stream.linear.gather [hbm4b:s26+s3], $0x7D0, $0x38;
	[tilespmem:$0x1C610] =	vst v63  }
0x3fe: {  	s26 =	sadd.s32 s16, s30;
	s2 =	simm.s32 $0x7D00  }
0x3ff: {  	[tilespmem:s2], [sflag:$0x1] =	stream.linear.gather [hbm4b:s26+s3], $0x7D0, $0x38;
	[tilespmem:$0x1C610] =	vst v63  }
0x400: {  	s26 =	sadd.s32 s17, s30;
	s2 =	simm.s32 $0x84D0  }
0x401: {  	[tilespmem:s2], [sflag:$0x1] =	stream.linear.gather [hbm4b:s26+s3], $0x7D0, $0x38;
	[tilespmem:$0x1C610] =	vst v63  }
0x402: {  	s2 =	sadd.s32 s19, s30  }
0x403: {  	[tilespmem:s1], [sflag:$0x1] =	stream.linear.gather [hbm4b:s2+s3], $0x7D0, $0x38;
	[tilespmem:$0x1C610] =	vst v63  }
0x404: {  	s2 =	sadd.s32 s20, s30  }
0x405: {  	[tilespmem:s0], [sflag:$0x1] =	stream.linear.gather [hbm4b:s2+s3], $0x7D0, $0x38;
	[tilespmem:$0x1C610] =	vst v63  }
.Ltmp19:
0x406: {  	_ = 	snop;
	(pc) =	sbr.rel .LBB2_2-.Ltmp19, $4  }
0x407: {  	s30 =	sadd.s32 s21, s30  }
0x408: {  	[tilespmem:s5], [sflag:$0x1] =	stream.linear.gather [hbm4b:s30+s3], $0x7D0, $0x38;
	[tilespmem:$0x1C610] =	vst v63  }
0x409: {  	s24 =	sadd.s32 $0x1, s24;
	s2 =	sadd.s32 $0xA410, s28;
	s30 =	rddreg [dreg:$0x2]  }
0x40a: {  	[spmem:s30] =	stream.indirect.scatter.add.f32 [tilespmem:s2], [sflag:$0x2], $0x10, s25, s23, $0xb8;
	[tilespmem:$0x1C610] =	vst v63  }
.LBB2_37:
0x40b: {  	_ =	sfence.sel $0x180000  }
0x40c: {  	[bflag:$0x0] =	sbarrier.arrive $0xFFFF  }
0x40d: {  	_ =	strace $0x90000047  }
0x40e: {  	s0 =	stileid.u32;
	[bflag:$0x2] =	sbarrier.arrive $0xFFFF  }
0x40f: {  	p0 =	sne.s32 s0, $0x0;
	s0 =	rddreg [dreg:$0x3]  }
0x410: {  	s0 =	sadd.s32 @!p0 $0x100000, s0  }
0x411: {  	[sflag:s0] =	ssyncadd.tile.s32 @!p0 $0x1;
	_ =	shalt  }
.Lfunc_end2:
_tile_overlayer_lowered:
.L_overlay_start_2:
0x412: {  	(tag) =	ssettag $0x2  }
0x413: {  	s0 =	rddreg [dreg:$0x0];
	s2 =	stileid.u32  }
0x414: {  	s1 =	rddreg [dreg:$0x1];
	p0 =	sne.s32 s2, $0x0  }
0x415: {  	s3 =	rddreg [dreg:$0x2];
	[bflag:$0x3] =	sbarrier.arrive $0xFFFF;
	s2 =	simm.s32 @!p0 $0x1C03  }
0x416: {  	[timem:s3], [sflag:s2] =	dma.local @!p0 [hbm:s0], s1  }
0x417: {  	s0 =	simm.s32 @!p0 $0x3  }
0x418: {  	_ =	swait.ge @!p0 [sflag:s0], s1  }
0x419: {  	s1 =	ssub.s32 @!p0 $0x0, s1;
	[sflag:s0] =	ssyncset.done @!p0 $0x0  }
0x41a: {  	[sflag:s0] =	ssyncadd.s32 @!p0 s1  }
0x41b: {  	[bflag:$0x3] =	sbarrier.arrive $0xFFFF  }
0x41c: {  	_ =	shalt  }

</sc_bundles>
